<compile_context>
chip_gen: v7x
topology: tpu7x:2x2x1
jax: 0.10.2.dev20260603
libtpu: 0.0.44.dev20260713+nightly
codegen_flags: <defaults>
</compile_context>

<pallas_src>
import functools
import math

import jax
import jax.numpy as jnp
from jax import lax
from jax.experimental import pallas as pl
from jax.experimental.pallas import tpu as pltpu
from jax.experimental.pallas import tpu_sc as plsc

D_MODEL_K = 128
VOCAB_K = 100000
SCALE = math.sqrt(D_MODEL_K)

_info = plsc.get_sparse_core_info()
_NC, _NS, _L = _info.num_cores, _info.num_subcores, _info.num_lanes
_NW = _NC * _NS

_GROUP = 128
_NBUF = 5
_LA = 2


def _make_sc_gather(n_idx: int):
    assert n_idx % (_NW * _GROUP * _NBUF) == 0
    per_w = n_idx // _NW
    n_groups = per_w // _GROUP
    n_steps = n_groups // _NBUF

    mesh = plsc.VectorSubcoreMesh(core_axis_name="c", subcore_axis_name="s")

    @functools.partial(
        pl.kernel,
        mesh=mesh,
        out_type=jax.ShapeDtypeStruct((n_idx, D_MODEL_K), jnp.float32),
        scratch_types=[
            pltpu.VMEM((n_groups, _GROUP), jnp.int32),
            pltpu.VMEM((_NBUF, _GROUP, D_MODEL_K), jnp.float32),
        ] + [pltpu.SemaphoreType.DMA] * (2 * _NBUF),
    )
    def sc_gather(idx_hbm, table_hbm, out_hbm, idx_v, bufs, *sems):
        sin = sems[:_NBUF]
        sout = sems[_NBUF:]
        wid = lax.axis_index("s") * _NC + lax.axis_index("c")
        base = wid * per_w
        pltpu.sync_copy(idx_hbm.at[wid], idx_v)

        def in_start(g, b):
            pltpu.async_copy(table_hbm.at[idx_v.at[g]], bufs.at[b], sin[b])

        def in_wait(g, b):
            pltpu.make_async_copy(table_hbm.at[idx_v.at[g]], bufs.at[b],
                                  sin[b]).wait()

        def out_start(g, b):
            pltpu.async_copy(bufs.at[b],
                             out_hbm.at[pl.ds(base + g * _GROUP, _GROUP)],
                             sout[b])

        def out_wait(b):
            pltpu.make_async_copy(bufs.at[b],
                                  out_hbm.at[pl.ds(base, _GROUP)],
                                  sout[b]).wait()

        for j in range(_LA):
            in_start(j, j)

        def step_body(s, carry):
            for b in range(_NBUF):
                g = s * _NBUF + b
                nb = (b + _LA) % _NBUF

                @pl.when(g + _LA - _NBUF >= 0)
                def _():
                    out_wait(nb)

                @pl.when(g + _LA < n_groups)
                def _():
                    in_start(g + _LA, nb)

                in_wait(g, b)

                def row_body(r, c2):
                    for c in range(D_MODEL_K // _L):
                        sl = (b, r, pl.ds(c * _L, _L))
                        bufs[sl] = bufs[sl] * SCALE
                    return c2

                lax.fori_loop(0, _GROUP, row_body, 0, unroll=2)

                out_start(g, b)
            return carry

        lax.fori_loop(0, n_steps, step_body, 0, unroll=False)

        for j in range(_NBUF - _LA):
            out_wait((n_groups - (_NBUF - _LA) + j) % _NBUF)

    return sc_gather


def kernel(x, lut):
    b, s = x.shape
    n = b * s
    idx = x.reshape(_NW, n // (_NW * _GROUP), _GROUP).astype(jnp.int32)
    out = _make_sc_gather(n)(idx, lut)
    return out.reshape(b, s, D_MODEL_K)

# --- scband reference (transcript-rebuilt; emitter-appended) ---
"""Pipeline reference for scband-input-embeddings-90013924590335 (READ-ONLY COPY).

The authoritative reference and input builder live on the scoring server;
editing this copy changes nothing except your own understanding.
"""

import jax, jax.numpy as jnp
import numpy as np
import math

D_MODEL = 128
VOCAB = 100000

def setup_inputs(seed: int = 0) -> dict:
    key = jax.random.key(seed)
    k1, k2 = jax.random.split(key)
    x = jax.random.randint(k1, (4096, 50), 0, VOCAB, dtype=jnp.int64 if jax.config.jax_enable_x64 else jnp.int32)
    lut = jax.random.normal(k2, (VOCAB, D_MODEL), dtype=jnp.float32)
    return {"x": x, "lut": lut}

def reference(x, lut):
    # InputEmbeddings.forward: self.lut(x) * math.sqrt(self.d_model)
    emb = jnp.take(lut, x, axis=0)
    return emb * math.sqrt(D_MODEL)

if __name__ == "__main__":
    import jax
    _d = setup_inputs()
    print(jax.jit(kernel)(*tuple(_d.values())))

</pallas_src>

<mosaic_0001>
#map = affine_map<(d0, d1) -> (0, 0, 0)>
#map1 = affine_map<(d0, d1) -> (0, 0)>
module attributes {stable_mosaic.version = 14 : i64} {
  func.func @sc_gather(%arg0: i32, %arg1: i32, %arg2: memref<32x50x128xi32, #tpu.memory_space<hbm>>, %arg3: memref<100000x128xf32, #tpu.memory_space<hbm>>, %arg4: memref<204800x128xf32, #tpu.memory_space<hbm>>, %arg5: memref<50x128xi32, #tpu.memory_space<vmem>>, %arg6: memref<5x128x128xf32, #tpu.memory_space<vmem>>, %arg7: memref<!tpu.dma_semaphore, #tpu.memory_space<semaphore_mem>>, %arg8: memref<!tpu.dma_semaphore, #tpu.memory_space<semaphore_mem>>, %arg9: memref<!tpu.dma_semaphore, #tpu.memory_space<semaphore_mem>>, %arg10: memref<!tpu.dma_semaphore, #tpu.memory_space<semaphore_mem>>, %arg11: memref<!tpu.dma_semaphore, #tpu.memory_space<semaphore_mem>>, %arg12: memref<!tpu.dma_semaphore, #tpu.memory_space<semaphore_mem>>, %arg13: memref<!tpu.dma_semaphore, #tpu.memory_space<semaphore_mem>>, %arg14: memref<!tpu.dma_semaphore, #tpu.memory_space<semaphore_mem>>, %arg15: memref<!tpu.dma_semaphore, #tpu.memory_space<semaphore_mem>>, %arg16: memref<!tpu.dma_semaphore, #tpu.memory_space<semaphore_mem>>) attributes {dimension_semantics = [#tpu.dimension_semantics<core_parallel>, #tpu.dimension_semantics<subcore_parallel>], iteration_bounds = array<i64: 2, 16>, scalar_prefetch = 0 : i64, scratch_operands = 12 : i64, tpu.core_type = #tpu.core_type<sc_vector_subcore>, window_params = [{transform_indices = #map}, {transform_indices = #map1}, {transform_indices = #map1}]} {
    %mul3A = arith.constant 2 : i32
    %mul3A_0 = arith.muli %arg1, %mul3A : i32
    %add3A = arith.addi %mul3A_0, %arg0 : i32
    %mul3A_1 = arith.constant 6400 : i32
    %mul3A_2 = arith.muli %add3A, %mul3A_1 : i32
    "tpu.region"() ({
      %run_scoped3A = tpu.sem_alloc : memref<!tpu.dma_semaphore, #tpu.memory_space<semaphore_mem>>
      %dma_start3A_69 = arith.constant 0 : i32
      %dma_start3A_70 = arith.constant 0 : i32
      %dma_start3A_71 = tpu.memref_slice %arg2[%add3A, %dma_start3A_69, %dma_start3A_70] : memref<32x50x128xi32, #tpu.memory_space<hbm>> -> memref<1x50x128xi32, #tpu.memory_space<hbm>>
      %dma_start3A_72 = tpu.memref_squeeze %dma_start3A_71 : memref<1x50x128xi32, #tpu.memory_space<hbm>> -> memref<50x128xi32, #tpu.memory_space<hbm>>
      %dma_start3A_73 = arith.constant 0 : i32
      %dma_start3A_74 = arith.constant 0 : i32
      %dma_start3A_75 = tpu.memref_slice %arg2[%add3A, %dma_start3A_73, %dma_start3A_74] : memref<32x50x128xi32, #tpu.memory_space<hbm>> -> memref<1x50x128xi32, #tpu.memory_space<hbm>>
      %dma_start3A_76 = tpu.memref_squeeze %dma_start3A_75 : memref<1x50x128xi32, #tpu.memory_space<hbm>> -> memref<50x128xi32, #tpu.memory_space<hbm>>
      tpu.enqueue_dma source(%dma_start3A_76 : memref<50x128xi32, #tpu.memory_space<hbm>>) target(%arg5 : memref<50x128xi32, #tpu.memory_space<vmem>>) target_semaphore(%run_scoped3A : memref<!tpu.dma_semaphore, #tpu.memory_space<semaphore_mem>>)
      %dma_wait3A_77 = arith.constant 0 : i32
      %dma_wait3A_78 = arith.constant 0 : i32
      %dma_wait3A_79 = tpu.memref_slice %arg2[%add3A, %dma_wait3A_77, %dma_wait3A_78] : memref<32x50x128xi32, #tpu.memory_space<hbm>> -> memref<1x50x128xi32, #tpu.memory_space<hbm>>
      %dma_wait3A_80 = tpu.memref_squeeze %dma_wait3A_79 : memref<1x50x128xi32, #tpu.memory_space<hbm>> -> memref<50x128xi32, #tpu.memory_space<hbm>>
      %dma_wait3A_81 = arith.constant 0 : i32
      %dma_wait3A_82 = arith.constant 0 : i32
      %dma_wait3A_83 = tpu.memref_slice %arg2[%add3A, %dma_wait3A_81, %dma_wait3A_82] : memref<32x50x128xi32, #tpu.memory_space<hbm>> -> memref<1x50x128xi32, #tpu.memory_space<hbm>>
      %dma_wait3A_84 = tpu.memref_squeeze %dma_wait3A_83 : memref<1x50x128xi32, #tpu.memory_space<hbm>> -> memref<50x128xi32, #tpu.memory_space<hbm>>
      tpu.wait_dma2 semaphore(%run_scoped3A : memref<!tpu.dma_semaphore, #tpu.memory_space<semaphore_mem>>) src(%dma_wait3A_84 : memref<50x128xi32, #tpu.memory_space<hbm>>) dst(%arg5 : memref<50x128xi32, #tpu.memory_space<vmem>>)
      tpu.yield
    }) : () -> ()
    %dma_start3A = arith.constant 0 : i32
    %dma_start3A_3 = arith.constant 0 : i32
    %dma_start3A_4 = arith.constant 0 : i32
    %dma_start3A_5 = arith.constant 0 : i32
    %dma_start3A_6 = tpu.memref_slice %arg6[%dma_start3A_3, %dma_start3A_4, %dma_start3A_5] : memref<5x128x128xf32, #tpu.memory_space<vmem>> -> memref<1x128x128xf32, #tpu.memory_space<vmem>>
    %dma_start3A_7 = tpu.memref_squeeze %dma_start3A_6 : memref<1x128x128xf32, #tpu.memory_space<vmem>> -> memref<128x128xf32, #tpu.memory_space<vmem>>
    %dma_start3A_8 = arith.constant 0 : i32
    %dma_start3A_9 = tpu.memref_slice %arg5[%dma_start3A, %dma_start3A_8] : memref<50x128xi32, #tpu.memory_space<vmem>> -> memref<1x128xi32, #tpu.memory_space<vmem>>
    %dma_start3A_10 = tpu.memref_squeeze %dma_start3A_9 : memref<1x128xi32, #tpu.memory_space<vmem>> -> memref<128xi32, #tpu.memory_space<vmem>>
    %dma_start3A_11 = arith.constant 0 : i32
    %dma_start3A_12 = arith.constant 0 : i32
    %dma_start3A_13 = tpu.memref_slice %arg3[%dma_start3A_11, %dma_start3A_12] : memref<100000x128xf32, #tpu.memory_space<hbm>> -> memref<100000x128xf32, #tpu.memory_space<hbm>>
    tpu.enqueue_indirect_dma source(%dma_start3A_13 : memref<100000x128xf32, #tpu.memory_space<hbm>>) target(%dma_start3A_7 : memref<128x128xf32, #tpu.memory_space<vmem>>) offsets(%dma_start3A_10 : memref<128xi32, #tpu.memory_space<vmem>>) semaphore(%arg7 : memref<!tpu.dma_semaphore, #tpu.memory_space<semaphore_mem>>)
    %dma_start3A_14 = arith.constant 1 : i32
    %dma_start3A_15 = arith.constant 1 : i32
    %dma_start3A_16 = arith.constant 0 : i32
    %dma_start3A_17 = arith.constant 0 : i32
    %dma_start3A_18 = tpu.memref_slice %arg6[%dma_start3A_15, %dma_start3A_16, %dma_start3A_17] : memref<5x128x128xf32, #tpu.memory_space<vmem>> -> memref<1x128x128xf32, #tpu.memory_space<vmem>>
    %dma_start3A_19 = tpu.memref_squeeze %dma_start3A_18 : memref<1x128x128xf32, #tpu.memory_space<vmem>> -> memref<128x128xf32, #tpu.memory_space<vmem>>
    %dma_start3A_20 = arith.constant 0 : i32
    %dma_start3A_21 = tpu.memref_slice %arg5[%dma_start3A_14, %dma_start3A_20] : memref<50x128xi32, #tpu.memory_space<vmem>> -> memref<1x128xi32, #tpu.memory_space<vmem>>
    %dma_start3A_22 = tpu.memref_squeeze %dma_start3A_21 : memref<1x128xi32, #tpu.memory_space<vmem>> -> memref<128xi32, #tpu.memory_space<vmem>>
    %dma_start3A_23 = arith.constant 0 : i32
    %dma_start3A_24 = arith.constant 0 : i32
    %dma_start3A_25 = tpu.memref_slice %arg3[%dma_start3A_23, %dma_start3A_24] : memref<100000x128xf32, #tpu.memory_space<hbm>> -> memref<100000x128xf32, #tpu.memory_space<hbm>>
    tpu.enqueue_indirect_dma source(%dma_start3A_25 : memref<100000x128xf32, #tpu.memory_space<hbm>>) target(%dma_start3A_19 : memref<128x128xf32, #tpu.memory_space<vmem>>) offsets(%dma_start3A_22 : memref<128xi32, #tpu.memory_space<vmem>>) semaphore(%arg8 : memref<!tpu.dma_semaphore, #tpu.memory_space<semaphore_mem>>)
    %scan3A = arith.constant 0 : i32
    %scan3A_26 = arith.constant 0 : i32
    %scan3A_27 = arith.constant 10 : i32
    %scan3A_28 = arith.addi %scan3A_26, %scan3A_27 : i32
    %scan3A_29 = arith.constant 1 : i32
    scf.for %scan3A_69 = %scan3A_26 to %scan3A_28 step %scan3A_29  : i32 {
      %mul3A_70 = arith.constant 5 : i32
      %mul3A_71 = arith.muli %scan3A_69, %mul3A_70 : i32
      %add3A_72 = arith.constant 0 : i32
      %add3A_73 = arith.addi %mul3A_71, %add3A_72 : i32
      %add3A_74 = arith.constant 2 : i32
      %add3A_75 = arith.addi %add3A_73, %add3A_74 : i32
      %sub3A = arith.constant 5 : i32
      %sub3A_76 = arith.subi %add3A_75, %sub3A : i32
      %ge3A = arith.constant 0 : i32
      %ge3A_77 = arith.cmpi sge, %sub3A_76, %ge3A : i32
      %convert_element_type3A = arith.extui %ge3A_77 : i1 to i32
      %cond3A = arith.constant 0 : i32
      %cond3A_78 = arith.cmpi ne, %convert_element_type3A, %cond3A : i32
      scf.if %cond3A_78 {
        %dma_wait3A_330 = arith.constant 2 : i32
        %dma_wait3A_331 = arith.constant 0 : i32
        %dma_wait3A_332 = arith.constant 0 : i32
        %dma_wait3A_333 = tpu.memref_slice %arg6[%dma_wait3A_330, %dma_wait3A_331, %dma_wait3A_332] : memref<5x128x128xf32, #tpu.memory_space<vmem>> -> memref<1x128x128xf32, #tpu.memory_space<vmem>>
        %dma_wait3A_334 = tpu.memref_squeeze %dma_wait3A_333 : memref<1x128x128xf32, #tpu.memory_space<vmem>> -> memref<128x128xf32, #tpu.memory_space<vmem>>
        %dma_wait3A_335 = arith.constant 0 : i32
        %dma_wait3A_336 = tpu.memref_slice %arg4[%mul3A_2, %dma_wait3A_335] : memref<204800x128xf32, #tpu.memory_space<hbm>> -> memref<128x128xf32, #tpu.memory_space<hbm>>
        %dma_wait3A_337 = arith.constant 0 : i32
        %dma_wait3A_338 = tpu.memref_slice %arg4[%mul3A_2, %dma_wait3A_337] : memref<204800x128xf32, #tpu.memory_space<hbm>> -> memref<128x128xf32, #tpu.memory_space<hbm>>
        %dma_wait3A_339 = arith.constant 0 : i32
        %dma_wait3A_340 = arith.constant 0 : i32
        %dma_wait3A_341 = tpu.memref_slice %arg6[%dma_wait3A_330, %dma_wait3A_339, %dma_wait3A_340] : memref<5x128x128xf32, #tpu.memory_space<vmem>> -> memref<1x128x128xf32, #tpu.memory_space<vmem>>
        %dma_wait3A_342 = tpu.memref_squeeze %dma_wait3A_341 : memref<1x128x128xf32, #tpu.memory_space<vmem>> -> memref<128x128xf32, #tpu.memory_space<vmem>>
        tpu.wait_dma2 semaphore(%arg14 : memref<!tpu.dma_semaphore, #tpu.memory_space<semaphore_mem>>) src(%dma_wait3A_342 : memref<128x128xf32, #tpu.memory_space<vmem>>) dst(%dma_wait3A_338 : memref<128x128xf32, #tpu.memory_space<hbm>>)
      } else {
      }
      %add3A_79 = arith.constant 2 : i32
      %add3A_80 = arith.addi %add3A_73, %add3A_79 : i32
      %lt3A = arith.constant 50 : i32
      %lt3A_81 = arith.cmpi slt, %add3A_80, %lt3A : i32
      %convert_element_type3A_82 = arith.extui %lt3A_81 : i1 to i32
      %cond3A_83 = arith.constant 0 : i32
      %cond3A_84 = arith.cmpi ne, %convert_element_type3A_82, %cond3A_83 : i32
      scf.if %cond3A_84 {
        %add3A_330 = arith.constant 2 : i32
        %add3A_331 = arith.addi %add3A_73, %add3A_330 : i32
        %dma_start3A_332 = arith.constant 2 : i32
        %dma_start3A_333 = arith.constant 0 : i32
        %dma_start3A_334 = arith.constant 0 : i32
        %dma_start3A_335 = tpu.memref_slice %arg6[%dma_start3A_332, %dma_start3A_333, %dma_start3A_334] : memref<5x128x128xf32, #tpu.memory_space<vmem>> -> memref<1x128x128xf32, #tpu.memory_space<vmem>>
        %dma_start3A_336 = tpu.memref_squeeze %dma_start3A_335 : memref<1x128x128xf32, #tpu.memory_space<vmem>> -> memref<128x128xf32, #tpu.memory_space<vmem>>
        %dma_start3A_337 = arith.constant 0 : i32
        %dma_start3A_338 = tpu.memref_slice %arg5[%add3A_331, %dma_start3A_337] : memref<50x128xi32, #tpu.memory_space<vmem>> -> memref<1x128xi32, #tpu.memory_space<vmem>>
        %dma_start3A_339 = tpu.memref_squeeze %dma_start3A_338 : memref<1x128xi32, #tpu.memory_space<vmem>> -> memref<128xi32, #tpu.memory_space<vmem>>
        %dma_start3A_340 = arith.constant 0 : i32
        %dma_start3A_341 = arith.constant 0 : i32
        %dma_start3A_342 = tpu.memref_slice %arg3[%dma_start3A_340, %dma_start3A_341] : memref<100000x128xf32, #tpu.memory_space<hbm>> -> memref<100000x128xf32, #tpu.memory_space<hbm>>
        tpu.enqueue_indirect_dma source(%dma_start3A_342 : memref<100000x128xf32, #tpu.memory_space<hbm>>) target(%dma_start3A_336 : memref<128x128xf32, #tpu.memory_space<vmem>>) offsets(%dma_start3A_339 : memref<128xi32, #tpu.memory_space<vmem>>) semaphore(%arg9 : memref<!tpu.dma_semaphore, #tpu.memory_space<semaphore_mem>>)
      } else {
      }
      %dma_wait3A_85 = arith.constant 0 : i32
      %dma_wait3A_86 = arith.constant 0 : i32
      %dma_wait3A_87 = arith.constant 0 : i32
      %dma_wait3A_88 = tpu.memref_slice %arg6[%dma_wait3A_85, %dma_wait3A_86, %dma_wait3A_87] : memref<5x128x128xf32, #tpu.memory_space<vmem>> -> memref<1x128x128xf32, #tpu.memory_space<vmem>>
      %dma_wait3A_89 = tpu.memref_squeeze %dma_wait3A_88 : memref<1x128x128xf32, #tpu.memory_space<vmem>> -> memref<128x128xf32, #tpu.memory_space<vmem>>
      %dma_wait3A_90 = arith.constant 0 : i32
      %dma_wait3A_91 = tpu.memref_slice %arg5[%add3A_73, %dma_wait3A_90] : memref<50x128xi32, #tpu.memory_space<vmem>> -> memref<1x128xi32, #tpu.memory_space<vmem>>
      %dma_wait3A_92 = tpu.memref_squeeze %dma_wait3A_91 : memref<1x128xi32, #tpu.memory_space<vmem>> -> memref<128xi32, #tpu.memory_space<vmem>>
      %dma_wait3A_93 = arith.constant 0 : i32
      %dma_wait3A_94 = arith.constant 0 : i32
      %dma_wait3A_95 = tpu.memref_slice %arg3[%dma_wait3A_93, %dma_wait3A_94] : memref<100000x128xf32, #tpu.memory_space<hbm>> -> memref<100000x128xf32, #tpu.memory_space<hbm>>
      tpu.wait_indirect_dma semaphore(%arg7 : memref<!tpu.dma_semaphore, #tpu.memory_space<semaphore_mem>>) src(%dma_wait3A_95 : memref<100000x128xf32, #tpu.memory_space<hbm>>) dst(%dma_wait3A_89 : memref<128x128xf32, #tpu.memory_space<vmem>>)
      %scan3A_96 = arith.constant 0 : i32
      %scan3A_97 = arith.constant 0 : i32
      %scan3A_98 = arith.constant 128 : i32
      %scan3A_99 = arith.addi %scan3A_97, %scan3A_98 : i32
      %scan3A_100 = arith.constant 2 : i32
      scf.for %scan3A_330 = %scan3A_97 to %scan3A_99 step %scan3A_100  : i32 {
        %get3A = arith.constant 0 : i32
        %get3A_331 = arith.index_cast %get3A : i32 to index
        %get3A_332 = arith.index_cast %scan3A_330 : i32 to index
        %get3A_333 = arith.constant 0 : index
        %get3A_334 = tpu.vector_load %arg6[%get3A_331, %get3A_332, %get3A_333] {strides = array<i32>} : memref<5x128x128xf32, #tpu.memory_space<vmem>>, vector<1x1x16xf32>,
        %get3A_335 = vector.shape_cast %get3A_334 : vector<1x1x16xf32> to vector<16xf32>
        %mul3A_336 = arith.constant 11.3137083 : f32
        %mul3A_337 = vector.broadcast %mul3A_336 : f32 to vector<16xf32>
        %mul3A_338 = arith.mulf %get3A_335, %mul3A_337 : vector<16xf32>
        %swap3A = arith.constant 0 : i32
        %swap3A_339 = arith.index_cast %swap3A : i32 to index
        %swap3A_340 = arith.index_cast %scan3A_330 : i32 to index
        %swap3A_341 = arith.constant 0 : index
        %swap3A_342 = tpu.vector_load %arg6[%swap3A_339, %swap3A_340, %swap3A_341] {strides = array<i32>} : memref<5x128x128xf32, #tpu.memory_space<vmem>>, vector<1x1x16xf32>,
        %swap3A_343 = vector.shape_cast %swap3A_342 : vector<1x1x16xf32> to vector<16xf32>
        %swap3A_344 = vector.shape_cast %mul3A_338 : vector<16xf32> to vector<1x1x16xf32>
        tpu.vector_store %arg6[%swap3A_339, %swap3A_340, %swap3A_341], %swap3A_344 {strides = array<i32>} : memref<5x128x128xf32, #tpu.memory_space<vmem>>, vector<1x1x16xf32>,
        %get3A_345 = arith.constant 0 : i32
        %get3A_346 = arith.index_cast %get3A_345 : i32 to index
        %get3A_347 = arith.index_cast %scan3A_330 : i32 to index
        %get3A_348 = arith.constant 16 : index
        %get3A_349 = tpu.vector_load %arg6[%get3A_346, %get3A_347, %get3A_348] {strides = array<i32>} : memref<5x128x128xf32, #tpu.memory_space<vmem>>, vector<1x1x16xf32>,
        %get3A_350 = vector.shape_cast %get3A_349 : vector<1x1x16xf32> to vector<16xf32>
        %mul3A_351 = arith.constant 11.3137083 : f32
        %mul3A_352 = vector.broadcast %mul3A_351 : f32 to vector<16xf32>
        %mul3A_353 = arith.mulf %get3A_350, %mul3A_352 : vector<16xf32>
        %swap3A_354 = arith.constant 0 : i32
        %swap3A_355 = arith.index_cast %swap3A_354 : i32 to index
        %swap3A_356 = arith.index_cast %scan3A_330 : i32 to index
        %swap3A_357 = arith.constant 16 : index
        %swap3A_358 = tpu.vector_load %arg6[%swap3A_355, %swap3A_356, %swap3A_357] {strides = array<i32>} : memref<5x128x128xf32, #tpu.memory_space<vmem>>, vector<1x1x16xf32>,
        %swap3A_359 = vector.shape_cast %swap3A_358 : vector<1x1x16xf32> to vector<16xf32>
        %swap3A_360 = vector.shape_cast %mul3A_353 : vector<16xf32> to vector<1x1x16xf32>
        tpu.vector_store %arg6[%swap3A_355, %swap3A_356, %swap3A_357], %swap3A_360 {strides = array<i32>} : memref<5x128x128xf32, #tpu.memory_space<vmem>>, vector<1x1x16xf32>,
        %get3A_361 = arith.constant 0 : i32
        %get3A_362 = arith.index_cast %get3A_361 : i32 to index
        %get3A_363 = arith.index_cast %scan3A_330 : i32 to index
        %get3A_364 = arith.constant 32 : index
        %get3A_365 = tpu.vector_load %arg6[%get3A_362, %get3A_363, %get3A_364] {strides = array<i32>} : memref<5x128x128xf32, #tpu.memory_space<vmem>>, vector<1x1x16xf32>,
        %get3A_366 = vector.shape_cast %get3A_365 : vector<1x1x16xf32> to vector<16xf32>
        %mul3A_367 = arith.constant 11.3137083 : f32
        %mul3A_368 = vector.broadcast %mul3A_367 : f32 to vector<16xf32>
        %mul3A_369 = arith.mulf %get3A_366, %mul3A_368 : vector<16xf32>
        %swap3A_370 = arith.constant 0 : i32
        %swap3A_371 = arith.index_cast %swap3A_370 : i32 to index
        %swap3A_372 = arith.index_cast %scan3A_330 : i32 to index
        %swap3A_373 = arith.constant 32 : index
        %swap3A_374 = tpu.vector_load %arg6[%swap3A_371, %swap3A_372, %swap3A_373] {strides = array<i32>} : memref<5x128x128xf32, #tpu.memory_space<vmem>>, vector<1x1x16xf32>,
        %swap3A_375 = vector.shape_cast %swap3A_374 : vector<1x1x16xf32> to vector<16xf32>
        %swap3A_376 = vector.shape_cast %mul3A_369 : vector<16xf32> to vector<1x1x16xf32>
        tpu.vector_store %arg6[%swap3A_371, %swap3A_372, %swap3A_373], %swap3A_376 {strides = array<i32>} : memref<5x128x128xf32, #tpu.memory_space<vmem>>, vector<1x1x16xf32>,
        %get3A_377 = arith.constant 0 : i32
        %get3A_378 = arith.index_cast %get3A_377 : i32 to index
        %get3A_379 = arith.index_cast %scan3A_330 : i32 to index
        %get3A_380 = arith.constant 48 : index
        %get3A_381 = tpu.vector_load %arg6[%get3A_378, %get3A_379, %get3A_380] {strides = array<i32>} : memref<5x128x128xf32, #tpu.memory_space<vmem>>, vector<1x1x16xf32>,
        %get3A_382 = vector.shape_cast %get3A_381 : vector<1x1x16xf32> to vector<16xf32>
        %mul3A_383 = arith.constant 11.3137083 : f32
        %mul3A_384 = vector.broadcast %mul3A_383 : f32 to vector<16xf32>
        %mul3A_385 = arith.mulf %get3A_382, %mul3A_384 : vector<16xf32>
        %swap3A_386 = arith.constant 0 : i32
        %swap3A_387 = arith.index_cast %swap3A_386 : i32 to index
        %swap3A_388 = arith.index_cast %scan3A_330 : i32 to index
        %swap3A_389 = arith.constant 48 : index
        %swap3A_390 = tpu.vector_load %arg6[%swap3A_387, %swap3A_388, %swap3A_389] {strides = array<i32>} : memref<5x128x128xf32, #tpu.memory_space<vmem>>, vector<1x1x16xf32>,
        %swap3A_391 = vector.shape_cast %swap3A_390 : vector<1x1x16xf32> to vector<16xf32>
        %swap3A_392 = vector.shape_cast %mul3A_385 : vector<16xf32> to vector<1x1x16xf32>
        tpu.vector_store %arg6[%swap3A_387, %swap3A_388, %swap3A_389], %swap3A_392 {strides = array<i32>} : memref<5x128x128xf32, #tpu.memory_space<vmem>>, vector<1x1x16xf32>,
        %get3A_393 = arith.constant 0 : i32
        %get3A_394 = arith.index_cast %get3A_393 : i32 to index
        %get3A_395 = arith.index_cast %scan3A_330 : i32 to index
        %get3A_396 = arith.constant 64 : index
        %get3A_397 = tpu.vector_load %arg6[%get3A_394, %get3A_395, %get3A_396] {strides = array<i32>} : memref<5x128x128xf32, #tpu.memory_space<vmem>>, vector<1x1x16xf32>,
        %get3A_398 = vector.shape_cast %get3A_397 : vector<1x1x16xf32> to vector<16xf32>
        %mul3A_399 = arith.constant 11.3137083 : f32
        %mul3A_400 = vector.broadcast %mul3A_399 : f32 to vector<16xf32>
        %mul3A_401 = arith.mulf %get3A_398, %mul3A_400 : vector<16xf32>
        %swap3A_402 = arith.constant 0 : i32
        %swap3A_403 = arith.index_cast %swap3A_402 : i32 to index
        %swap3A_404 = arith.index_cast %scan3A_330 : i32 to index
        %swap3A_405 = arith.constant 64 : index
        %swap3A_406 = tpu.vector_load %arg6[%swap3A_403, %swap3A_404, %swap3A_405] {strides = array<i32>} : memref<5x128x128xf32, #tpu.memory_space<vmem>>, vector<1x1x16xf32>,
        %swap3A_407 = vector.shape_cast %swap3A_406 : vector<1x1x16xf32> to vector<16xf32>
        %swap3A_408 = vector.shape_cast %mul3A_401 : vector<16xf32> to vector<1x1x16xf32>
        tpu.vector_store %arg6[%swap3A_403, %swap3A_404, %swap3A_405], %swap3A_408 {strides = array<i32>} : memref<5x128x128xf32, #tpu.memory_space<vmem>>, vector<1x1x16xf32>,
        %get3A_409 = arith.constant 0 : i32
        %get3A_410 = arith.index_cast %get3A_409 : i32 to index
        %get3A_411 = arith.index_cast %scan3A_330 : i32 to index
        %get3A_412 = arith.constant 80 : index
        %get3A_413 = tpu.vector_load %arg6[%get3A_410, %get3A_411, %get3A_412] {strides = array<i32>} : memref<5x128x128xf32, #tpu.memory_space<vmem>>, vector<1x1x16xf32>,
        %get3A_414 = vector.shape_cast %get3A_413 : vector<1x1x16xf32> to vector<16xf32>
        %mul3A_415 = arith.constant 11.3137083 : f32
        %mul3A_416 = vector.broadcast %mul3A_415 : f32 to vector<16xf32>
        %mul3A_417 = arith.mulf %get3A_414, %mul3A_416 : vector<16xf32>
        %swap3A_418 = arith.constant 0 : i32
        %swap3A_419 = arith.index_cast %swap3A_418 : i32 to index
        %swap3A_420 = arith.index_cast %scan3A_330 : i32 to index
        %swap3A_421 = arith.constant 80 : index
        %swap3A_422 = tpu.vector_load %arg6[%swap3A_419, %swap3A_420, %swap3A_421] {strides = array<i32>} : memref<5x128x128xf32, #tpu.memory_space<vmem>>, vector<1x1x16xf32>,
        %swap3A_423 = vector.shape_cast %swap3A_422 : vector<1x1x16xf32> to vector<16xf32>
        %swap3A_424 = vector.shape_cast %mul3A_417 : vector<16xf32> to vector<1x1x16xf32>
        tpu.vector_store %arg6[%swap3A_419, %swap3A_420, %swap3A_421], %swap3A_424 {strides = array<i32>} : memref<5x128x128xf32, #tpu.memory_space<vmem>>, vector<1x1x16xf32>,
        %get3A_425 = arith.constant 0 : i32
        %get3A_426 = arith.index_cast %get3A_425 : i32 to index
        %get3A_427 = arith.index_cast %scan3A_330 : i32 to index
        %get3A_428 = arith.constant 96 : index
        %get3A_429 = tpu.vector_load %arg6[%get3A_426, %get3A_427, %get3A_428] {strides = array<i32>} : memref<5x128x128xf32, #tpu.memory_space<vmem>>, vector<1x1x16xf32>,
        %get3A_430 = vector.shape_cast %get3A_429 : vector<1x1x16xf32> to vector<16xf32>
        %mul3A_431 = arith.constant 11.3137083 : f32
        %mul3A_432 = vector.broadcast %mul3A_431 : f32 to vector<16xf32>
        %mul3A_433 = arith.mulf %get3A_430, %mul3A_432 : vector<16xf32>
        %swap3A_434 = arith.constant 0 : i32
        %swap3A_435 = arith.index_cast %swap3A_434 : i32 to index
        %swap3A_436 = arith.index_cast %scan3A_330 : i32 to index
        %swap3A_437 = arith.constant 96 : index
        %swap3A_438 = tpu.vector_load %arg6[%swap3A_435, %swap3A_436, %swap3A_437] {strides = array<i32>} : memref<5x128x128xf32, #tpu.memory_space<vmem>>, vector<1x1x16xf32>,
        %swap3A_439 = vector.shape_cast %swap3A_438 : vector<1x1x16xf32> to vector<16xf32>
        %swap3A_440 = vector.shape_cast %mul3A_433 : vector<16xf32> to vector<1x1x16xf32>
        tpu.vector_store %arg6[%swap3A_435, %swap3A_436, %swap3A_437], %swap3A_440 {strides = array<i32>} : memref<5x128x128xf32, #tpu.memory_space<vmem>>, vector<1x1x16xf32>,
        %get3A_441 = arith.constant 0 : i32
        %get3A_442 = arith.index_cast %get3A_441 : i32 to index
        %get3A_443 = arith.index_cast %scan3A_330 : i32 to index
        %get3A_444 = arith.constant 112 : index
        %get3A_445 = tpu.vector_load %arg6[%get3A_442, %get3A_443, %get3A_444] {strides = array<i32>} : memref<5x128x128xf32, #tpu.memory_space<vmem>>, vector<1x1x16xf32>,
        %get3A_446 = vector.shape_cast %get3A_445 : vector<1x1x16xf32> to vector<16xf32>
        %mul3A_447 = arith.constant 11.3137083 : f32
        %mul3A_448 = vector.broadcast %mul3A_447 : f32 to vector<16xf32>
        %mul3A_449 = arith.mulf %get3A_446, %mul3A_448 : vector<16xf32>
        %swap3A_450 = arith.constant 0 : i32
        %swap3A_451 = arith.index_cast %swap3A_450 : i32 to index
        %swap3A_452 = arith.index_cast %scan3A_330 : i32 to index
        %swap3A_453 = arith.constant 112 : index
        %swap3A_454 = tpu.vector_load %arg6[%swap3A_451, %swap3A_452, %swap3A_453] {strides = array<i32>} : memref<5x128x128xf32, #tpu.memory_space<vmem>>, vector<1x1x16xf32>,
        %swap3A_455 = vector.shape_cast %swap3A_454 : vector<1x1x16xf32> to vector<16xf32>
        %swap3A_456 = vector.shape_cast %mul3A_449 : vector<16xf32> to vector<1x1x16xf32>
        tpu.vector_store %arg6[%swap3A_451, %swap3A_452, %swap3A_453], %swap3A_456 {strides = array<i32>} : memref<5x128x128xf32, #tpu.memory_space<vmem>>, vector<1x1x16xf32>,
        %scan3A_457 = arith.constant 1 : i32
        %scan3A_458 = arith.addi %scan3A_330, %scan3A_457 : i32
        %get3A_459 = arith.constant 0 : i32
        %get3A_460 = arith.index_cast %get3A_459 : i32 to index
        %get3A_461 = arith.index_cast %scan3A_458 : i32 to index
        %get3A_462 = arith.constant 0 : index
        %get3A_463 = tpu.vector_load %arg6[%get3A_460, %get3A_461, %get3A_462] {strides = array<i32>} : memref<5x128x128xf32, #tpu.memory_space<vmem>>, vector<1x1x16xf32>,
        %get3A_464 = vector.shape_cast %get3A_463 : vector<1x1x16xf32> to vector<16xf32>
        %mul3A_465 = arith.constant 11.3137083 : f32
        %mul3A_466 = vector.broadcast %mul3A_465 : f32 to vector<16xf32>
        %mul3A_467 = arith.mulf %get3A_464, %mul3A_466 : vector<16xf32>
        %swap3A_468 = arith.constant 0 : i32
        %swap3A_469 = arith.index_cast %swap3A_468 : i32 to index
        %swap3A_470 = arith.index_cast %scan3A_458 : i32 to index
        %swap3A_471 = arith.constant 0 : index
        %swap3A_472 = tpu.vector_load %arg6[%swap3A_469, %swap3A_470, %swap3A_471] {strides = array<i32>} : memref<5x128x128xf32, #tpu.memory_space<vmem>>, vector<1x1x16xf32>,
        %swap3A_473 = vector.shape_cast %swap3A_472 : vector<1x1x16xf32> to vector<16xf32>
        %swap3A_474 = vector.shape_cast %mul3A_467 : vector<16xf32> to vector<1x1x16xf32>
        tpu.vector_store %arg6[%swap3A_469, %swap3A_470, %swap3A_471], %swap3A_474 {strides = array<i32>} : memref<5x128x128xf32, #tpu.memory_space<vmem>>, vector<1x1x16xf32>,
        %get3A_475 = arith.constant 0 : i32
        %get3A_476 = arith.index_cast %get3A_475 : i32 to index
        %get3A_477 = arith.index_cast %scan3A_458 : i32 to index
        %get3A_478 = arith.constant 16 : index
        %get3A_479 = tpu.vector_load %arg6[%get3A_476, %get3A_477, %get3A_478] {strides = array<i32>} : memref<5x128x128xf32, #tpu.memory_space<vmem>>, vector<1x1x16xf32>,
        %get3A_480 = vector.shape_cast %get3A_479 : vector<1x1x16xf32> to vector<16xf32>
        %mul3A_481 = arith.constant 11.3137083 : f32
        %mul3A_482 = vector.broadcast %mul3A_481 : f32 to vector<16xf32>
        %mul3A_483 = arith.mulf %get3A_480, %mul3A_482 : vector<16xf32>
        %swap3A_484 = arith.constant 0 : i32
        %swap3A_485 = arith.index_cast %swap3A_484 : i32 to index
        %swap3A_486 = arith.index_cast %scan3A_458 : i32 to index
        %swap3A_487 = arith.constant 16 : index
        %swap3A_488 = tpu.vector_load %arg6[%swap3A_485, %swap3A_486, %swap3A_487] {strides = array<i32>} : memref<5x128x128xf32, #tpu.memory_space<vmem>>, vector<1x1x16xf32>,
        %swap3A_489 = vector.shape_cast %swap3A_488 : vector<1x1x16xf32> to vector<16xf32>
        %swap3A_490 = vector.shape_cast %mul3A_483 : vector<16xf32> to vector<1x1x16xf32>
        tpu.vector_store %arg6[%swap3A_485, %swap3A_486, %swap3A_487], %swap3A_490 {strides = array<i32>} : memref<5x128x128xf32, #tpu.memory_space<vmem>>, vector<1x1x16xf32>,
        %get3A_491 = arith.constant 0 : i32
        %get3A_492 = arith.index_cast %get3A_491 : i32 to index
        %get3A_493 = arith.index_cast %scan3A_458 : i32 to index
        %get3A_494 = arith.constant 32 : index
        %get3A_495 = tpu.vector_load %arg6[%get3A_492, %get3A_493, %get3A_494] {strides = array<i32>} : memref<5x128x128xf32, #tpu.memory_space<vmem>>, vector<1x1x16xf32>,
        %get3A_496 = vector.shape_cast %get3A_495 : vector<1x1x16xf32> to vector<16xf32>
        %mul3A_497 = arith.constant 11.3137083 : f32
        %mul3A_498 = vector.broadcast %mul3A_497 : f32 to vector<16xf32>
        %mul3A_499 = arith.mulf %get3A_496, %mul3A_498 : vector<16xf32>
        %swap3A_500 = arith.constant 0 : i32
        %swap3A_501 = arith.index_cast %swap3A_500 : i32 to index
        %swap3A_502 = arith.index_cast %scan3A_458 : i32 to index
        %swap3A_503 = arith.constant 32 : index
        %swap3A_504 = tpu.vector_load %arg6[%swap3A_501, %swap3A_502, %swap3A_503] {strides = array<i32>} : memref<5x128x128xf32, #tpu.memory_space<vmem>>, vector<1x1x16xf32>,
        %swap3A_505 = vector.shape_cast %swap3A_504 : vector<1x1x16xf32> to vector<16xf32>
        %swap3A_506 = vector.shape_cast %mul3A_499 : vector<16xf32> to vector<1x1x16xf32>
        tpu.vector_store %arg6[%swap3A_501, %swap3A_502, %swap3A_503], %swap3A_506 {strides = array<i32>} : memref<5x128x128xf32, #tpu.memory_space<vmem>>, vector<1x1x16xf32>,
        %get3A_507 = arith.constant 0 : i32
        %get3A_508 = arith.index_cast %get3A_507 : i32 to index
        %get3A_509 = arith.index_cast %scan3A_458 : i32 to index
        %get3A_510 = arith.constant 48 : index
        %get3A_511 = tpu.vector_load %arg6[%get3A_508, %get3A_509, %get3A_510] {strides = array<i32>} : memref<5x128x128xf32, #tpu.memory_space<vmem>>, vector<1x1x16xf32>,
        %get3A_512 = vector.shape_cast %get3A_511 : vector<1x1x16xf32> to vector<16xf32>
        %mul3A_513 = arith.constant 11.3137083 : f32
        %mul3A_514 = vector.broadcast %mul3A_513 : f32 to vector<16xf32>
        %mul3A_515 = arith.mulf %get3A_512, %mul3A_514 : vector<16xf32>
        %swap3A_516 = arith.constant 0 : i32
        %swap3A_517 = arith.index_cast %swap3A_516 : i32 to index
        %swap3A_518 = arith.index_cast %scan3A_458 : i32 to index
        %swap3A_519 = arith.constant 48 : index
        %swap3A_520 = tpu.vector_load %arg6[%swap3A_517, %swap3A_518, %swap3A_519] {strides = array<i32>} : memref<5x128x128xf32, #tpu.memory_space<vmem>>, vector<1x1x16xf32>,
        %swap3A_521 = vector.shape_cast %swap3A_520 : vector<1x1x16xf32> to vector<16xf32>
        %swap3A_522 = vector.shape_cast %mul3A_515 : vector<16xf32> to vector<1x1x16xf32>
        tpu.vector_store %arg6[%swap3A_517, %swap3A_518, %swap3A_519], %swap3A_522 {strides = array<i32>} : memref<5x128x128xf32, #tpu.memory_space<vmem>>, vector<1x1x16xf32>,
        %get3A_523 = arith.constant 0 : i32
        %get3A_524 = arith.index_cast %get3A_523 : i32 to index
        %get3A_525 = arith.index_cast %scan3A_458 : i32 to index
        %get3A_526 = arith.constant 64 : index
        %get3A_527 = tpu.vector_load %arg6[%get3A_524, %get3A_525, %get3A_526] {strides = array<i32>} : memref<5x128x128xf32, #tpu.memory_space<vmem>>, vector<1x1x16xf32>,
        %get3A_528 = vector.shape_cast %get3A_527 : vector<1x1x16xf32> to vector<16xf32>
        %mul3A_529 = arith.constant 11.3137083 : f32
        %mul3A_530 = vector.broadcast %mul3A_529 : f32 to vector<16xf32>
        %mul3A_531 = arith.mulf %get3A_528, %mul3A_530 : vector<16xf32>
        %swap3A_532 = arith.constant 0 : i32
        %swap3A_533 = arith.index_cast %swap3A_532 : i32 to index
        %swap3A_534 = arith.index_cast %scan3A_458 : i32 to index
        %swap3A_535 = arith.constant 64 : index
        %swap3A_536 = tpu.vector_load %arg6[%swap3A_533, %swap3A_534, %swap3A_535] {strides = array<i32>} : memref<5x128x128xf32, #tpu.memory_space<vmem>>, vector<1x1x16xf32>,
        %swap3A_537 = vector.shape_cast %swap3A_536 : vector<1x1x16xf32> to vector<16xf32>
        %swap3A_538 = vector.shape_cast %mul3A_531 : vector<16xf32> to vector<1x1x16xf32>
        tpu.vector_store %arg6[%swap3A_533, %swap3A_534, %swap3A_535], %swap3A_538 {strides = array<i32>} : memref<5x128x128xf32, #tpu.memory_space<vmem>>, vector<1x1x16xf32>,
        %get3A_539 = arith.constant 0 : i32
        %get3A_540 = arith.index_cast %get3A_539 : i32 to index
        %get3A_541 = arith.index_cast %scan3A_458 : i32 to index
        %get3A_542 = arith.constant 80 : index
        %get3A_543 = tpu.vector_load %arg6[%get3A_540, %get3A_541, %get3A_542] {strides = array<i32>} : memref<5x128x128xf32, #tpu.memory_space<vmem>>, vector<1x1x16xf32>,
        %get3A_544 = vector.shape_cast %get3A_543 : vector<1x1x16xf32> to vector<16xf32>
        %mul3A_545 = arith.constant 11.3137083 : f32
        %mul3A_546 = vector.broadcast %mul3A_545 : f32 to vector<16xf32>
        %mul3A_547 = arith.mulf %get3A_544, %mul3A_546 : vector<16xf32>
        %swap3A_548 = arith.constant 0 : i32
        %swap3A_549 = arith.index_cast %swap3A_548 : i32 to index
        %swap3A_550 = arith.index_cast %scan3A_458 : i32 to index
        %swap3A_551 = arith.constant 80 : index
        %swap3A_552 = tpu.vector_load %arg6[%swap3A_549, %swap3A_550, %swap3A_551] {strides = array<i32>} : memref<5x128x128xf32, #tpu.memory_space<vmem>>, vector<1x1x16xf32>,
        %swap3A_553 = vector.shape_cast %swap3A_552 : vector<1x1x16xf32> to vector<16xf32>
        %swap3A_554 = vector.shape_cast %mul3A_547 : vector<16xf32> to vector<1x1x16xf32>
        tpu.vector_store %arg6[%swap3A_549, %swap3A_550, %swap3A_551], %swap3A_554 {strides = array<i32>} : memref<5x128x128xf32, #tpu.memory_space<vmem>>, vector<1x1x16xf32>,
        %get3A_555 = arith.constant 0 : i32
        %get3A_556 = arith.index_cast %get3A_555 : i32 to index
        %get3A_557 = arith.index_cast %scan3A_458 : i32 to index
        %get3A_558 = arith.constant 96 : index
        %get3A_559 = tpu.vector_load %arg6[%get3A_556, %get3A_557, %get3A_558] {strides = array<i32>} : memref<5x128x128xf32, #tpu.memory_space<vmem>>, vector<1x1x16xf32>,
        %get3A_560 = vector.shape_cast %get3A_559 : vector<1x1x16xf32> to vector<16xf32>
        %mul3A_561 = arith.constant 11.3137083 : f32
        %mul3A_562 = vector.broadcast %mul3A_561 : f32 to vector<16xf32>
        %mul3A_563 = arith.mulf %get3A_560, %mul3A_562 : vector<16xf32>
        %swap3A_564 = arith.constant 0 : i32
        %swap3A_565 = arith.index_cast %swap3A_564 : i32 to index
        %swap3A_566 = arith.index_cast %scan3A_458 : i32 to index
        %swap3A_567 = arith.constant 96 : index
        %swap3A_568 = tpu.vector_load %arg6[%swap3A_565, %swap3A_566, %swap3A_567] {strides = array<i32>} : memref<5x128x128xf32, #tpu.memory_space<vmem>>, vector<1x1x16xf32>,
        %swap3A_569 = vector.shape_cast %swap3A_568 : vector<1x1x16xf32> to vector<16xf32>
        %swap3A_570 = vector.shape_cast %mul3A_563 : vector<16xf32> to vector<1x1x16xf32>
        tpu.vector_store %arg6[%swap3A_565, %swap3A_566, %swap3A_567], %swap3A_570 {strides = array<i32>} : memref<5x128x128xf32, #tpu.memory_space<vmem>>, vector<1x1x16xf32>,
        %get3A_571 = arith.constant 0 : i32
        %get3A_572 = arith.index_cast %get3A_571 : i32 to index
        %get3A_573 = arith.index_cast %scan3A_458 : i32 to index
        %get3A_574 = arith.constant 112 : index
        %get3A_575 = tpu.vector_load %arg6[%get3A_572, %get3A_573, %get3A_574] {strides = array<i32>} : memref<5x128x128xf32, #tpu.memory_space<vmem>>, vector<1x1x16xf32>,
        %get3A_576 = vector.shape_cast %get3A_575 : vector<1x1x16xf32> to vector<16xf32>
        %mul3A_577 = arith.constant 11.3137083 : f32
        %mul3A_578 = vector.broadcast %mul3A_577 : f32 to vector<16xf32>
        %mul3A_579 = arith.mulf %get3A_576, %mul3A_578 : vector<16xf32>
        %swap3A_580 = arith.constant 0 : i32
        %swap3A_581 = arith.index_cast %swap3A_580 : i32 to index
        %swap3A_582 = arith.index_cast %scan3A_458 : i32 to index
        %swap3A_583 = arith.constant 112 : index
        %swap3A_584 = tpu.vector_load %arg6[%swap3A_581, %swap3A_582, %swap3A_583] {strides = array<i32>} : memref<5x128x128xf32, #tpu.memory_space<vmem>>, vector<1x1x16xf32>,
        %swap3A_585 = vector.shape_cast %swap3A_584 : vector<1x1x16xf32> to vector<16xf32>
        %swap3A_586 = vector.shape_cast %mul3A_579 : vector<16xf32> to vector<1x1x16xf32>
        tpu.vector_store %arg6[%swap3A_581, %swap3A_582, %swap3A_583], %swap3A_586 {strides = array<i32>} : memref<5x128x128xf32, #tpu.memory_space<vmem>>, vector<1x1x16xf32>,
      }
      %scan3A_101 = arith.constant 128 : i32
      %mul3A_102 = arith.constant 128 : i32
      %mul3A_103 = arith.muli %add3A_73, %mul3A_102 : i32
      %add3A_104 = arith.addi %mul3A_2, %mul3A_103 : i32
      %dma_start3A_105 = arith.constant 0 : i32
      %dma_start3A_106 = arith.constant 0 : i32
      %dma_start3A_107 = arith.constant 0 : i32
      %dma_start3A_108 = tpu.memref_slice %arg6[%dma_start3A_105, %dma_start3A_106, %dma_start3A_107] : memref<5x128x128xf32, #tpu.memory_space<vmem>> -> memref<1x128x128xf32, #tpu.memory_space<vmem>>
      %dma_start3A_109 = tpu.memref_squeeze %dma_start3A_108 : memref<1x128x128xf32, #tpu.memory_space<vmem>> -> memref<128x128xf32, #tpu.memory_space<vmem>>
      %dma_start3A_110 = arith.constant 0 : i32
      %dma_start3A_111 = tpu.memref_slice %arg4[%add3A_104, %dma_start3A_110] : memref<204800x128xf32, #tpu.memory_space<hbm>> -> memref<128x128xf32, #tpu.memory_space<hbm>>
      %dma_start3A_112 = arith.constant 0 : i32
      %dma_start3A_113 = tpu.memref_slice %arg4[%add3A_104, %dma_start3A_112] : memref<204800x128xf32, #tpu.memory_space<hbm>> -> memref<128x128xf32, #tpu.memory_space<hbm>>
      %dma_start3A_114 = arith.constant 0 : i32
      %dma_start3A_115 = arith.constant 0 : i32
      %dma_start3A_116 = tpu.memref_slice %arg6[%dma_start3A_105, %dma_start3A_114, %dma_start3A_115] : memref<5x128x128xf32, #tpu.memory_space<vmem>> -> memref<1x128x128xf32, #tpu.memory_space<vmem>>
      %dma_start3A_117 = tpu.memref_squeeze %dma_start3A_116 : memref<1x128x128xf32, #tpu.memory_space<vmem>> -> memref<128x128xf32, #tpu.memory_space<vmem>>
      tpu.enqueue_dma source(%dma_start3A_117 : memref<128x128xf32, #tpu.memory_space<vmem>>) target(%dma_start3A_113 : memref<128x128xf32, #tpu.memory_space<hbm>>) target_semaphore(%arg12 : memref<!tpu.dma_semaphore, #tpu.memory_space<semaphore_mem>>)
      %mul3A_118 = arith.constant 5 : i32
      %mul3A_119 = arith.muli %scan3A_69, %mul3A_118 : i32
      %add3A_120 = arith.constant 1 : i32
      %add3A_121 = arith.addi %mul3A_119, %add3A_120 : i32
      %add3A_122 = arith.constant 2 : i32
      %add3A_123 = arith.addi %add3A_121, %add3A_122 : i32
      %sub3A_124 = arith.constant 5 : i32
      %sub3A_125 = arith.subi %add3A_123, %sub3A_124 : i32
      %ge3A_126 = arith.constant 0 : i32
      %ge3A_127 = arith.cmpi sge, %sub3A_125, %ge3A_126 : i32
      %convert_element_type3A_128 = arith.extui %ge3A_127 : i1 to i32
      %cond3A_129 = arith.constant 0 : i32
      %cond3A_130 = arith.cmpi ne, %convert_element_type3A_128, %cond3A_129 : i32
      scf.if %cond3A_130 {
        %dma_wait3A_330 = arith.constant 3 : i32
        %dma_wait3A_331 = arith.constant 0 : i32
        %dma_wait3A_332 = arith.constant 0 : i32
        %dma_wait3A_333 = tpu.memref_slice %arg6[%dma_wait3A_330, %dma_wait3A_331, %dma_wait3A_332] : memref<5x128x128xf32, #tpu.memory_space<vmem>> -> memref<1x128x128xf32, #tpu.memory_space<vmem>>
        %dma_wait3A_334 = tpu.memref_squeeze %dma_wait3A_333 : memref<1x128x128xf32, #tpu.memory_space<vmem>> -> memref<128x128xf32, #tpu.memory_space<vmem>>
        %dma_wait3A_335 = arith.constant 0 : i32
        %dma_wait3A_336 = tpu.memref_slice %arg4[%mul3A_2, %dma_wait3A_335] : memref<204800x128xf32, #tpu.memory_space<hbm>> -> memref<128x128xf32, #tpu.memory_space<hbm>>
        %dma_wait3A_337 = arith.constant 0 : i32
        %dma_wait3A_338 = tpu.memref_slice %arg4[%mul3A_2, %dma_wait3A_337] : memref<204800x128xf32, #tpu.memory_space<hbm>> -> memref<128x128xf32, #tpu.memory_space<hbm>>
        %dma_wait3A_339 = arith.constant 0 : i32
        %dma_wait3A_340 = arith.constant 0 : i32
        %dma_wait3A_341 = tpu.memref_slice %arg6[%dma_wait3A_330, %dma_wait3A_339, %dma_wait3A_340] : memref<5x128x128xf32, #tpu.memory_space<vmem>> -> memref<1x128x128xf32, #tpu.memory_space<vmem>>
        %dma_wait3A_342 = tpu.memref_squeeze %dma_wait3A_341 : memref<1x128x128xf32, #tpu.memory_space<vmem>> -> memref<128x128xf32, #tpu.memory_space<vmem>>
        tpu.wait_dma2 semaphore(%arg15 : memref<!tpu.dma_semaphore, #tpu.memory_space<semaphore_mem>>) src(%dma_wait3A_342 : memref<128x128xf32, #tpu.memory_space<vmem>>) dst(%dma_wait3A_338 : memref<128x128xf32, #tpu.memory_space<hbm>>)
      } else {
      }
      %add3A_131 = arith.constant 2 : i32
      %add3A_132 = arith.addi %add3A_121, %add3A_131 : i32
      %lt3A_133 = arith.constant 50 : i32
      %lt3A_134 = arith.cmpi slt, %add3A_132, %lt3A_133 : i32
      %convert_element_type3A_135 = arith.extui %lt3A_134 : i1 to i32
      %cond3A_136 = arith.constant 0 : i32
      %cond3A_137 = arith.cmpi ne, %convert_element_type3A_135, %cond3A_136 : i32
      scf.if %cond3A_137 {
        %add3A_330 = arith.constant 2 : i32
        %add3A_331 = arith.addi %add3A_121, %add3A_330 : i32
        %dma_start3A_332 = arith.constant 3 : i32
        %dma_start3A_333 = arith.constant 0 : i32
        %dma_start3A_334 = arith.constant 0 : i32
        %dma_start3A_335 = tpu.memref_slice %arg6[%dma_start3A_332, %dma_start3A_333, %dma_start3A_334] : memref<5x128x128xf32, #tpu.memory_space<vmem>> -> memref<1x128x128xf32, #tpu.memory_space<vmem>>
        %dma_start3A_336 = tpu.memref_squeeze %dma_start3A_335 : memref<1x128x128xf32, #tpu.memory_space<vmem>> -> memref<128x128xf32, #tpu.memory_space<vmem>>
        %dma_start3A_337 = arith.constant 0 : i32
        %dma_start3A_338 = tpu.memref_slice %arg5[%add3A_331, %dma_start3A_337] : memref<50x128xi32, #tpu.memory_space<vmem>> -> memref<1x128xi32, #tpu.memory_space<vmem>>
        %dma_start3A_339 = tpu.memref_squeeze %dma_start3A_338 : memref<1x128xi32, #tpu.memory_space<vmem>> -> memref<128xi32, #tpu.memory_space<vmem>>
        %dma_start3A_340 = arith.constant 0 : i32
        %dma_start3A_341 = arith.constant 0 : i32
        %dma_start3A_342 = tpu.memref_slice %arg3[%dma_start3A_340, %dma_start3A_341] : memref<100000x128xf32, #tpu.memory_space<hbm>> -> memref<100000x128xf32, #tpu.memory_space<hbm>>
        tpu.enqueue_indirect_dma source(%dma_start3A_342 : memref<100000x128xf32, #tpu.memory_space<hbm>>) target(%dma_start3A_336 : memref<128x128xf32, #tpu.memory_space<vmem>>) offsets(%dma_start3A_339 : memref<128xi32, #tpu.memory_space<vmem>>) semaphore(%arg10 : memref<!tpu.dma_semaphore, #tpu.memory_space<semaphore_mem>>)
      } else {
      }
      %dma_wait3A_138 = arith.constant 1 : i32
      %dma_wait3A_139 = arith.constant 0 : i32
      %dma_wait3A_140 = arith.constant 0 : i32
      %dma_wait3A_141 = tpu.memref_slice %arg6[%dma_wait3A_138, %dma_wait3A_139, %dma_wait3A_140] : memref<5x128x128xf32, #tpu.memory_space<vmem>> -> memref<1x128x128xf32, #tpu.memory_space<vmem>>
      %dma_wait3A_142 = tpu.memref_squeeze %dma_wait3A_141 : memref<1x128x128xf32, #tpu.memory_space<vmem>> -> memref<128x128xf32, #tpu.memory_space<vmem>>
      %dma_wait3A_143 = arith.constant 0 : i32
      %dma_wait3A_144 = tpu.memref_slice %arg5[%add3A_121, %dma_wait3A_143] : memref<50x128xi32, #tpu.memory_space<vmem>> -> memref<1x128xi32, #tpu.memory_space<vmem>>
      %dma_wait3A_145 = tpu.memref_squeeze %dma_wait3A_144 : memref<1x128xi32, #tpu.memory_space<vmem>> -> memref<128xi32, #tpu.memory_space<vmem>>
      %dma_wait3A_146 = arith.constant 0 : i32
      %dma_wait3A_147 = arith.constant 0 : i32
      %dma_wait3A_148 = tpu.memref_slice %arg3[%dma_wait3A_146, %dma_wait3A_147] : memref<100000x128xf32, #tpu.memory_space<hbm>> -> memref<100000x128xf32, #tpu.memory_space<hbm>>
      tpu.wait_indirect_dma semaphore(%arg8 : memref<!tpu.dma_semaphore, #tpu.memory_space<semaphore_mem>>) src(%dma_wait3A_148 : memref<100000x128xf32, #tpu.memory_space<hbm>>) dst(%dma_wait3A_142 : memref<128x128xf32, #tpu.memory_space<vmem>>)
      %scan3A_149 = arith.constant 0 : i32
      %scan3A_150 = arith.constant 0 : i32
      %scan3A_151 = arith.constant 128 : i32
      %scan3A_152 = arith.addi %scan3A_150, %scan3A_151 : i32
      %scan3A_153 = arith.constant 2 : i32
      scf.for %scan3A_330 = %scan3A_150 to %scan3A_152 step %scan3A_153  : i32 {
        %get3A = arith.constant 1 : i32
        %get3A_331 = arith.index_cast %get3A : i32 to index
        %get3A_332 = arith.index_cast %scan3A_330 : i32 to index
        %get3A_333 = arith.constant 0 : index
        %get3A_334 = tpu.vector_load %arg6[%get3A_331, %get3A_332, %get3A_333] {strides = array<i32>} : memref<5x128x128xf32, #tpu.memory_space<vmem>>, vector<1x1x16xf32>,
        %get3A_335 = vector.shape_cast %get3A_334 : vector<1x1x16xf32> to vector<16xf32>
        %mul3A_336 = arith.constant 11.3137083 : f32
        %mul3A_337 = vector.broadcast %mul3A_336 : f32 to vector<16xf32>
        %mul3A_338 = arith.mulf %get3A_335, %mul3A_337 : vector<16xf32>
        %swap3A = arith.constant 1 : i32
        %swap3A_339 = arith.index_cast %swap3A : i32 to index
        %swap3A_340 = arith.index_cast %scan3A_330 : i32 to index
        %swap3A_341 = arith.constant 0 : index
        %swap3A_342 = tpu.vector_load %arg6[%swap3A_339, %swap3A_340, %swap3A_341] {strides = array<i32>} : memref<5x128x128xf32, #tpu.memory_space<vmem>>, vector<1x1x16xf32>,
        %swap3A_343 = vector.shape_cast %swap3A_342 : vector<1x1x16xf32> to vector<16xf32>
        %swap3A_344 = vector.shape_cast %mul3A_338 : vector<16xf32> to vector<1x1x16xf32>
        tpu.vector_store %arg6[%swap3A_339, %swap3A_340, %swap3A_341], %swap3A_344 {strides = array<i32>} : memref<5x128x128xf32, #tpu.memory_space<vmem>>, vector<1x1x16xf32>,
        %get3A_345 = arith.constant 1 : i32
        %get3A_346 = arith.index_cast %get3A_345 : i32 to index
        %get3A_347 = arith.index_cast %scan3A_330 : i32 to index
        %get3A_348 = arith.constant 16 : index
        %get3A_349 = tpu.vector_load %arg6[%get3A_346, %get3A_347, %get3A_348] {strides = array<i32>} : memref<5x128x128xf32, #tpu.memory_space<vmem>>, vector<1x1x16xf32>,
        %get3A_350 = vector.shape_cast %get3A_349 : vector<1x1x16xf32> to vector<16xf32>
        %mul3A_351 = arith.constant 11.3137083 : f32
        %mul3A_352 = vector.broadcast %mul3A_351 : f32 to vector<16xf32>
        %mul3A_353 = arith.mulf %get3A_350, %mul3A_352 : vector<16xf32>
        %swap3A_354 = arith.constant 1 : i32
        %swap3A_355 = arith.index_cast %swap3A_354 : i32 to index
        %swap3A_356 = arith.index_cast %scan3A_330 : i32 to index
        %swap3A_357 = arith.constant 16 : index
        %swap3A_358 = tpu.vector_load %arg6[%swap3A_355, %swap3A_356, %swap3A_357] {strides = array<i32>} : memref<5x128x128xf32, #tpu.memory_space<vmem>>, vector<1x1x16xf32>,
        %swap3A_359 = vector.shape_cast %swap3A_358 : vector<1x1x16xf32> to vector<16xf32>
        %swap3A_360 = vector.shape_cast %mul3A_353 : vector<16xf32> to vector<1x1x16xf32>
        tpu.vector_store %arg6[%swap3A_355, %swap3A_356, %swap3A_357], %swap3A_360 {strides = array<i32>} : memref<5x128x128xf32, #tpu.memory_space<vmem>>, vector<1x1x16xf32>,
        %get3A_361 = arith.constant 1 : i32
        %get3A_362 = arith.index_cast %get3A_361 : i32 to index
        %get3A_363 = arith.index_cast %scan3A_330 : i32 to index
        %get3A_364 = arith.constant 32 : index
        %get3A_365 = tpu.vector_load %arg6[%get3A_362, %get3A_363, %get3A_364] {strides = array<i32>} : memref<5x128x128xf32, #tpu.memory_space<vmem>>, vector<1x1x16xf32>,
        %get3A_366 = vector.shape_cast %get3A_365 : vector<1x1x16xf32> to vector<16xf32>
        %mul3A_367 = arith.constant 11.3137083 : f32
        %mul3A_368 = vector.broadcast %mul3A_367 : f32 to vector<16xf32>
        %mul3A_369 = arith.mulf %get3A_366, %mul3A_368 : vector<16xf32>
        %swap3A_370 = arith.constant 1 : i32
        %swap3A_371 = arith.index_cast %swap3A_370 : i32 to index
        %swap3A_372 = arith.index_cast %scan3A_330 : i32 to index
        %swap3A_373 = arith.constant 32 : index
        %swap3A_374 = tpu.vector_load %arg6[%swap3A_371, %swap3A_372, %swap3A_373] {strides = array<i32>} : memref<5x128x128xf32, #tpu.memory_space<vmem>>, vector<1x1x16xf32>,
        %swap3A_375 = vector.shape_cast %swap3A_374 : vector<1x1x16xf32> to vector<16xf32>
        %swap3A_376 = vector.shape_cast %mul3A_369 : vector<16xf32> to vector<1x1x16xf32>
        tpu.vector_store %arg6[%swap3A_371, %swap3A_372, %swap3A_373], %swap3A_376 {strides = array<i32>} : memref<5x128x128xf32, #tpu.memory_space<vmem>>, vector<1x1x16xf32>,
        %get3A_377 = arith.constant 1 : i32
        %get3A_378 = arith.index_cast %get3A_377 : i32 to index
        %get3A_379 = arith.index_cast %scan3A_330 : i32 to index
        %get3A_380 = arith.constant 48 : index
        %get3A_381 = tpu.vector_load %arg6[%get3A_378, %get3A_379, %get3A_380] {strides = array<i32>} : memref<5x128x128xf32, #tpu.memory_space<vmem>>, vector<1x1x16xf32>,
        %get3A_382 = vector.shape_cast %get3A_381 : vector<1x1x16xf32> to vector<16xf32>
        %mul3A_383 = arith.constant 11.3137083 : f32
        %mul3A_384 = vector.broadcast %mul3A_383 : f32 to vector<16xf32>
        %mul3A_385 = arith.mulf %get3A_382, %mul3A_384 : vector<16xf32>
        %swap3A_386 = arith.constant 1 : i32
        %swap3A_387 = arith.index_cast %swap3A_386 : i32 to index
        %swap3A_388 = arith.index_cast %scan3A_330 : i32 to index
        %swap3A_389 = arith.constant 48 : index
        %swap3A_390 = tpu.vector_load %arg6[%swap3A_387, %swap3A_388, %swap3A_389] {strides = array<i32>} : memref<5x128x128xf32, #tpu.memory_space<vmem>>, vector<1x1x16xf32>,
        %swap3A_391 = vector.shape_cast %swap3A_390 : vector<1x1x16xf32> to vector<16xf32>
        %swap3A_392 = vector.shape_cast %mul3A_385 : vector<16xf32> to vector<1x1x16xf32>
        tpu.vector_store %arg6[%swap3A_387, %swap3A_388, %swap3A_389], %swap3A_392 {strides = array<i32>} : memref<5x128x128xf32, #tpu.memory_space<vmem>>, vector<1x1x16xf32>,
        %get3A_393 = arith.constant 1 : i32
        %get3A_394 = arith.index_cast %get3A_393 : i32 to index
        %get3A_395 = arith.index_cast %scan3A_330 : i32 to index
        %get3A_396 = arith.constant 64 : index
        %get3A_397 = tpu.vector_load %arg6[%get3A_394, %get3A_395, %get3A_396] {strides = array<i32>} : memref<5x128x128xf32, #tpu.memory_space<vmem>>, vector<1x1x16xf32>,
        %get3A_398 = vector.shape_cast %get3A_397 : vector<1x1x16xf32> to vector<16xf32>
        %mul3A_399 = arith.constant 11.3137083 : f32
        %mul3A_400 = vector.broadcast %mul3A_399 : f32 to vector<16xf32>
        %mul3A_401 = arith.mulf %get3A_398, %mul3A_400 : vector<16xf32>
        %swap3A_402 = arith.constant 1 : i32
        %swap3A_403 = arith.index_cast %swap3A_402 : i32 to index
        %swap3A_404 = arith.index_cast %scan3A_330 : i32 to index
        %swap3A_405 = arith.constant 64 : index
        %swap3A_406 = tpu.vector_load %arg6[%swap3A_403, %swap3A_404, %swap3A_405] {strides = array<i32>} : memref<5x128x128xf32, #tpu.memory_space<vmem>>, vector<1x1x16xf32>,
        %swap3A_407 = vector.shape_cast %swap3A_406 : vector<1x1x16xf32> to vector<16xf32>
        %swap3A_408 = vector.shape_cast %mul3A_401 : vector<16xf32> to vector<1x1x16xf32>
        tpu.vector_store %arg6[%swap3A_403, %swap3A_404, %swap3A_405], %swap3A_408 {strides = array<i32>} : memref<5x128x128xf32, #tpu.memory_space<vmem>>, vector<1x1x16xf32>,
        %get3A_409 = arith.constant 1 : i32
        %get3A_410 = arith.index_cast %get3A_409 : i32 to index
        %get3A_411 = arith.index_cast %scan3A_330 : i32 to index
        %get3A_412 = arith.constant 80 : index
        %get3A_413 = tpu.vector_load %arg6[%get3A_410, %get3A_411, %get3A_412] {strides = array<i32>} : memref<5x128x128xf32, #tpu.memory_space<vmem>>, vector<1x1x16xf32>,
        %get3A_414 = vector.shape_cast %get3A_413 : vector<1x1x16xf32> to vector<16xf32>
        %mul3A_415 = arith.constant 11.3137083 : f32
        %mul3A_416 = vector.broadcast %mul3A_415 : f32 to vector<16xf32>
        %mul3A_417 = arith.mulf %get3A_414, %mul3A_416 : vector<16xf32>
        %swap3A_418 = arith.constant 1 : i32
        %swap3A_419 = arith.index_cast %swap3A_418 : i32 to index
        %swap3A_420 = arith.index_cast %scan3A_330 : i32 to index
        %swap3A_421 = arith.constant 80 : index
        %swap3A_422 = tpu.vector_load %arg6[%swap3A_419, %swap3A_420, %swap3A_421] {strides = array<i32>} : memref<5x128x128xf32, #tpu.memory_space<vmem>>, vector<1x1x16xf32>,
        %swap3A_423 = vector.shape_cast %swap3A_422 : vector<1x1x16xf32> to vector<16xf32>
        %swap3A_424 = vector.shape_cast %mul3A_417 : vector<16xf32> to vector<1x1x16xf32>
        tpu.vector_store %arg6[%swap3A_419, %swap3A_420, %swap3A_421], %swap3A_424 {strides = array<i32>} : memref<5x128x128xf32, #tpu.memory_space<vmem>>, vector<1x1x16xf32>,
        %get3A_425 = arith.constant 1 : i32
        %get3A_426 = arith.index_cast %get3A_425 : i32 to index
        %get3A_427 = arith.index_cast %scan3A_330 : i32 to index
        %get3A_428 = arith.constant 96 : index
        %get3A_429 = tpu.vector_load %arg6[%get3A_426, %get3A_427, %get3A_428] {strides = array<i32>} : memref<5x128x128xf32, #tpu.memory_space<vmem>>, vector<1x1x16xf32>,
        %get3A_430 = vector.shape_cast %get3A_429 : vector<1x1x16xf32> to vector<16xf32>
        %mul3A_431 = arith.constant 11.3137083 : f32
        %mul3A_432 = vector.broadcast %mul3A_431 : f32 to vector<16xf32>
        %mul3A_433 = arith.mulf %get3A_430, %mul3A_432 : vector<16xf32>
        %swap3A_434 = arith.constant 1 : i32
        %swap3A_435 = arith.index_cast %swap3A_434 : i32 to index
        %swap3A_436 = arith.index_cast %scan3A_330 : i32 to index
        %swap3A_437 = arith.constant 96 : index
        %swap3A_438 = tpu.vector_load %arg6[%swap3A_435, %swap3A_436, %swap3A_437] {strides = array<i32>} : memref<5x128x128xf32, #tpu.memory_space<vmem>>, vector<1x1x16xf32>,
        %swap3A_439 = vector.shape_cast %swap3A_438 : vector<1x1x16xf32> to vector<16xf32>
        %swap3A_440 = vector.shape_cast %mul3A_433 : vector<16xf32> to vector<1x1x16xf32>
        tpu.vector_store %arg6[%swap3A_435, %swap3A_436, %swap3A_437], %swap3A_440 {strides = array<i32>} : memref<5x128x128xf32, #tpu.memory_space<vmem>>, vector<1x1x16xf32>,
        %get3A_441 = arith.constant 1 : i32
        %get3A_442 = arith.index_cast %get3A_441 : i32 to index
        %get3A_443 = arith.index_cast %scan3A_330 : i32 to index
        %get3A_444 = arith.constant 112 : index
        %get3A_445 = tpu.vector_load %arg6[%get3A_442, %get3A_443, %get3A_444] {strides = array<i32>} : memref<5x128x128xf32, #tpu.memory_space<vmem>>, vector<1x1x16xf32>,
        %get3A_446 = vector.shape_cast %get3A_445 : vector<1x1x16xf32> to vector<16xf32>
        %mul3A_447 = arith.constant 11.3137083 : f32
        %mul3A_448 = vector.broadcast %mul3A_447 : f32 to vector<16xf32>
        %mul3A_449 = arith.mulf %get3A_446, %mul3A_448 : vector<16xf32>
        %swap3A_450 = arith.constant 1 : i32
        %swap3A_451 = arith.index_cast %swap3A_450 : i32 to index
        %swap3A_452 = arith.index_cast %scan3A_330 : i32 to index
        %swap3A_453 = arith.constant 112 : index
        %swap3A_454 = tpu.vector_load %arg6[%swap3A_451, %swap3A_452, %swap3A_453] {strides = array<i32>} : memref<5x128x128xf32, #tpu.memory_space<vmem>>, vector<1x1x16xf32>,
        %swap3A_455 = vector.shape_cast %swap3A_454 : vector<1x1x16xf32> to vector<16xf32>
        %swap3A_456 = vector.shape_cast %mul3A_449 : vector<16xf32> to vector<1x1x16xf32>
        tpu.vector_store %arg6[%swap3A_451, %swap3A_452, %swap3A_453], %swap3A_456 {strides = array<i32>} : memref<5x128x128xf32, #tpu.memory_space<vmem>>, vector<1x1x16xf32>,
        %scan3A_457 = arith.constant 1 : i32
        %scan3A_458 = arith.addi %scan3A_330, %scan3A_457 : i32
        %get3A_459 = arith.constant 1 : i32
        %get3A_460 = arith.index_cast %get3A_459 : i32 to index
        %get3A_461 = arith.index_cast %scan3A_458 : i32 to index
        %get3A_462 = arith.constant 0 : index
        %get3A_463 = tpu.vector_load %arg6[%get3A_460, %get3A_461, %get3A_462] {strides = array<i32>} : memref<5x128x128xf32, #tpu.memory_space<vmem>>, vector<1x1x16xf32>,
        %get3A_464 = vector.shape_cast %get3A_463 : vector<1x1x16xf32> to vector<16xf32>
        %mul3A_465 = arith.constant 11.3137083 : f32
        %mul3A_466 = vector.broadcast %mul3A_465 : f32 to vector<16xf32>
        %mul3A_467 = arith.mulf %get3A_464, %mul3A_466 : vector<16xf32>
        %swap3A_468 = arith.constant 1 : i32
        %swap3A_469 = arith.index_cast %swap3A_468 : i32 to index
        %swap3A_470 = arith.index_cast %scan3A_458 : i32 to index
        %swap3A_471 = arith.constant 0 : index
        %swap3A_472 = tpu.vector_load %arg6[%swap3A_469, %swap3A_470, %swap3A_471] {strides = array<i32>} : memref<5x128x128xf32, #tpu.memory_space<vmem>>, vector<1x1x16xf32>,
        %swap3A_473 = vector.shape_cast %swap3A_472 : vector<1x1x16xf32> to vector<16xf32>
        %swap3A_474 = vector.shape_cast %mul3A_467 : vector<16xf32> to vector<1x1x16xf32>
        tpu.vector_store %arg6[%swap3A_469, %swap3A_470, %swap3A_471], %swap3A_474 {strides = array<i32>} : memref<5x128x128xf32, #tpu.memory_space<vmem>>, vector<1x1x16xf32>,
        %get3A_475 = arith.constant 1 : i32
        %get3A_476 = arith.index_cast %get3A_475 : i32 to index
        %get3A_477 = arith.index_cast %scan3A_458 : i32 to index
        %get3A_478 = arith.constant 16 : index
        %get3A_479 = tpu.vector_load %arg6[%get3A_476, %get3A_477, %get3A_478] {strides = array<i32>} : memref<5x128x128xf32, #tpu.memory_space<vmem>>, vector<1x1x16xf32>,
        %get3A_480 = vector.shape_cast %get3A_479 : vector<1x1x16xf32> to vector<16xf32>
        %mul3A_481 = arith.constant 11.3137083 : f32
        %mul3A_482 = vector.broadcast %mul3A_481 : f32 to vector<16xf32>
        %mul3A_483 = arith.mulf %get3A_480, %mul3A_482 : vector<16xf32>
        %swap3A_484 = arith.constant 1 : i32
        %swap3A_485 = arith.index_cast %swap3A_484 : i32 to index
        %swap3A_486 = arith.index_cast %scan3A_458 : i32 to index
        %swap3A_487 = arith.constant 16 : index
        %swap3A_488 = tpu.vector_load %arg6[%swap3A_485, %swap3A_486, %swap3A_487] {strides = array<i32>} : memref<5x128x128xf32, #tpu.memory_space<vmem>>, vector<1x1x16xf32>,
        %swap3A_489 = vector.shape_cast %swap3A_488 : vector<1x1x16xf32> to vector<16xf32>
        %swap3A_490 = vector.shape_cast %mul3A_483 : vector<16xf32> to vector<1x1x16xf32>
        tpu.vector_store %arg6[%swap3A_485, %swap3A_486, %swap3A_487], %swap3A_490 {strides = array<i32>} : memref<5x128x128xf32, #tpu.memory_space<vmem>>, vector<1x1x16xf32>,
        %get3A_491 = arith.constant 1 : i32
        %get3A_492 = arith.index_cast %get3A_491 : i32 to index
        %get3A_493 = arith.index_cast %scan3A_458 : i32 to index
        %get3A_494 = arith.constant 32 : index
        %get3A_495 = tpu.vector_load %arg6[%get3A_492, %get3A_493, %get3A_494] {strides = array<i32>} : memref<5x128x128xf32, #tpu.memory_space<vmem>>, vector<1x1x16xf32>,
        %get3A_496 = vector.shape_cast %get3A_495 : vector<1x1x16xf32> to vector<16xf32>
        %mul3A_497 = arith.constant 11.3137083 : f32
        %mul3A_498 = vector.broadcast %mul3A_497 : f32 to vector<16xf32>
        %mul3A_499 = arith.mulf %get3A_496, %mul3A_498 : vector<16xf32>
        %swap3A_500 = arith.constant 1 : i32
        %swap3A_501 = arith.index_cast %swap3A_500 : i32 to index
        %swap3A_502 = arith.index_cast %scan3A_458 : i32 to index
        %swap3A_503 = arith.constant 32 : index
        %swap3A_504 = tpu.vector_load %arg6[%swap3A_501, %swap3A_502, %swap3A_503] {strides = array<i32>} : memref<5x128x128xf32, #tpu.memory_space<vmem>>, vector<1x1x16xf32>,
        %swap3A_505 = vector.shape_cast %swap3A_504 : vector<1x1x16xf32> to vector<16xf32>
        %swap3A_506 = vector.shape_cast %mul3A_499 : vector<16xf32> to vector<1x1x16xf32>
        tpu.vector_store %arg6[%swap3A_501, %swap3A_502, %swap3A_503], %swap3A_506 {strides = array<i32>} : memref<5x128x128xf32, #tpu.memory_space<vmem>>, vector<1x1x16xf32>,
        %get3A_507 = arith.constant 1 : i32
        %get3A_508 = arith.index_cast %get3A_507 : i32 to index
        %get3A_509 = arith.index_cast %scan3A_458 : i32 to index
        %get3A_510 = arith.constant 48 : index
        %get3A_511 = tpu.vector_load %arg6[%get3A_508, %get3A_509, %get3A_510] {strides = array<i32>} : memref<5x128x128xf32, #tpu.memory_space<vmem>>, vector<1x1x16xf32>,
        %get3A_512 = vector.shape_cast %get3A_511 : vector<1x1x16xf32> to vector<16xf32>
        %mul3A_513 = arith.constant 11.3137083 : f32
        %mul3A_514 = vector.broadcast %mul3A_513 : f32 to vector<16xf32>
        %mul3A_515 = arith.mulf %get3A_512, %mul3A_514 : vector<16xf32>
        %swap3A_516 = arith.constant 1 : i32
        %swap3A_517 = arith.index_cast %swap3A_516 : i32 to index
        %swap3A_518 = arith.index_cast %scan3A_458 : i32 to index
        %swap3A_519 = arith.constant 48 : index
        %swap3A_520 = tpu.vector_load %arg6[%swap3A_517, %swap3A_518, %swap3A_519] {strides = array<i32>} : memref<5x128x128xf32, #tpu.memory_space<vmem>>, vector<1x1x16xf32>,
        %swap3A_521 = vector.shape_cast %swap3A_520 : vector<1x1x16xf32> to vector<16xf32>
        %swap3A_522 = vector.shape_cast %mul3A_515 : vector<16xf32> to vector<1x1x16xf32>
        tpu.vector_store %arg6[%swap3A_517, %swap3A_518, %swap3A_519], %swap3A_522 {strides = array<i32>} : memref<5x128x128xf32, #tpu.memory_space<vmem>>, vector<1x1x16xf32>,
        %get3A_523 = arith.constant 1 : i32
        %get3A_524 = arith.index_cast %get3A_523 : i32 to index
        %get3A_525 = arith.index_cast %scan3A_458 : i32 to index
        %get3A_526 = arith.constant 64 : index
        %get3A_527 = tpu.vector_load %arg6[%get3A_524, %get3A_525, %get3A_526] {strides = array<i32>} : memref<5x128x128xf32, #tpu.memory_space<vmem>>, vector<1x1x16xf32>,
        %get3A_528 = vector.shape_cast %get3A_527 : vector<1x1x16xf32> to vector<16xf32>
        %mul3A_529 = arith.constant 11.3137083 : f32
        %mul3A_530 = vector.broadcast %mul3A_529 : f32 to vector<16xf32>
        %mul3A_531 = arith.mulf %get3A_528, %mul3A_530 : vector<16xf32>
        %swap3A_532 = arith.constant 1 : i32
        %swap3A_533 = arith.index_cast %swap3A_532 : i32 to index
        %swap3A_534 = arith.index_cast %scan3A_458 : i32 to index
        %swap3A_535 = arith.constant 64 : index
        %swap3A_536 = tpu.vector_load %arg6[%swap3A_533, %swap3A_534, %swap3A_535] {strides = array<i32>} : memref<5x128x128xf32, #tpu.memory_space<vmem>>, vector<1x1x16xf32>,
        %swap3A_537 = vector.shape_cast %swap3A_536 : vector<1x1x16xf32> to vector<16xf32>
        %swap3A_538 = vector.shape_cast %mul3A_531 : vector<16xf32> to vector<1x1x16xf32>
        tpu.vector_store %arg6[%swap3A_533, %swap3A_534, %swap3A_535], %swap3A_538 {strides = array<i32>} : memref<5x128x128xf32, #tpu.memory_space<vmem>>, vector<1x1x16xf32>,
        %get3A_539 = arith.constant 1 : i32
        %get3A_540 = arith.index_cast %get3A_539 : i32 to index
        %get3A_541 = arith.index_cast %scan3A_458 : i32 to index
        %get3A_542 = arith.constant 80 : index
        %get3A_543 = tpu.vector_load %arg6[%get3A_540, %get3A_541, %get3A_542] {strides = array<i32>} : memref<5x128x128xf32, #tpu.memory_space<vmem>>, vector<1x1x16xf32>,
        %get3A_544 = vector.shape_cast %get3A_543 : vector<1x1x16xf32> to vector<16xf32>
        %mul3A_545 = arith.constant 11.3137083 : f32
        %mul3A_546 = vector.broadcast %mul3A_545 : f32 to vector<16xf32>
        %mul3A_547 = arith.mulf %get3A_544, %mul3A_546 : vector<16xf32>
        %swap3A_548 = arith.constant 1 : i32
        %swap3A_549 = arith.index_cast %swap3A_548 : i32 to index
        %swap3A_550 = arith.index_cast %scan3A_458 : i32 to index
        %swap3A_551 = arith.constant 80 : index
        %swap3A_552 = tpu.vector_load %arg6[%swap3A_549, %swap3A_550, %swap3A_551] {strides = array<i32>} : memref<5x128x128xf32, #tpu.memory_space<vmem>>, vector<1x1x16xf32>,
        %swap3A_553 = vector.shape_cast %swap3A_552 : vector<1x1x16xf32> to vector<16xf32>
        %swap3A_554 = vector.shape_cast %mul3A_547 : vector<16xf32> to vector<1x1x16xf32>
        tpu.vector_store %arg6[%swap3A_549, %swap3A_550, %swap3A_551], %swap3A_554 {strides = array<i32>} : memref<5x128x128xf32, #tpu.memory_space<vmem>>, vector<1x1x16xf32>,
        %get3A_555 = arith.constant 1 : i32
        %get3A_556 = arith.index_cast %get3A_555 : i32 to index
        %get3A_557 = arith.index_cast %scan3A_458 : i32 to index
        %get3A_558 = arith.constant 96 : index
        %get3A_559 = tpu.vector_load %arg6[%get3A_556, %get3A_557, %get3A_558] {strides = array<i32>} : memref<5x128x128xf32, #tpu.memory_space<vmem>>, vector<1x1x16xf32>,
        %get3A_560 = vector.shape_cast %get3A_559 : vector<1x1x16xf32> to vector<16xf32>
        %mul3A_561 = arith.constant 11.3137083 : f32
        %mul3A_562 = vector.broadcast %mul3A_561 : f32 to vector<16xf32>
        %mul3A_563 = arith.mulf %get3A_560, %mul3A_562 : vector<16xf32>
        %swap3A_564 = arith.constant 1 : i32
        %swap3A_565 = arith.index_cast %swap3A_564 : i32 to index
        %swap3A_566 = arith.index_cast %scan3A_458 : i32 to index
        %swap3A_567 = arith.constant 96 : index
        %swap3A_568 = tpu.vector_load %arg6[%swap3A_565, %swap3A_566, %swap3A_567] {strides = array<i32>} : memref<5x128x128xf32, #tpu.memory_space<vmem>>, vector<1x1x16xf32>,
        %swap3A_569 = vector.shape_cast %swap3A_568 : vector<1x1x16xf32> to vector<16xf32>
        %swap3A_570 = vector.shape_cast %mul3A_563 : vector<16xf32> to vector<1x1x16xf32>
        tpu.vector_store %arg6[%swap3A_565, %swap3A_566, %swap3A_567], %swap3A_570 {strides = array<i32>} : memref<5x128x128xf32, #tpu.memory_space<vmem>>, vector<1x1x16xf32>,
        %get3A_571 = arith.constant 1 : i32
        %get3A_572 = arith.index_cast %get3A_571 : i32 to index
        %get3A_573 = arith.index_cast %scan3A_458 : i32 to index
        %get3A_574 = arith.constant 112 : index
        %get3A_575 = tpu.vector_load %arg6[%get3A_572, %get3A_573, %get3A_574] {strides = array<i32>} : memref<5x128x128xf32, #tpu.memory_space<vmem>>, vector<1x1x16xf32>,
        %get3A_576 = vector.shape_cast %get3A_575 : vector<1x1x16xf32> to vector<16xf32>
        %mul3A_577 = arith.constant 11.3137083 : f32
        %mul3A_578 = vector.broadcast %mul3A_577 : f32 to vector<16xf32>
        %mul3A_579 = arith.mulf %get3A_576, %mul3A_578 : vector<16xf32>
        %swap3A_580 = arith.constant 1 : i32
        %swap3A_581 = arith.index_cast %swap3A_580 : i32 to index
        %swap3A_582 = arith.index_cast %scan3A_458 : i32 to index
        %swap3A_583 = arith.constant 112 : index
        %swap3A_584 = tpu.vector_load %arg6[%swap3A_581, %swap3A_582, %swap3A_583] {strides = array<i32>} : memref<5x128x128xf32, #tpu.memory_space<vmem>>, vector<1x1x16xf32>,
        %swap3A_585 = vector.shape_cast %swap3A_584 : vector<1x1x16xf32> to vector<16xf32>
        %swap3A_586 = vector.shape_cast %mul3A_579 : vector<16xf32> to vector<1x1x16xf32>
        tpu.vector_store %arg6[%swap3A_581, %swap3A_582, %swap3A_583], %swap3A_586 {strides = array<i32>} : memref<5x128x128xf32, #tpu.memory_space<vmem>>, vector<1x1x16xf32>,
      }
      %scan3A_154 = arith.constant 128 : i32
      %mul3A_155 = arith.constant 128 : i32
      %mul3A_156 = arith.muli %add3A_121, %mul3A_155 : i32
      %add3A_157 = arith.addi %mul3A_2, %mul3A_156 : i32
      %dma_start3A_158 = arith.constant 1 : i32
      %dma_start3A_159 = arith.constant 0 : i32
      %dma_start3A_160 = arith.constant 0 : i32
      %dma_start3A_161 = tpu.memref_slice %arg6[%dma_start3A_158, %dma_start3A_159, %dma_start3A_160] : memref<5x128x128xf32, #tpu.memory_space<vmem>> -> memref<1x128x128xf32, #tpu.memory_space<vmem>>
      %dma_start3A_162 = tpu.memref_squeeze %dma_start3A_161 : memref<1x128x128xf32, #tpu.memory_space<vmem>> -> memref<128x128xf32, #tpu.memory_space<vmem>>
      %dma_start3A_163 = arith.constant 0 : i32
      %dma_start3A_164 = tpu.memref_slice %arg4[%add3A_157, %dma_start3A_163] : memref<204800x128xf32, #tpu.memory_space<hbm>> -> memref<128x128xf32, #tpu.memory_space<hbm>>
      %dma_start3A_165 = arith.constant 0 : i32
      %dma_start3A_166 = tpu.memref_slice %arg4[%add3A_157, %dma_start3A_165] : memref<204800x128xf32, #tpu.memory_space<hbm>> -> memref<128x128xf32, #tpu.memory_space<hbm>>
      %dma_start3A_167 = arith.constant 0 : i32
      %dma_start3A_168 = arith.constant 0 : i32
      %dma_start3A_169 = tpu.memref_slice %arg6[%dma_start3A_158, %dma_start3A_167, %dma_start3A_168] : memref<5x128x128xf32, #tpu.memory_space<vmem>> -> memref<1x128x128xf32, #tpu.memory_space<vmem>>
      %dma_start3A_170 = tpu.memref_squeeze %dma_start3A_169 : memref<1x128x128xf32, #tpu.memory_space<vmem>> -> memref<128x128xf32, #tpu.memory_space<vmem>>
      tpu.enqueue_dma source(%dma_start3A_170 : memref<128x128xf32, #tpu.memory_space<vmem>>) target(%dma_start3A_166 : memref<128x128xf32, #tpu.memory_space<hbm>>) target_semaphore(%arg13 : memref<!tpu.dma_semaphore, #tpu.memory_space<semaphore_mem>>)
      %mul3A_171 = arith.constant 5 : i32
      %mul3A_172 = arith.muli %scan3A_69, %mul3A_171 : i32
      %add3A_173 = arith.constant 2 : i32
      %add3A_174 = arith.addi %mul3A_172, %add3A_173 : i32
      %add3A_175 = arith.constant 2 : i32
      %add3A_176 = arith.addi %add3A_174, %add3A_175 : i32
      %sub3A_177 = arith.constant 5 : i32
      %sub3A_178 = arith.subi %add3A_176, %sub3A_177 : i32
      %ge3A_179 = arith.constant 0 : i32
      %ge3A_180 = arith.cmpi sge, %sub3A_178, %ge3A_179 : i32
      %convert_element_type3A_181 = arith.extui %ge3A_180 : i1 to i32
      %cond3A_182 = arith.constant 0 : i32
      %cond3A_183 = arith.cmpi ne, %convert_element_type3A_181, %cond3A_182 : i32
      scf.if %cond3A_183 {
        %dma_wait3A_330 = arith.constant 4 : i32
        %dma_wait3A_331 = arith.constant 0 : i32
        %dma_wait3A_332 = arith.constant 0 : i32
        %dma_wait3A_333 = tpu.memref_slice %arg6[%dma_wait3A_330, %dma_wait3A_331, %dma_wait3A_332] : memref<5x128x128xf32, #tpu.memory_space<vmem>> -> memref<1x128x128xf32, #tpu.memory_space<vmem>>
        %dma_wait3A_334 = tpu.memref_squeeze %dma_wait3A_333 : memref<1x128x128xf32, #tpu.memory_space<vmem>> -> memref<128x128xf32, #tpu.memory_space<vmem>>
        %dma_wait3A_335 = arith.constant 0 : i32
        %dma_wait3A_336 = tpu.memref_slice %arg4[%mul3A_2, %dma_wait3A_335] : memref<204800x128xf32, #tpu.memory_space<hbm>> -> memref<128x128xf32, #tpu.memory_space<hbm>>
        %dma_wait3A_337 = arith.constant 0 : i32
        %dma_wait3A_338 = tpu.memref_slice %arg4[%mul3A_2, %dma_wait3A_337] : memref<204800x128xf32, #tpu.memory_space<hbm>> -> memref<128x128xf32, #tpu.memory_space<hbm>>
        %dma_wait3A_339 = arith.constant 0 : i32
        %dma_wait3A_340 = arith.constant 0 : i32
        %dma_wait3A_341 = tpu.memref_slice %arg6[%dma_wait3A_330, %dma_wait3A_339, %dma_wait3A_340] : memref<5x128x128xf32, #tpu.memory_space<vmem>> -> memref<1x128x128xf32, #tpu.memory_space<vmem>>
        %dma_wait3A_342 = tpu.memref_squeeze %dma_wait3A_341 : memref<1x128x128xf32, #tpu.memory_space<vmem>> -> memref<128x128xf32, #tpu.memory_space<vmem>>
        tpu.wait_dma2 semaphore(%arg16 : memref<!tpu.dma_semaphore, #tpu.memory_space<semaphore_mem>>) src(%dma_wait3A_342 : memref<128x128xf32, #tpu.memory_space<vmem>>) dst(%dma_wait3A_338 : memref<128x128xf32, #tpu.memory_space<hbm>>)
      } else {
      }
      %add3A_184 = arith.constant 2 : i32
      %add3A_185 = arith.addi %add3A_174, %add3A_184 : i32
      %lt3A_186 = arith.constant 50 : i32
      %lt3A_187 = arith.cmpi slt, %add3A_185, %lt3A_186 : i32
      %convert_element_type3A_188 = arith.extui %lt3A_187 : i1 to i32
      %cond3A_189 = arith.constant 0 : i32
      %cond3A_190 = arith.cmpi ne, %convert_element_type3A_188, %cond3A_189 : i32
      scf.if %cond3A_190 {
        %add3A_330 = arith.constant 2 : i32
        %add3A_331 = arith.addi %add3A_174, %add3A_330 : i32
        %dma_start3A_332 = arith.constant 4 : i32
        %dma_start3A_333 = arith.constant 0 : i32
        %dma_start3A_334 = arith.constant 0 : i32
        %dma_start3A_335 = tpu.memref_slice %arg6[%dma_start3A_332, %dma_start3A_333, %dma_start3A_334] : memref<5x128x128xf32, #tpu.memory_space<vmem>> -> memref<1x128x128xf32, #tpu.memory_space<vmem>>
        %dma_start3A_336 = tpu.memref_squeeze %dma_start3A_335 : memref<1x128x128xf32, #tpu.memory_space<vmem>> -> memref<128x128xf32, #tpu.memory_space<vmem>>
        %dma_start3A_337 = arith.constant 0 : i32
        %dma_start3A_338 = tpu.memref_slice %arg5[%add3A_331, %dma_start3A_337] : memref<50x128xi32, #tpu.memory_space<vmem>> -> memref<1x128xi32, #tpu.memory_space<vmem>>
        %dma_start3A_339 = tpu.memref_squeeze %dma_start3A_338 : memref<1x128xi32, #tpu.memory_space<vmem>> -> memref<128xi32, #tpu.memory_space<vmem>>
        %dma_start3A_340 = arith.constant 0 : i32
        %dma_start3A_341 = arith.constant 0 : i32
        %dma_start3A_342 = tpu.memref_slice %arg3[%dma_start3A_340, %dma_start3A_341] : memref<100000x128xf32, #tpu.memory_space<hbm>> -> memref<100000x128xf32, #tpu.memory_space<hbm>>
        tpu.enqueue_indirect_dma source(%dma_start3A_342 : memref<100000x128xf32, #tpu.memory_space<hbm>>) target(%dma_start3A_336 : memref<128x128xf32, #tpu.memory_space<vmem>>) offsets(%dma_start3A_339 : memref<128xi32, #tpu.memory_space<vmem>>) semaphore(%arg11 : memref<!tpu.dma_semaphore, #tpu.memory_space<semaphore_mem>>)
      } else {
      }
      %dma_wait3A_191 = arith.constant 2 : i32
      %dma_wait3A_192 = arith.constant 0 : i32
      %dma_wait3A_193 = arith.constant 0 : i32
      %dma_wait3A_194 = tpu.memref_slice %arg6[%dma_wait3A_191, %dma_wait3A_192, %dma_wait3A_193] : memref<5x128x128xf32, #tpu.memory_space<vmem>> -> memref<1x128x128xf32, #tpu.memory_space<vmem>>
      %dma_wait3A_195 = tpu.memref_squeeze %dma_wait3A_194 : memref<1x128x128xf32, #tpu.memory_space<vmem>> -> memref<128x128xf32, #tpu.memory_space<vmem>>
      %dma_wait3A_196 = arith.constant 0 : i32
      %dma_wait3A_197 = tpu.memref_slice %arg5[%add3A_174, %dma_wait3A_196] : memref<50x128xi32, #tpu.memory_space<vmem>> -> memref<1x128xi32, #tpu.memory_space<vmem>>
      %dma_wait3A_198 = tpu.memref_squeeze %dma_wait3A_197 : memref<1x128xi32, #tpu.memory_space<vmem>> -> memref<128xi32, #tpu.memory_space<vmem>>
      %dma_wait3A_199 = arith.constant 0 : i32
      %dma_wait3A_200 = arith.constant 0 : i32
      %dma_wait3A_201 = tpu.memref_slice %arg3[%dma_wait3A_199, %dma_wait3A_200] : memref<100000x128xf32, #tpu.memory_space<hbm>> -> memref<100000x128xf32, #tpu.memory_space<hbm>>
      tpu.wait_indirect_dma semaphore(%arg9 : memref<!tpu.dma_semaphore, #tpu.memory_space<semaphore_mem>>) src(%dma_wait3A_201 : memref<100000x128xf32, #tpu.memory_space<hbm>>) dst(%dma_wait3A_195 : memref<128x128xf32, #tpu.memory_space<vmem>>)
      %scan3A_202 = arith.constant 0 : i32
      %scan3A_203 = arith.constant 0 : i32
      %scan3A_204 = arith.constant 128 : i32
      %scan3A_205 = arith.addi %scan3A_203, %scan3A_204 : i32
      %scan3A_206 = arith.constant 2 : i32
      scf.for %scan3A_330 = %scan3A_203 to %scan3A_205 step %scan3A_206  : i32 {
        %get3A = arith.constant 2 : i32
        %get3A_331 = arith.index_cast %get3A : i32 to index
        %get3A_332 = arith.index_cast %scan3A_330 : i32 to index
        %get3A_333 = arith.constant 0 : index
        %get3A_334 = tpu.vector_load %arg6[%get3A_331, %get3A_332, %get3A_333] {strides = array<i32>} : memref<5x128x128xf32, #tpu.memory_space<vmem>>, vector<1x1x16xf32>,
        %get3A_335 = vector.shape_cast %get3A_334 : vector<1x1x16xf32> to vector<16xf32>
        %mul3A_336 = arith.constant 11.3137083 : f32
        %mul3A_337 = vector.broadcast %mul3A_336 : f32 to vector<16xf32>
        %mul3A_338 = arith.mulf %get3A_335, %mul3A_337 : vector<16xf32>
        %swap3A = arith.constant 2 : i32
        %swap3A_339 = arith.index_cast %swap3A : i32 to index
        %swap3A_340 = arith.index_cast %scan3A_330 : i32 to index
        %swap3A_341 = arith.constant 0 : index
        %swap3A_342 = tpu.vector_load %arg6[%swap3A_339, %swap3A_340, %swap3A_341] {strides = array<i32>} : memref<5x128x128xf32, #tpu.memory_space<vmem>>, vector<1x1x16xf32>,
        %swap3A_343 = vector.shape_cast %swap3A_342 : vector<1x1x16xf32> to vector<16xf32>
        %swap3A_344 = vector.shape_cast %mul3A_338 : vector<16xf32> to vector<1x1x16xf32>
        tpu.vector_store %arg6[%swap3A_339, %swap3A_340, %swap3A_341], %swap3A_344 {strides = array<i32>} : memref<5x128x128xf32, #tpu.memory_space<vmem>>, vector<1x1x16xf32>,
        %get3A_345 = arith.constant 2 : i32
        %get3A_346 = arith.index_cast %get3A_345 : i32 to index
        %get3A_347 = arith.index_cast %scan3A_330 : i32 to index
        %get3A_348 = arith.constant 16 : index
        %get3A_349 = tpu.vector_load %arg6[%get3A_346, %get3A_347, %get3A_348] {strides = array<i32>} : memref<5x128x128xf32, #tpu.memory_space<vmem>>, vector<1x1x16xf32>,
        %get3A_350 = vector.shape_cast %get3A_349 : vector<1x1x16xf32> to vector<16xf32>
        %mul3A_351 = arith.constant 11.3137083 : f32
        %mul3A_352 = vector.broadcast %mul3A_351 : f32 to vector<16xf32>
        %mul3A_353 = arith.mulf %get3A_350, %mul3A_352 : vector<16xf32>
        %swap3A_354 = arith.constant 2 : i32
        %swap3A_355 = arith.index_cast %swap3A_354 : i32 to index
        %swap3A_356 = arith.index_cast %scan3A_330 : i32 to index
        %swap3A_357 = arith.constant 16 : index
        %swap3A_358 = tpu.vector_load %arg6[%swap3A_355, %swap3A_356, %swap3A_357] {strides = array<i32>} : memref<5x128x128xf32, #tpu.memory_space<vmem>>, vector<1x1x16xf32>,
        %swap3A_359 = vector.shape_cast %swap3A_358 : vector<1x1x16xf32> to vector<16xf32>
        %swap3A_360 = vector.shape_cast %mul3A_353 : vector<16xf32> to vector<1x1x16xf32>
        tpu.vector_store %arg6[%swap3A_355, %swap3A_356, %swap3A_357], %swap3A_360 {strides = array<i32>} : memref<5x128x128xf32, #tpu.memory_space<vmem>>, vector<1x1x16xf32>,
        %get3A_361 = arith.constant 2 : i32
        %get3A_362 = arith.index_cast %get3A_361 : i32 to index
        %get3A_363 = arith.index_cast %scan3A_330 : i32 to index
        %get3A_364 = arith.constant 32 : index
        %get3A_365 = tpu.vector_load %arg6[%get3A_362, %get3A_363, %get3A_364] {strides = array<i32>} : memref<5x128x128xf32, #tpu.memory_space<vmem>>, vector<1x1x16xf32>,
        %get3A_366 = vector.shape_cast %get3A_365 : vector<1x1x16xf32> to vector<16xf32>
        %mul3A_367 = arith.constant 11.3137083 : f32
        %mul3A_368 = vector.broadcast %mul3A_367 : f32 to vector<16xf32>
        %mul3A_369 = arith.mulf %get3A_366, %mul3A_368 : vector<16xf32>
        %swap3A_370 = arith.constant 2 : i32
        %swap3A_371 = arith.index_cast %swap3A_370 : i32 to index
        %swap3A_372 = arith.index_cast %scan3A_330 : i32 to index
        %swap3A_373 = arith.constant 32 : index
        %swap3A_374 = tpu.vector_load %arg6[%swap3A_371, %swap3A_372, %swap3A_373] {strides = array<i32>} : memref<5x128x128xf32, #tpu.memory_space<vmem>>, vector<1x1x16xf32>,
        %swap3A_375 = vector.shape_cast %swap3A_374 : vector<1x1x16xf32> to vector<16xf32>
        %swap3A_376 = vector.shape_cast %mul3A_369 : vector<16xf32> to vector<1x1x16xf32>
        tpu.vector_store %arg6[%swap3A_371, %swap3A_372, %swap3A_373], %swap3A_376 {strides = array<i32>} : memref<5x128x128xf32, #tpu.memory_space<vmem>>, vector<1x1x16xf32>,
        %get3A_377 = arith.constant 2 : i32
        %get3A_378 = arith.index_cast %get3A_377 : i32 to index
        %get3A_379 = arith.index_cast %scan3A_330 : i32 to index
        %get3A_380 = arith.constant 48 : index
        %get3A_381 = tpu.vector_load %arg6[%get3A_378, %get3A_379, %get3A_380] {strides = array<i32>} : memref<5x128x128xf32, #tpu.memory_space<vmem>>, vector<1x1x16xf32>,
        %get3A_382 = vector.shape_cast %get3A_381 : vector<1x1x16xf32> to vector<16xf32>
        %mul3A_383 = arith.constant 11.3137083 : f32
        %mul3A_384 = vector.broadcast %mul3A_383 : f32 to vector<16xf32>
        %mul3A_385 = arith.mulf %get3A_382, %mul3A_384 : vector<16xf32>
        %swap3A_386 = arith.constant 2 : i32
        %swap3A_387 = arith.index_cast %swap3A_386 : i32 to index
        %swap3A_388 = arith.index_cast %scan3A_330 : i32 to index
        %swap3A_389 = arith.constant 48 : index
        %swap3A_390 = tpu.vector_load %arg6[%swap3A_387, %swap3A_388, %swap3A_389] {strides = array<i32>} : memref<5x128x128xf32, #tpu.memory_space<vmem>>, vector<1x1x16xf32>,
        %swap3A_391 = vector.shape_cast %swap3A_390 : vector<1x1x16xf32> to vector<16xf32>
        %swap3A_392 = vector.shape_cast %mul3A_385 : vector<16xf32> to vector<1x1x16xf32>
        tpu.vector_store %arg6[%swap3A_387, %swap3A_388, %swap3A_389], %swap3A_392 {strides = array<i32>} : memref<5x128x128xf32, #tpu.memory_space<vmem>>, vector<1x1x16xf32>,
        %get3A_393 = arith.constant 2 : i32
        %get3A_394 = arith.index_cast %get3A_393 : i32 to index
        %get3A_395 = arith.index_cast %scan3A_330 : i32 to index
        %get3A_396 = arith.constant 64 : index
        %get3A_397 = tpu.vector_load %arg6[%get3A_394, %get3A_395, %get3A_396] {strides = array<i32>} : memref<5x128x128xf32, #tpu.memory_space<vmem>>, vector<1x1x16xf32>,
        %get3A_398 = vector.shape_cast %get3A_397 : vector<1x1x16xf32> to vector<16xf32>
        %mul3A_399 = arith.constant 11.3137083 : f32
        %mul3A_400 = vector.broadcast %mul3A_399 : f32 to vector<16xf32>
        %mul3A_401 = arith.mulf %get3A_398, %mul3A_400 : vector<16xf32>
        %swap3A_402 = arith.constant 2 : i32
        %swap3A_403 = arith.index_cast %swap3A_402 : i32 to index
        %swap3A_404 = arith.index_cast %scan3A_330 : i32 to index
        %swap3A_405 = arith.constant 64 : index
        %swap3A_406 = tpu.vector_load %arg6[%swap3A_403, %swap3A_404, %swap3A_405] {strides = array<i32>} : memref<5x128x128xf32, #tpu.memory_space<vmem>>, vector<1x1x16xf32>,
        %swap3A_407 = vector.shape_cast %swap3A_406 : vector<1x1x16xf32> to vector<16xf32>
        %swap3A_408 = vector.shape_cast %mul3A_401 : vector<16xf32> to vector<1x1x16xf32>
        tpu.vector_store %arg6[%swap3A_403, %swap3A_404, %swap3A_405], %swap3A_408 {strides = array<i32>} : memref<5x128x128xf32, #tpu.memory_space<vmem>>, vector<1x1x16xf32>,
        %get3A_409 = arith.constant 2 : i32
        %get3A_410 = arith.index_cast %get3A_409 : i32 to index
        %get3A_411 = arith.index_cast %scan3A_330 : i32 to index
        %get3A_412 = arith.constant 80 : index
        %get3A_413 = tpu.vector_load %arg6[%get3A_410, %get3A_411, %get3A_412] {strides = array<i32>} : memref<5x128x128xf32, #tpu.memory_space<vmem>>, vector<1x1x16xf32>,
        %get3A_414 = vector.shape_cast %get3A_413 : vector<1x1x16xf32> to vector<16xf32>
        %mul3A_415 = arith.constant 11.3137083 : f32
        %mul3A_416 = vector.broadcast %mul3A_415 : f32 to vector<16xf32>
        %mul3A_417 = arith.mulf %get3A_414, %mul3A_416 : vector<16xf32>
        %swap3A_418 = arith.constant 2 : i32
        %swap3A_419 = arith.index_cast %swap3A_418 : i32 to index
        %swap3A_420 = arith.index_cast %scan3A_330 : i32 to index
        %swap3A_421 = arith.constant 80 : index
        %swap3A_422 = tpu.vector_load %arg6[%swap3A_419, %swap3A_420, %swap3A_421] {strides = array<i32>} : memref<5x128x128xf32, #tpu.memory_space<vmem>>, vector<1x1x16xf32>,
        %swap3A_423 = vector.shape_cast %swap3A_422 : vector<1x1x16xf32> to vector<16xf32>
        %swap3A_424 = vector.shape_cast %mul3A_417 : vector<16xf32> to vector<1x1x16xf32>
        tpu.vector_store %arg6[%swap3A_419, %swap3A_420, %swap3A_421], %swap3A_424 {strides = array<i32>} : memref<5x128x128xf32, #tpu.memory_space<vmem>>, vector<1x1x16xf32>,
        %get3A_425 = arith.constant 2 : i32
        %get3A_426 = arith.index_cast %get3A_425 : i32 to index
        %get3A_427 = arith.index_cast %scan3A_330 : i32 to index
        %get3A_428 = arith.constant 96 : index
        %get3A_429 = tpu.vector_load %arg6[%get3A_426, %get3A_427, %get3A_428] {strides = array<i32>} : memref<5x128x128xf32, #tpu.memory_space<vmem>>, vector<1x1x16xf32>,
        %get3A_430 = vector.shape_cast %get3A_429 : vector<1x1x16xf32> to vector<16xf32>
        %mul3A_431 = arith.constant 11.3137083 : f32
        %mul3A_432 = vector.broadcast %mul3A_431 : f32 to vector<16xf32>
        %mul3A_433 = arith.mulf %get3A_430, %mul3A_432 : vector<16xf32>
        %swap3A_434 = arith.constant 2 : i32
        %swap3A_435 = arith.index_cast %swap3A_434 : i32 to index
        %swap3A_436 = arith.index_cast %scan3A_330 : i32 to index
        %swap3A_437 = arith.constant 96 : index
        %swap3A_438 = tpu.vector_load %arg6[%swap3A_435, %swap3A_436, %swap3A_437] {strides = array<i32>} : memref<5x128x128xf32, #tpu.memory_space<vmem>>, vector<1x1x16xf32>,
        %swap3A_439 = vector.shape_cast %swap3A_438 : vector<1x1x16xf32> to vector<16xf32>
        %swap3A_440 = vector.shape_cast %mul3A_433 : vector<16xf32> to vector<1x1x16xf32>
        tpu.vector_store %arg6[%swap3A_435, %swap3A_436, %swap3A_437], %swap3A_440 {strides = array<i32>} : memref<5x128x128xf32, #tpu.memory_space<vmem>>, vector<1x1x16xf32>,
        %get3A_441 = arith.constant 2 : i32
        %get3A_442 = arith.index_cast %get3A_441 : i32 to index
        %get3A_443 = arith.index_cast %scan3A_330 : i32 to index
        %get3A_444 = arith.constant 112 : index
        %get3A_445 = tpu.vector_load %arg6[%get3A_442, %get3A_443, %get3A_444] {strides = array<i32>} : memref<5x128x128xf32, #tpu.memory_space<vmem>>, vector<1x1x16xf32>,
        %get3A_446 = vector.shape_cast %get3A_445 : vector<1x1x16xf32> to vector<16xf32>
        %mul3A_447 = arith.constant 11.3137083 : f32
        %mul3A_448 = vector.broadcast %mul3A_447 : f32 to vector<16xf32>
        %mul3A_449 = arith.mulf %get3A_446, %mul3A_448 : vector<16xf32>
        %swap3A_450 = arith.constant 2 : i32
        %swap3A_451 = arith.index_cast %swap3A_450 : i32 to index
        %swap3A_452 = arith.index_cast %scan3A_330 : i32 to index
        %swap3A_453 = arith.constant 112 : index
        %swap3A_454 = tpu.vector_load %arg6[%swap3A_451, %swap3A_452, %swap3A_453] {strides = array<i32>} : memref<5x128x128xf32, #tpu.memory_space<vmem>>, vector<1x1x16xf32>,
        %swap3A_455 = vector.shape_cast %swap3A_454 : vector<1x1x16xf32> to vector<16xf32>
        %swap3A_456 = vector.shape_cast %mul3A_449 : vector<16xf32> to vector<1x1x16xf32>
        tpu.vector_store %arg6[%swap3A_451, %swap3A_452, %swap3A_453], %swap3A_456 {strides = array<i32>} : memref<5x128x128xf32, #tpu.memory_space<vmem>>, vector<1x1x16xf32>,
        %scan3A_457 = arith.constant 1 : i32
        %scan3A_458 = arith.addi %scan3A_330, %scan3A_457 : i32
        %get3A_459 = arith.constant 2 : i32
        %get3A_460 = arith.index_cast %get3A_459 : i32 to index
        %get3A_461 = arith.index_cast %scan3A_458 : i32 to index
        %get3A_462 = arith.constant 0 : index
        %get3A_463 = tpu.vector_load %arg6[%get3A_460, %get3A_461, %get3A_462] {strides = array<i32>} : memref<5x128x128xf32, #tpu.memory_space<vmem>>, vector<1x1x16xf32>,
        %get3A_464 = vector.shape_cast %get3A_463 : vector<1x1x16xf32> to vector<16xf32>
        %mul3A_465 = arith.constant 11.3137083 : f32
        %mul3A_466 = vector.broadcast %mul3A_465 : f32 to vector<16xf32>
        %mul3A_467 = arith.mulf %get3A_464, %mul3A_466 : vector<16xf32>
        %swap3A_468 = arith.constant 2 : i32
        %swap3A_469 = arith.index_cast %swap3A_468 : i32 to index
        %swap3A_470 = arith.index_cast %scan3A_458 : i32 to index
        %swap3A_471 = arith.constant 0 : index
        %swap3A_472 = tpu.vector_load %arg6[%swap3A_469, %swap3A_470, %swap3A_471] {strides = array<i32>} : memref<5x128x128xf32, #tpu.memory_space<vmem>>, vector<1x1x16xf32>,
        %swap3A_473 = vector.shape_cast %swap3A_472 : vector<1x1x16xf32> to vector<16xf32>
        %swap3A_474 = vector.shape_cast %mul3A_467 : vector<16xf32> to vector<1x1x16xf32>
        tpu.vector_store %arg6[%swap3A_469, %swap3A_470, %swap3A_471], %swap3A_474 {strides = array<i32>} : memref<5x128x128xf32, #tpu.memory_space<vmem>>, vector<1x1x16xf32>,
        %get3A_475 = arith.constant 2 : i32
        %get3A_476 = arith.index_cast %get3A_475 : i32 to index
        %get3A_477 = arith.index_cast %scan3A_458 : i32 to index
        %get3A_478 = arith.constant 16 : index
        %get3A_479 = tpu.vector_load %arg6[%get3A_476, %get3A_477, %get3A_478] {strides = array<i32>} : memref<5x128x128xf32, #tpu.memory_space<vmem>>, vector<1x1x16xf32>,
        %get3A_480 = vector.shape_cast %get3A_479 : vector<1x1x16xf32> to vector<16xf32>
        %mul3A_481 = arith.constant 11.3137083 : f32
        %mul3A_482 = vector.broadcast %mul3A_481 : f32 to vector<16xf32>
        %mul3A_483 = arith.mulf %get3A_480, %mul3A_482 : vector<16xf32>
        %swap3A_484 = arith.constant 2 : i32
        %swap3A_485 = arith.index_cast %swap3A_484 : i32 to index
        %swap3A_486 = arith.index_cast %scan3A_458 : i32 to index
        %swap3A_487 = arith.constant 16 : index
        %swap3A_488 = tpu.vector_load %arg6[%swap3A_485, %swap3A_486, %swap3A_487] {strides = array<i32>} : memref<5x128x128xf32, #tpu.memory_space<vmem>>, vector<1x1x16xf32>,
        %swap3A_489 = vector.shape_cast %swap3A_488 : vector<1x1x16xf32> to vector<16xf32>
        %swap3A_490 = vector.shape_cast %mul3A_483 : vector<16xf32> to vector<1x1x16xf32>
        tpu.vector_store %arg6[%swap3A_485, %swap3A_486, %swap3A_487], %swap3A_490 {strides = array<i32>} : memref<5x128x128xf32, #tpu.memory_space<vmem>>, vector<1x1x16xf32>,
        %get3A_491 = arith.constant 2 : i32
        %get3A_492 = arith.index_cast %get3A_491 : i32 to index
        %get3A_493 = arith.index_cast %scan3A_458 : i32 to index
        %get3A_494 = arith.constant 32 : index
        %get3A_495 = tpu.vector_load %arg6[%get3A_492, %get3A_493, %get3A_494] {strides = array<i32>} : memref<5x128x128xf32, #tpu.memory_space<vmem>>, vector<1x1x16xf32>,
        %get3A_496 = vector.shape_cast %get3A_495 : vector<1x1x16xf32> to vector<16xf32>
        %mul3A_497 = arith.constant 11.3137083 : f32
        %mul3A_498 = vector.broadcast %mul3A_497 : f32 to vector<16xf32>
        %mul3A_499 = arith.mulf %get3A_496, %mul3A_498 : vector<16xf32>
        %swap3A_500 = arith.constant 2 : i32
        %swap3A_501 = arith.index_cast %swap3A_500 : i32 to index
        %swap3A_502 = arith.index_cast %scan3A_458 : i32 to index
        %swap3A_503 = arith.constant 32 : index
        %swap3A_504 = tpu.vector_load %arg6[%swap3A_501, %swap3A_502, %swap3A_503] {strides = array<i32>} : memref<5x128x128xf32, #tpu.memory_space<vmem>>, vector<1x1x16xf32>,
        %swap3A_505 = vector.shape_cast %swap3A_504 : vector<1x1x16xf32> to vector<16xf32>
        %swap3A_506 = vector.shape_cast %mul3A_499 : vector<16xf32> to vector<1x1x16xf32>
        tpu.vector_store %arg6[%swap3A_501, %swap3A_502, %swap3A_503], %swap3A_506 {strides = array<i32>} : memref<5x128x128xf32, #tpu.memory_space<vmem>>, vector<1x1x16xf32>,
        %get3A_507 = arith.constant 2 : i32
        %get3A_508 = arith.index_cast %get3A_507 : i32 to index
        %get3A_509 = arith.index_cast %scan3A_458 : i32 to index
        %get3A_510 = arith.constant 48 : index
        %get3A_511 = tpu.vector_load %arg6[%get3A_508, %get3A_509, %get3A_510] {strides = array<i32>} : memref<5x128x128xf32, #tpu.memory_space<vmem>>, vector<1x1x16xf32>,
        %get3A_512 = vector.shape_cast %get3A_511 : vector<1x1x16xf32> to vector<16xf32>
        %mul3A_513 = arith.constant 11.3137083 : f32
        %mul3A_514 = vector.broadcast %mul3A_513 : f32 to vector<16xf32>
        %mul3A_515 = arith.mulf %get3A_512, %mul3A_514 : vector<16xf32>
        %swap3A_516 = arith.constant 2 : i32
        %swap3A_517 = arith.index_cast %swap3A_516 : i32 to index
        %swap3A_518 = arith.index_cast %scan3A_458 : i32 to index
        %swap3A_519 = arith.constant 48 : index
        %swap3A_520 = tpu.vector_load %arg6[%swap3A_517, %swap3A_518, %swap3A_519] {strides = array<i32>} : memref<5x128x128xf32, #tpu.memory_space<vmem>>, vector<1x1x16xf32>,
        %swap3A_521 = vector.shape_cast %swap3A_520 : vector<1x1x16xf32> to vector<16xf32>
        %swap3A_522 = vector.shape_cast %mul3A_515 : vector<16xf32> to vector<1x1x16xf32>
        tpu.vector_store %arg6[%swap3A_517, %swap3A_518, %swap3A_519], %swap3A_522 {strides = array<i32>} : memref<5x128x128xf32, #tpu.memory_space<vmem>>, vector<1x1x16xf32>,
        %get3A_523 = arith.constant 2 : i32
        %get3A_524 = arith.index_cast %get3A_523 : i32 to index
        %get3A_525 = arith.index_cast %scan3A_458 : i32 to index
        %get3A_526 = arith.constant 64 : index
        %get3A_527 = tpu.vector_load %arg6[%get3A_524, %get3A_525, %get3A_526] {strides = array<i32>} : memref<5x128x128xf32, #tpu.memory_space<vmem>>, vector<1x1x16xf32>,
        %get3A_528 = vector.shape_cast %get3A_527 : vector<1x1x16xf32> to vector<16xf32>
        %mul3A_529 = arith.constant 11.3137083 : f32
        %mul3A_530 = vector.broadcast %mul3A_529 : f32 to vector<16xf32>
        %mul3A_531 = arith.mulf %get3A_528, %mul3A_530 : vector<16xf32>
        %swap3A_532 = arith.constant 2 : i32
        %swap3A_533 = arith.index_cast %swap3A_532 : i32 to index
        %swap3A_534 = arith.index_cast %scan3A_458 : i32 to index
        %swap3A_535 = arith.constant 64 : index
        %swap3A_536 = tpu.vector_load %arg6[%swap3A_533, %swap3A_534, %swap3A_535] {strides = array<i32>} : memref<5x128x128xf32, #tpu.memory_space<vmem>>, vector<1x1x16xf32>,
        %swap3A_537 = vector.shape_cast %swap3A_536 : vector<1x1x16xf32> to vector<16xf32>
        %swap3A_538 = vector.shape_cast %mul3A_531 : vector<16xf32> to vector<1x1x16xf32>
        tpu.vector_store %arg6[%swap3A_533, %swap3A_534, %swap3A_535], %swap3A_538 {strides = array<i32>} : memref<5x128x128xf32, #tpu.memory_space<vmem>>, vector<1x1x16xf32>,
        %get3A_539 = arith.constant 2 : i32
        %get3A_540 = arith.index_cast %get3A_539 : i32 to index
        %get3A_541 = arith.index_cast %scan3A_458 : i32 to index
        %get3A_542 = arith.constant 80 : index
        %get3A_543 = tpu.vector_load %arg6[%get3A_540, %get3A_541, %get3A_542] {strides = array<i32>} : memref<5x128x128xf32, #tpu.memory_space<vmem>>, vector<1x1x16xf32>,
        %get3A_544 = vector.shape_cast %get3A_543 : vector<1x1x16xf32> to vector<16xf32>
        %mul3A_545 = arith.constant 11.3137083 : f32
        %mul3A_546 = vector.broadcast %mul3A_545 : f32 to vector<16xf32>
        %mul3A_547 = arith.mulf %get3A_544, %mul3A_546 : vector<16xf32>
        %swap3A_548 = arith.constant 2 : i32
        %swap3A_549 = arith.index_cast %swap3A_548 : i32 to index
        %swap3A_550 = arith.index_cast %scan3A_458 : i32 to index
        %swap3A_551 = arith.constant 80 : index
        %swap3A_552 = tpu.vector_load %arg6[%swap3A_549, %swap3A_550, %swap3A_551] {strides = array<i32>} : memref<5x128x128xf32, #tpu.memory_space<vmem>>, vector<1x1x16xf32>,
        %swap3A_553 = vector.shape_cast %swap3A_552 : vector<1x1x16xf32> to vector<16xf32>
        %swap3A_554 = vector.shape_cast %mul3A_547 : vector<16xf32> to vector<1x1x16xf32>
        tpu.vector_store %arg6[%swap3A_549, %swap3A_550, %swap3A_551], %swap3A_554 {strides = array<i32>} : memref<5x128x128xf32, #tpu.memory_space<vmem>>, vector<1x1x16xf32>,
        %get3A_555 = arith.constant 2 : i32
        %get3A_556 = arith.index_cast %get3A_555 : i32 to index
        %get3A_557 = arith.index_cast %scan3A_458 : i32 to index
        %get3A_558 = arith.constant 96 : index
        %get3A_559 = tpu.vector_load %arg6[%get3A_556, %get3A_557, %get3A_558] {strides = array<i32>} : memref<5x128x128xf32, #tpu.memory_space<vmem>>, vector<1x1x16xf32>,
        %get3A_560 = vector.shape_cast %get3A_559 : vector<1x1x16xf32> to vector<16xf32>
        %mul3A_561 = arith.constant 11.3137083 : f32
        %mul3A_562 = vector.broadcast %mul3A_561 : f32 to vector<16xf32>
        %mul3A_563 = arith.mulf %get3A_560, %mul3A_562 : vector<16xf32>
        %swap3A_564 = arith.constant 2 : i32
        %swap3A_565 = arith.index_cast %swap3A_564 : i32 to index
        %swap3A_566 = arith.index_cast %scan3A_458 : i32 to index
        %swap3A_567 = arith.constant 96 : index
        %swap3A_568 = tpu.vector_load %arg6[%swap3A_565, %swap3A_566, %swap3A_567] {strides = array<i32>} : memref<5x128x128xf32, #tpu.memory_space<vmem>>, vector<1x1x16xf32>,
        %swap3A_569 = vector.shape_cast %swap3A_568 : vector<1x1x16xf32> to vector<16xf32>
        %swap3A_570 = vector.shape_cast %mul3A_563 : vector<16xf32> to vector<1x1x16xf32>
        tpu.vector_store %arg6[%swap3A_565, %swap3A_566, %swap3A_567], %swap3A_570 {strides = array<i32>} : memref<5x128x128xf32, #tpu.memory_space<vmem>>, vector<1x1x16xf32>,
        %get3A_571 = arith.constant 2 : i32
        %get3A_572 = arith.index_cast %get3A_571 : i32 to index
        %get3A_573 = arith.index_cast %scan3A_458 : i32 to index
        %get3A_574 = arith.constant 112 : index
        %get3A_575 = tpu.vector_load %arg6[%get3A_572, %get3A_573, %get3A_574] {strides = array<i32>} : memref<5x128x128xf32, #tpu.memory_space<vmem>>, vector<1x1x16xf32>,
        %get3A_576 = vector.shape_cast %get3A_575 : vector<1x1x16xf32> to vector<16xf32>
        %mul3A_577 = arith.constant 11.3137083 : f32
        %mul3A_578 = vector.broadcast %mul3A_577 : f32 to vector<16xf32>
        %mul3A_579 = arith.mulf %get3A_576, %mul3A_578 : vector<16xf32>
        %swap3A_580 = arith.constant 2 : i32
        %swap3A_581 = arith.index_cast %swap3A_580 : i32 to index
        %swap3A_582 = arith.index_cast %scan3A_458 : i32 to index
        %swap3A_583 = arith.constant 112 : index
        %swap3A_584 = tpu.vector_load %arg6[%swap3A_581, %swap3A_582, %swap3A_583] {strides = array<i32>} : memref<5x128x128xf32, #tpu.memory_space<vmem>>, vector<1x1x16xf32>,
        %swap3A_585 = vector.shape_cast %swap3A_584 : vector<1x1x16xf32> to vector<16xf32>
        %swap3A_586 = vector.shape_cast %mul3A_579 : vector<16xf32> to vector<1x1x16xf32>
        tpu.vector_store %arg6[%swap3A_581, %swap3A_582, %swap3A_583], %swap3A_586 {strides = array<i32>} : memref<5x128x128xf32, #tpu.memory_space<vmem>>, vector<1x1x16xf32>,
      }
      %scan3A_207 = arith.constant 128 : i32
      %mul3A_208 = arith.constant 128 : i32
      %mul3A_209 = arith.muli %add3A_174, %mul3A_208 : i32
      %add3A_210 = arith.addi %mul3A_2, %mul3A_209 : i32
      %dma_start3A_211 = arith.constant 2 : i32
      %dma_start3A_212 = arith.constant 0 : i32
      %dma_start3A_213 = arith.constant 0 : i32
      %dma_start3A_214 = tpu.memref_slice %arg6[%dma_start3A_211, %dma_start3A_212, %dma_start3A_213] : memref<5x128x128xf32, #tpu.memory_space<vmem>> -> memref<1x128x128xf32, #tpu.memory_space<vmem>>
      %dma_start3A_215 = tpu.memref_squeeze %dma_start3A_214 : memref<1x128x128xf32, #tpu.memory_space<vmem>> -> memref<128x128xf32, #tpu.memory_space<vmem>>
      %dma_start3A_216 = arith.constant 0 : i32
      %dma_start3A_217 = tpu.memref_slice %arg4[%add3A_210, %dma_start3A_216] : memref<204800x128xf32, #tpu.memory_space<hbm>> -> memref<128x128xf32, #tpu.memory_space<hbm>>
      %dma_start3A_218 = arith.constant 0 : i32
      %dma_start3A_219 = tpu.memref_slice %arg4[%add3A_210, %dma_start3A_218] : memref<204800x128xf32, #tpu.memory_space<hbm>> -> memref<128x128xf32, #tpu.memory_space<hbm>>
      %dma_start3A_220 = arith.constant 0 : i32
      %dma_start3A_221 = arith.constant 0 : i32
      %dma_start3A_222 = tpu.memref_slice %arg6[%dma_start3A_211, %dma_start3A_220, %dma_start3A_221] : memref<5x128x128xf32, #tpu.memory_space<vmem>> -> memref<1x128x128xf32, #tpu.memory_space<vmem>>
      %dma_start3A_223 = tpu.memref_squeeze %dma_start3A_222 : memref<1x128x128xf32, #tpu.memory_space<vmem>> -> memref<128x128xf32, #tpu.memory_space<vmem>>
      tpu.enqueue_dma source(%dma_start3A_223 : memref<128x128xf32, #tpu.memory_space<vmem>>) target(%dma_start3A_219 : memref<128x128xf32, #tpu.memory_space<hbm>>) target_semaphore(%arg14 : memref<!tpu.dma_semaphore, #tpu.memory_space<semaphore_mem>>)
      %mul3A_224 = arith.constant 5 : i32
      %mul3A_225 = arith.muli %scan3A_69, %mul3A_224 : i32
      %add3A_226 = arith.constant 3 : i32
      %add3A_227 = arith.addi %mul3A_225, %add3A_226 : i32
      %add3A_228 = arith.constant 2 : i32
      %add3A_229 = arith.addi %add3A_227, %add3A_228 : i32
      %sub3A_230 = arith.constant 5 : i32
      %sub3A_231 = arith.subi %add3A_229, %sub3A_230 : i32
      %ge3A_232 = arith.constant 0 : i32
      %ge3A_233 = arith.cmpi sge, %sub3A_231, %ge3A_232 : i32
      %convert_element_type3A_234 = arith.extui %ge3A_233 : i1 to i32
      %cond3A_235 = arith.constant 0 : i32
      %cond3A_236 = arith.cmpi ne, %convert_element_type3A_234, %cond3A_235 : i32
      scf.if %cond3A_236 {
        %dma_wait3A_330 = arith.constant 0 : i32
        %dma_wait3A_331 = arith.constant 0 : i32
        %dma_wait3A_332 = arith.constant 0 : i32
        %dma_wait3A_333 = tpu.memref_slice %arg6[%dma_wait3A_330, %dma_wait3A_331, %dma_wait3A_332] : memref<5x128x128xf32, #tpu.memory_space<vmem>> -> memref<1x128x128xf32, #tpu.memory_space<vmem>>
        %dma_wait3A_334 = tpu.memref_squeeze %dma_wait3A_333 : memref<1x128x128xf32, #tpu.memory_space<vmem>> -> memref<128x128xf32, #tpu.memory_space<vmem>>
        %dma_wait3A_335 = arith.constant 0 : i32
        %dma_wait3A_336 = tpu.memref_slice %arg4[%mul3A_2, %dma_wait3A_335] : memref<204800x128xf32, #tpu.memory_space<hbm>> -> memref<128x128xf32, #tpu.memory_space<hbm>>
        %dma_wait3A_337 = arith.constant 0 : i32
        %dma_wait3A_338 = tpu.memref_slice %arg4[%mul3A_2, %dma_wait3A_337] : memref<204800x128xf32, #tpu.memory_space<hbm>> -> memref<128x128xf32, #tpu.memory_space<hbm>>
        %dma_wait3A_339 = arith.constant 0 : i32
        %dma_wait3A_340 = arith.constant 0 : i32
        %dma_wait3A_341 = tpu.memref_slice %arg6[%dma_wait3A_330, %dma_wait3A_339, %dma_wait3A_340] : memref<5x128x128xf32, #tpu.memory_space<vmem>> -> memref<1x128x128xf32, #tpu.memory_space<vmem>>
        %dma_wait3A_342 = tpu.memref_squeeze %dma_wait3A_341 : memref<1x128x128xf32, #tpu.memory_space<vmem>> -> memref<128x128xf32, #tpu.memory_space<vmem>>
        tpu.wait_dma2 semaphore(%arg12 : memref<!tpu.dma_semaphore, #tpu.memory_space<semaphore_mem>>) src(%dma_wait3A_342 : memref<128x128xf32, #tpu.memory_space<vmem>>) dst(%dma_wait3A_338 : memref<128x128xf32, #tpu.memory_space<hbm>>)
      } else {
      }
      %add3A_237 = arith.constant 2 : i32
      %add3A_238 = arith.addi %add3A_227, %add3A_237 : i32
      %lt3A_239 = arith.constant 50 : i32
      %lt3A_240 = arith.cmpi slt, %add3A_238, %lt3A_239 : i32
      %convert_element_type3A_241 = arith.extui %lt3A_240 : i1 to i32
      %cond3A_242 = arith.constant 0 : i32
      %cond3A_243 = arith.cmpi ne, %convert_element_type3A_241, %cond3A_242 : i32
      scf.if %cond3A_243 {
        %add3A_330 = arith.constant 2 : i32
        %add3A_331 = arith.addi %add3A_227, %add3A_330 : i32
        %dma_start3A_332 = arith.constant 0 : i32
        %dma_start3A_333 = arith.constant 0 : i32
        %dma_start3A_334 = arith.constant 0 : i32
        %dma_start3A_335 = tpu.memref_slice %arg6[%dma_start3A_332, %dma_start3A_333, %dma_start3A_334] : memref<5x128x128xf32, #tpu.memory_space<vmem>> -> memref<1x128x128xf32, #tpu.memory_space<vmem>>
        %dma_start3A_336 = tpu.memref_squeeze %dma_start3A_335 : memref<1x128x128xf32, #tpu.memory_space<vmem>> -> memref<128x128xf32, #tpu.memory_space<vmem>>
        %dma_start3A_337 = arith.constant 0 : i32
        %dma_start3A_338 = tpu.memref_slice %arg5[%add3A_331, %dma_start3A_337] : memref<50x128xi32, #tpu.memory_space<vmem>> -> memref<1x128xi32, #tpu.memory_space<vmem>>
        %dma_start3A_339 = tpu.memref_squeeze %dma_start3A_338 : memref<1x128xi32, #tpu.memory_space<vmem>> -> memref<128xi32, #tpu.memory_space<vmem>>
        %dma_start3A_340 = arith.constant 0 : i32
        %dma_start3A_341 = arith.constant 0 : i32
        %dma_start3A_342 = tpu.memref_slice %arg3[%dma_start3A_340, %dma_start3A_341] : memref<100000x128xf32, #tpu.memory_space<hbm>> -> memref<100000x128xf32, #tpu.memory_space<hbm>>
        tpu.enqueue_indirect_dma source(%dma_start3A_342 : memref<100000x128xf32, #tpu.memory_space<hbm>>) target(%dma_start3A_336 : memref<128x128xf32, #tpu.memory_space<vmem>>) offsets(%dma_start3A_339 : memref<128xi32, #tpu.memory_space<vmem>>) semaphore(%arg7 : memref<!tpu.dma_semaphore, #tpu.memory_space<semaphore_mem>>)
      } else {
      }
      %dma_wait3A_244 = arith.constant 3 : i32
      %dma_wait3A_245 = arith.constant 0 : i32
      %dma_wait3A_246 = arith.constant 0 : i32
      %dma_wait3A_247 = tpu.memref_slice %arg6[%dma_wait3A_244, %dma_wait3A_245, %dma_wait3A_246] : memref<5x128x128xf32, #tpu.memory_space<vmem>> -> memref<1x128x128xf32, #tpu.memory_space<vmem>>
      %dma_wait3A_248 = tpu.memref_squeeze %dma_wait3A_247 : memref<1x128x128xf32, #tpu.memory_space<vmem>> -> memref<128x128xf32, #tpu.memory_space<vmem>>
      %dma_wait3A_249 = arith.constant 0 : i32
      %dma_wait3A_250 = tpu.memref_slice %arg5[%add3A_227, %dma_wait3A_249] : memref<50x128xi32, #tpu.memory_space<vmem>> -> memref<1x128xi32, #tpu.memory_space<vmem>>
      %dma_wait3A_251 = tpu.memref_squeeze %dma_wait3A_250 : memref<1x128xi32, #tpu.memory_space<vmem>> -> memref<128xi32, #tpu.memory_space<vmem>>
      %dma_wait3A_252 = arith.constant 0 : i32
      %dma_wait3A_253 = arith.constant 0 : i32
      %dma_wait3A_254 = tpu.memref_slice %arg3[%dma_wait3A_252, %dma_wait3A_253] : memref<100000x128xf32, #tpu.memory_space<hbm>> -> memref<100000x128xf32, #tpu.memory_space<hbm>>
      tpu.wait_indirect_dma semaphore(%arg10 : memref<!tpu.dma_semaphore, #tpu.memory_space<semaphore_mem>>) src(%dma_wait3A_254 : memref<100000x128xf32, #tpu.memory_space<hbm>>) dst(%dma_wait3A_248 : memref<128x128xf32, #tpu.memory_space<vmem>>)
      %scan3A_255 = arith.constant 0 : i32
      %scan3A_256 = arith.constant 0 : i32
      %scan3A_257 = arith.constant 128 : i32
      %scan3A_258 = arith.addi %scan3A_256, %scan3A_257 : i32
      %scan3A_259 = arith.constant 2 : i32
      scf.for %scan3A_330 = %scan3A_256 to %scan3A_258 step %scan3A_259  : i32 {
        %get3A = arith.constant 3 : i32
        %get3A_331 = arith.index_cast %get3A : i32 to index
        %get3A_332 = arith.index_cast %scan3A_330 : i32 to index
        %get3A_333 = arith.constant 0 : index
        %get3A_334 = tpu.vector_load %arg6[%get3A_331, %get3A_332, %get3A_333] {strides = array<i32>} : memref<5x128x128xf32, #tpu.memory_space<vmem>>, vector<1x1x16xf32>,
        %get3A_335 = vector.shape_cast %get3A_334 : vector<1x1x16xf32> to vector<16xf32>
        %mul3A_336 = arith.constant 11.3137083 : f32
        %mul3A_337 = vector.broadcast %mul3A_336 : f32 to vector<16xf32>
        %mul3A_338 = arith.mulf %get3A_335, %mul3A_337 : vector<16xf32>
        %swap3A = arith.constant 3 : i32
        %swap3A_339 = arith.index_cast %swap3A : i32 to index
        %swap3A_340 = arith.index_cast %scan3A_330 : i32 to index
        %swap3A_341 = arith.constant 0 : index
        %swap3A_342 = tpu.vector_load %arg6[%swap3A_339, %swap3A_340, %swap3A_341] {strides = array<i32>} : memref<5x128x128xf32, #tpu.memory_space<vmem>>, vector<1x1x16xf32>,
        %swap3A_343 = vector.shape_cast %swap3A_342 : vector<1x1x16xf32> to vector<16xf32>
        %swap3A_344 = vector.shape_cast %mul3A_338 : vector<16xf32> to vector<1x1x16xf32>
        tpu.vector_store %arg6[%swap3A_339, %swap3A_340, %swap3A_341], %swap3A_344 {strides = array<i32>} : memref<5x128x128xf32, #tpu.memory_space<vmem>>, vector<1x1x16xf32>,
        %get3A_345 = arith.constant 3 : i32
        %get3A_346 = arith.index_cast %get3A_345 : i32 to index
        %get3A_347 = arith.index_cast %scan3A_330 : i32 to index
        %get3A_348 = arith.constant 16 : index
        %get3A_349 = tpu.vector_load %arg6[%get3A_346, %get3A_347, %get3A_348] {strides = array<i32>} : memref<5x128x128xf32, #tpu.memory_space<vmem>>, vector<1x1x16xf32>,
        %get3A_350 = vector.shape_cast %get3A_349 : vector<1x1x16xf32> to vector<16xf32>
        %mul3A_351 = arith.constant 11.3137083 : f32
        %mul3A_352 = vector.broadcast %mul3A_351 : f32 to vector<16xf32>
        %mul3A_353 = arith.mulf %get3A_350, %mul3A_352 : vector<16xf32>
        %swap3A_354 = arith.constant 3 : i32
        %swap3A_355 = arith.index_cast %swap3A_354 : i32 to index
        %swap3A_356 = arith.index_cast %scan3A_330 : i32 to index
        %swap3A_357 = arith.constant 16 : index
        %swap3A_358 = tpu.vector_load %arg6[%swap3A_355, %swap3A_356, %swap3A_357] {strides = array<i32>} : memref<5x128x128xf32, #tpu.memory_space<vmem>>, vector<1x1x16xf32>,
        %swap3A_359 = vector.shape_cast %swap3A_358 : vector<1x1x16xf32> to vector<16xf32>
        %swap3A_360 = vector.shape_cast %mul3A_353 : vector<16xf32> to vector<1x1x16xf32>
        tpu.vector_store %arg6[%swap3A_355, %swap3A_356, %swap3A_357], %swap3A_360 {strides = array<i32>} : memref<5x128x128xf32, #tpu.memory_space<vmem>>, vector<1x1x16xf32>,
        %get3A_361 = arith.constant 3 : i32
        %get3A_362 = arith.index_cast %get3A_361 : i32 to index
        %get3A_363 = arith.index_cast %scan3A_330 : i32 to index
        %get3A_364 = arith.constant 32 : index
        %get3A_365 = tpu.vector_load %arg6[%get3A_362, %get3A_363, %get3A_364] {strides = array<i32>} : memref<5x128x128xf32, #tpu.memory_space<vmem>>, vector<1x1x16xf32>,
        %get3A_366 = vector.shape_cast %get3A_365 : vector<1x1x16xf32> to vector<16xf32>
        %mul3A_367 = arith.constant 11.3137083 : f32
        %mul3A_368 = vector.broadcast %mul3A_367 : f32 to vector<16xf32>
        %mul3A_369 = arith.mulf %get3A_366, %mul3A_368 : vector<16xf32>
        %swap3A_370 = arith.constant 3 : i32
        %swap3A_371 = arith.index_cast %swap3A_370 : i32 to index
        %swap3A_372 = arith.index_cast %scan3A_330 : i32 to index
        %swap3A_373 = arith.constant 32 : index
        %swap3A_374 = tpu.vector_load %arg6[%swap3A_371, %swap3A_372, %swap3A_373] {strides = array<i32>} : memref<5x128x128xf32, #tpu.memory_space<vmem>>, vector<1x1x16xf32>,
        %swap3A_375 = vector.shape_cast %swap3A_374 : vector<1x1x16xf32> to vector<16xf32>
        %swap3A_376 = vector.shape_cast %mul3A_369 : vector<16xf32> to vector<1x1x16xf32>
        tpu.vector_store %arg6[%swap3A_371, %swap3A_372, %swap3A_373], %swap3A_376 {strides = array<i32>} : memref<5x128x128xf32, #tpu.memory_space<vmem>>, vector<1x1x16xf32>,
        %get3A_377 = arith.constant 3 : i32
        %get3A_378 = arith.index_cast %get3A_377 : i32 to index
        %get3A_379 = arith.index_cast %scan3A_330 : i32 to index
        %get3A_380 = arith.constant 48 : index
        %get3A_381 = tpu.vector_load %arg6[%get3A_378, %get3A_379, %get3A_380] {strides = array<i32>} : memref<5x128x128xf32, #tpu.memory_space<vmem>>, vector<1x1x16xf32>,
        %get3A_382 = vector.shape_cast %get3A_381 : vector<1x1x16xf32> to vector<16xf32>
        %mul3A_383 = arith.constant 11.3137083 : f32
        %mul3A_384 = vector.broadcast %mul3A_383 : f32 to vector<16xf32>
        %mul3A_385 = arith.mulf %get3A_382, %mul3A_384 : vector<16xf32>
        %swap3A_386 = arith.constant 3 : i32
        %swap3A_387 = arith.index_cast %swap3A_386 : i32 to index
        %swap3A_388 = arith.index_cast %scan3A_330 : i32 to index
        %swap3A_389 = arith.constant 48 : index
        %swap3A_390 = tpu.vector_load %arg6[%swap3A_387, %swap3A_388, %swap3A_389] {strides = array<i32>} : memref<5x128x128xf32, #tpu.memory_space<vmem>>, vector<1x1x16xf32>,
        %swap3A_391 = vector.shape_cast %swap3A_390 : vector<1x1x16xf32> to vector<16xf32>
        %swap3A_392 = vector.shape_cast %mul3A_385 : vector<16xf32> to vector<1x1x16xf32>
        tpu.vector_store %arg6[%swap3A_387, %swap3A_388, %swap3A_389], %swap3A_392 {strides = array<i32>} : memref<5x128x128xf32, #tpu.memory_space<vmem>>, vector<1x1x16xf32>,
        %get3A_393 = arith.constant 3 : i32
        %get3A_394 = arith.index_cast %get3A_393 : i32 to index
        %get3A_395 = arith.index_cast %scan3A_330 : i32 to index
        %get3A_396 = arith.constant 64 : index
        %get3A_397 = tpu.vector_load %arg6[%get3A_394, %get3A_395, %get3A_396] {strides = array<i32>} : memref<5x128x128xf32, #tpu.memory_space<vmem>>, vector<1x1x16xf32>,
        %get3A_398 = vector.shape_cast %get3A_397 : vector<1x1x16xf32> to vector<16xf32>
        %mul3A_399 = arith.constant 11.3137083 : f32
        %mul3A_400 = vector.broadcast %mul3A_399 : f32 to vector<16xf32>
        %mul3A_401 = arith.mulf %get3A_398, %mul3A_400 : vector<16xf32>
        %swap3A_402 = arith.constant 3 : i32
        %swap3A_403 = arith.index_cast %swap3A_402 : i32 to index
        %swap3A_404 = arith.index_cast %scan3A_330 : i32 to index
        %swap3A_405 = arith.constant 64 : index
        %swap3A_406 = tpu.vector_load %arg6[%swap3A_403, %swap3A_404, %swap3A_405] {strides = array<i32>} : memref<5x128x128xf32, #tpu.memory_space<vmem>>, vector<1x1x16xf32>,
        %swap3A_407 = vector.shape_cast %swap3A_406 : vector<1x1x16xf32> to vector<16xf32>
        %swap3A_408 = vector.shape_cast %mul3A_401 : vector<16xf32> to vector<1x1x16xf32>
        tpu.vector_store %arg6[%swap3A_403, %swap3A_404, %swap3A_405], %swap3A_408 {strides = array<i32>} : memref<5x128x128xf32, #tpu.memory_space<vmem>>, vector<1x1x16xf32>,
        %get3A_409 = arith.constant 3 : i32
        %get3A_410 = arith.index_cast %get3A_409 : i32 to index
        %get3A_411 = arith.index_cast %scan3A_330 : i32 to index
        %get3A_412 = arith.constant 80 : index
        %get3A_413 = tpu.vector_load %arg6[%get3A_410, %get3A_411, %get3A_412] {strides = array<i32>} : memref<5x128x128xf32, #tpu.memory_space<vmem>>, vector<1x1x16xf32>,
        %get3A_414 = vector.shape_cast %get3A_413 : vector<1x1x16xf32> to vector<16xf32>
        %mul3A_415 = arith.constant 11.3137083 : f32
        %mul3A_416 = vector.broadcast %mul3A_415 : f32 to vector<16xf32>
        %mul3A_417 = arith.mulf %get3A_414, %mul3A_416 : vector<16xf32>
        %swap3A_418 = arith.constant 3 : i32
        %swap3A_419 = arith.index_cast %swap3A_418 : i32 to index
        %swap3A_420 = arith.index_cast %scan3A_330 : i32 to index
        %swap3A_421 = arith.constant 80 : index
        %swap3A_422 = tpu.vector_load %arg6[%swap3A_419, %swap3A_420, %swap3A_421] {strides = array<i32>} : memref<5x128x128xf32, #tpu.memory_space<vmem>>, vector<1x1x16xf32>,
        %swap3A_423 = vector.shape_cast %swap3A_422 : vector<1x1x16xf32> to vector<16xf32>
        %swap3A_424 = vector.shape_cast %mul3A_417 : vector<16xf32> to vector<1x1x16xf32>
        tpu.vector_store %arg6[%swap3A_419, %swap3A_420, %swap3A_421], %swap3A_424 {strides = array<i32>} : memref<5x128x128xf32, #tpu.memory_space<vmem>>, vector<1x1x16xf32>,
        %get3A_425 = arith.constant 3 : i32
        %get3A_426 = arith.index_cast %get3A_425 : i32 to index
        %get3A_427 = arith.index_cast %scan3A_330 : i32 to index
        %get3A_428 = arith.constant 96 : index
        %get3A_429 = tpu.vector_load %arg6[%get3A_426, %get3A_427, %get3A_428] {strides = array<i32>} : memref<5x128x128xf32, #tpu.memory_space<vmem>>, vector<1x1x16xf32>,
        %get3A_430 = vector.shape_cast %get3A_429 : vector<1x1x16xf32> to vector<16xf32>
        %mul3A_431 = arith.constant 11.3137083 : f32
        %mul3A_432 = vector.broadcast %mul3A_431 : f32 to vector<16xf32>
        %mul3A_433 = arith.mulf %get3A_430, %mul3A_432 : vector<16xf32>
        %swap3A_434 = arith.constant 3 : i32
        %swap3A_435 = arith.index_cast %swap3A_434 : i32 to index
        %swap3A_436 = arith.index_cast %scan3A_330 : i32 to index
        %swap3A_437 = arith.constant 96 : index
        %swap3A_438 = tpu.vector_load %arg6[%swap3A_435, %swap3A_436, %swap3A_437] {strides = array<i32>} : memref<5x128x128xf32, #tpu.memory_space<vmem>>, vector<1x1x16xf32>,
        %swap3A_439 = vector.shape_cast %swap3A_438 : vector<1x1x16xf32> to vector<16xf32>
        %swap3A_440 = vector.shape_cast %mul3A_433 : vector<16xf32> to vector<1x1x16xf32>
        tpu.vector_store %arg6[%swap3A_435, %swap3A_436, %swap3A_437], %swap3A_440 {strides = array<i32>} : memref<5x128x128xf32, #tpu.memory_space<vmem>>, vector<1x1x16xf32>,
        %get3A_441 = arith.constant 3 : i32
        %get3A_442 = arith.index_cast %get3A_441 : i32 to index
        %get3A_443 = arith.index_cast %scan3A_330 : i32 to index
        %get3A_444 = arith.constant 112 : index
        %get3A_445 = tpu.vector_load %arg6[%get3A_442, %get3A_443, %get3A_444] {strides = array<i32>} : memref<5x128x128xf32, #tpu.memory_space<vmem>>, vector<1x1x16xf32>,
        %get3A_446 = vector.shape_cast %get3A_445 : vector<1x1x16xf32> to vector<16xf32>
        %mul3A_447 = arith.constant 11.3137083 : f32
        %mul3A_448 = vector.broadcast %mul3A_447 : f32 to vector<16xf32>
        %mul3A_449 = arith.mulf %get3A_446, %mul3A_448 : vector<16xf32>
        %swap3A_450 = arith.constant 3 : i32
        %swap3A_451 = arith.index_cast %swap3A_450 : i32 to index
        %swap3A_452 = arith.index_cast %scan3A_330 : i32 to index
        %swap3A_453 = arith.constant 112 : index
        %swap3A_454 = tpu.vector_load %arg6[%swap3A_451, %swap3A_452, %swap3A_453] {strides = array<i32>} : memref<5x128x128xf32, #tpu.memory_space<vmem>>, vector<1x1x16xf32>,
        %swap3A_455 = vector.shape_cast %swap3A_454 : vector<1x1x16xf32> to vector<16xf32>
        %swap3A_456 = vector.shape_cast %mul3A_449 : vector<16xf32> to vector<1x1x16xf32>
        tpu.vector_store %arg6[%swap3A_451, %swap3A_452, %swap3A_453], %swap3A_456 {strides = array<i32>} : memref<5x128x128xf32, #tpu.memory_space<vmem>>, vector<1x1x16xf32>,
        %scan3A_457 = arith.constant 1 : i32
        %scan3A_458 = arith.addi %scan3A_330, %scan3A_457 : i32
        %get3A_459 = arith.constant 3 : i32
        %get3A_460 = arith.index_cast %get3A_459 : i32 to index
        %get3A_461 = arith.index_cast %scan3A_458 : i32 to index
        %get3A_462 = arith.constant 0 : index
        %get3A_463 = tpu.vector_load %arg6[%get3A_460, %get3A_461, %get3A_462] {strides = array<i32>} : memref<5x128x128xf32, #tpu.memory_space<vmem>>, vector<1x1x16xf32>,
        %get3A_464 = vector.shape_cast %get3A_463 : vector<1x1x16xf32> to vector<16xf32>
        %mul3A_465 = arith.constant 11.3137083 : f32
        %mul3A_466 = vector.broadcast %mul3A_465 : f32 to vector<16xf32>
        %mul3A_467 = arith.mulf %get3A_464, %mul3A_466 : vector<16xf32>
        %swap3A_468 = arith.constant 3 : i32
        %swap3A_469 = arith.index_cast %swap3A_468 : i32 to index
        %swap3A_470 = arith.index_cast %scan3A_458 : i32 to index
        %swap3A_471 = arith.constant 0 : index
        %swap3A_472 = tpu.vector_load %arg6[%swap3A_469, %swap3A_470, %swap3A_471] {strides = array<i32>} : memref<5x128x128xf32, #tpu.memory_space<vmem>>, vector<1x1x16xf32>,
        %swap3A_473 = vector.shape_cast %swap3A_472 : vector<1x1x16xf32> to vector<16xf32>
        %swap3A_474 = vector.shape_cast %mul3A_467 : vector<16xf32> to vector<1x1x16xf32>
        tpu.vector_store %arg6[%swap3A_469, %swap3A_470, %swap3A_471], %swap3A_474 {strides = array<i32>} : memref<5x128x128xf32, #tpu.memory_space<vmem>>, vector<1x1x16xf32>,
        %get3A_475 = arith.constant 3 : i32
        %get3A_476 = arith.index_cast %get3A_475 : i32 to index
        %get3A_477 = arith.index_cast %scan3A_458 : i32 to index
        %get3A_478 = arith.constant 16 : index
        %get3A_479 = tpu.vector_load %arg6[%get3A_476, %get3A_477, %get3A_478] {strides = array<i32>} : memref<5x128x128xf32, #tpu.memory_space<vmem>>, vector<1x1x16xf32>,
        %get3A_480 = vector.shape_cast %get3A_479 : vector<1x1x16xf32> to vector<16xf32>
        %mul3A_481 = arith.constant 11.3137083 : f32
        %mul3A_482 = vector.broadcast %mul3A_481 : f32 to vector<16xf32>
        %mul3A_483 = arith.mulf %get3A_480, %mul3A_482 : vector<16xf32>
        %swap3A_484 = arith.constant 3 : i32
        %swap3A_485 = arith.index_cast %swap3A_484 : i32 to index
        %swap3A_486 = arith.index_cast %scan3A_458 : i32 to index
        %swap3A_487 = arith.constant 16 : index
        %swap3A_488 = tpu.vector_load %arg6[%swap3A_485, %swap3A_486, %swap3A_487] {strides = array<i32>} : memref<5x128x128xf32, #tpu.memory_space<vmem>>, vector<1x1x16xf32>,
        %swap3A_489 = vector.shape_cast %swap3A_488 : vector<1x1x16xf32> to vector<16xf32>
        %swap3A_490 = vector.shape_cast %mul3A_483 : vector<16xf32> to vector<1x1x16xf32>
        tpu.vector_store %arg6[%swap3A_485, %swap3A_486, %swap3A_487], %swap3A_490 {strides = array<i32>} : memref<5x128x128xf32, #tpu.memory_space<vmem>>, vector<1x1x16xf32>,
        %get3A_491 = arith.constant 3 : i32
        %get3A_492 = arith.index_cast %get3A_491 : i32 to index
        %get3A_493 = arith.index_cast %scan3A_458 : i32 to index
        %get3A_494 = arith.constant 32 : index
        %get3A_495 = tpu.vector_load %arg6[%get3A_492, %get3A_493, %get3A_494] {strides = array<i32>} : memref<5x128x128xf32, #tpu.memory_space<vmem>>, vector<1x1x16xf32>,
        %get3A_496 = vector.shape_cast %get3A_495 : vector<1x1x16xf32> to vector<16xf32>
        %mul3A_497 = arith.constant 11.3137083 : f32
        %mul3A_498 = vector.broadcast %mul3A_497 : f32 to vector<16xf32>
        %mul3A_499 = arith.mulf %get3A_496, %mul3A_498 : vector<16xf32>
        %swap3A_500 = arith.constant 3 : i32
        %swap3A_501 = arith.index_cast %swap3A_500 : i32 to index
        %swap3A_502 = arith.index_cast %scan3A_458 : i32 to index
        %swap3A_503 = arith.constant 32 : index
        %swap3A_504 = tpu.vector_load %arg6[%swap3A_501, %swap3A_502, %swap3A_503] {strides = array<i32>} : memref<5x128x128xf32, #tpu.memory_space<vmem>>, vector<1x1x16xf32>,
        %swap3A_505 = vector.shape_cast %swap3A_504 : vector<1x1x16xf32> to vector<16xf32>
        %swap3A_506 = vector.shape_cast %mul3A_499 : vector<16xf32> to vector<1x1x16xf32>
        tpu.vector_store %arg6[%swap3A_501, %swap3A_502, %swap3A_503], %swap3A_506 {strides = array<i32>} : memref<5x128x128xf32, #tpu.memory_space<vmem>>, vector<1x1x16xf32>,
        %get3A_507 = arith.constant 3 : i32
        %get3A_508 = arith.index_cast %get3A_507 : i32 to index
        %get3A_509 = arith.index_cast %scan3A_458 : i32 to index
        %get3A_510 = arith.constant 48 : index
        %get3A_511 = tpu.vector_load %arg6[%get3A_508, %get3A_509, %get3A_510] {strides = array<i32>} : memref<5x128x128xf32, #tpu.memory_space<vmem>>, vector<1x1x16xf32>,
        %get3A_512 = vector.shape_cast %get3A_511 : vector<1x1x16xf32> to vector<16xf32>
        %mul3A_513 = arith.constant 11.3137083 : f32
        %mul3A_514 = vector.broadcast %mul3A_513 : f32 to vector<16xf32>
        %mul3A_515 = arith.mulf %get3A_512, %mul3A_514 : vector<16xf32>
        %swap3A_516 = arith.constant 3 : i32
        %swap3A_517 = arith.index_cast %swap3A_516 : i32 to index
        %swap3A_518 = arith.index_cast %scan3A_458 : i32 to index
        %swap3A_519 = arith.constant 48 : index
        %swap3A_520 = tpu.vector_load %arg6[%swap3A_517, %swap3A_518, %swap3A_519] {strides = array<i32>} : memref<5x128x128xf32, #tpu.memory_space<vmem>>, vector<1x1x16xf32>,
        %swap3A_521 = vector.shape_cast %swap3A_520 : vector<1x1x16xf32> to vector<16xf32>
        %swap3A_522 = vector.shape_cast %mul3A_515 : vector<16xf32> to vector<1x1x16xf32>
        tpu.vector_store %arg6[%swap3A_517, %swap3A_518, %swap3A_519], %swap3A_522 {strides = array<i32>} : memref<5x128x128xf32, #tpu.memory_space<vmem>>, vector<1x1x16xf32>,
        %get3A_523 = arith.constant 3 : i32
        %get3A_524 = arith.index_cast %get3A_523 : i32 to index
        %get3A_525 = arith.index_cast %scan3A_458 : i32 to index
        %get3A_526 = arith.constant 64 : index
        %get3A_527 = tpu.vector_load %arg6[%get3A_524, %get3A_525, %get3A_526] {strides = array<i32>} : memref<5x128x128xf32, #tpu.memory_space<vmem>>, vector<1x1x16xf32>,
        %get3A_528 = vector.shape_cast %get3A_527 : vector<1x1x16xf32> to vector<16xf32>
        %mul3A_529 = arith.constant 11.3137083 : f32
        %mul3A_530 = vector.broadcast %mul3A_529 : f32 to vector<16xf32>
        %mul3A_531 = arith.mulf %get3A_528, %mul3A_530 : vector<16xf32>
        %swap3A_532 = arith.constant 3 : i32
        %swap3A_533 = arith.index_cast %swap3A_532 : i32 to index
        %swap3A_534 = arith.index_cast %scan3A_458 : i32 to index
        %swap3A_535 = arith.constant 64 : index
        %swap3A_536 = tpu.vector_load %arg6[%swap3A_533, %swap3A_534, %swap3A_535] {strides = array<i32>} : memref<5x128x128xf32, #tpu.memory_space<vmem>>, vector<1x1x16xf32>,
        %swap3A_537 = vector.shape_cast %swap3A_536 : vector<1x1x16xf32> to vector<16xf32>
        %swap3A_538 = vector.shape_cast %mul3A_531 : vector<16xf32> to vector<1x1x16xf32>
        tpu.vector_store %arg6[%swap3A_533, %swap3A_534, %swap3A_535], %swap3A_538 {strides = array<i32>} : memref<5x128x128xf32, #tpu.memory_space<vmem>>, vector<1x1x16xf32>,
        %get3A_539 = arith.constant 3 : i32
        %get3A_540 = arith.index_cast %get3A_539 : i32 to index
        %get3A_541 = arith.index_cast %scan3A_458 : i32 to index
        %get3A_542 = arith.constant 80 : index
        %get3A_543 = tpu.vector_load %arg6[%get3A_540, %get3A_541, %get3A_542] {strides = array<i32>} : memref<5x128x128xf32, #tpu.memory_space<vmem>>, vector<1x1x16xf32>,
        %get3A_544 = vector.shape_cast %get3A_543 : vector<1x1x16xf32> to vector<16xf32>
        %mul3A_545 = arith.constant 11.3137083 : f32
        %mul3A_546 = vector.broadcast %mul3A_545 : f32 to vector<16xf32>
        %mul3A_547 = arith.mulf %get3A_544, %mul3A_546 : vector<16xf32>
        %swap3A_548 = arith.constant 3 : i32
        %swap3A_549 = arith.index_cast %swap3A_548 : i32 to index
        %swap3A_550 = arith.index_cast %scan3A_458 : i32 to index
        %swap3A_551 = arith.constant 80 : index
        %swap3A_552 = tpu.vector_load %arg6[%swap3A_549, %swap3A_550, %swap3A_551] {strides = array<i32>} : memref<5x128x128xf32, #tpu.memory_space<vmem>>, vector<1x1x16xf32>,
        %swap3A_553 = vector.shape_cast %swap3A_552 : vector<1x1x16xf32> to vector<16xf32>
        %swap3A_554 = vector.shape_cast %mul3A_547 : vector<16xf32> to vector<1x1x16xf32>
        tpu.vector_store %arg6[%swap3A_549, %swap3A_550, %swap3A_551], %swap3A_554 {strides = array<i32>} : memref<5x128x128xf32, #tpu.memory_space<vmem>>, vector<1x1x16xf32>,
        %get3A_555 = arith.constant 3 : i32
        %get3A_556 = arith.index_cast %get3A_555 : i32 to index
        %get3A_557 = arith.index_cast %scan3A_458 : i32 to index
        %get3A_558 = arith.constant 96 : index
        %get3A_559 = tpu.vector_load %arg6[%get3A_556, %get3A_557, %get3A_558] {strides = array<i32>} : memref<5x128x128xf32, #tpu.memory_space<vmem>>, vector<1x1x16xf32>,
        %get3A_560 = vector.shape_cast %get3A_559 : vector<1x1x16xf32> to vector<16xf32>
        %mul3A_561 = arith.constant 11.3137083 : f32
        %mul3A_562 = vector.broadcast %mul3A_561 : f32 to vector<16xf32>
        %mul3A_563 = arith.mulf %get3A_560, %mul3A_562 : vector<16xf32>
        %swap3A_564 = arith.constant 3 : i32
        %swap3A_565 = arith.index_cast %swap3A_564 : i32 to index
        %swap3A_566 = arith.index_cast %scan3A_458 : i32 to index
        %swap3A_567 = arith.constant 96 : index
        %swap3A_568 = tpu.vector_load %arg6[%swap3A_565, %swap3A_566, %swap3A_567] {strides = array<i32>} : memref<5x128x128xf32, #tpu.memory_space<vmem>>, vector<1x1x16xf32>,
        %swap3A_569 = vector.shape_cast %swap3A_568 : vector<1x1x16xf32> to vector<16xf32>
        %swap3A_570 = vector.shape_cast %mul3A_563 : vector<16xf32> to vector<1x1x16xf32>
        tpu.vector_store %arg6[%swap3A_565, %swap3A_566, %swap3A_567], %swap3A_570 {strides = array<i32>} : memref<5x128x128xf32, #tpu.memory_space<vmem>>, vector<1x1x16xf32>,
        %get3A_571 = arith.constant 3 : i32
        %get3A_572 = arith.index_cast %get3A_571 : i32 to index
        %get3A_573 = arith.index_cast %scan3A_458 : i32 to index
        %get3A_574 = arith.constant 112 : index
        %get3A_575 = tpu.vector_load %arg6[%get3A_572, %get3A_573, %get3A_574] {strides = array<i32>} : memref<5x128x128xf32, #tpu.memory_space<vmem>>, vector<1x1x16xf32>,
        %get3A_576 = vector.shape_cast %get3A_575 : vector<1x1x16xf32> to vector<16xf32>
        %mul3A_577 = arith.constant 11.3137083 : f32
        %mul3A_578 = vector.broadcast %mul3A_577 : f32 to vector<16xf32>
        %mul3A_579 = arith.mulf %get3A_576, %mul3A_578 : vector<16xf32>
        %swap3A_580 = arith.constant 3 : i32
        %swap3A_581 = arith.index_cast %swap3A_580 : i32 to index
        %swap3A_582 = arith.index_cast %scan3A_458 : i32 to index
        %swap3A_583 = arith.constant 112 : index
        %swap3A_584 = tpu.vector_load %arg6[%swap3A_581, %swap3A_582, %swap3A_583] {strides = array<i32>} : memref<5x128x128xf32, #tpu.memory_space<vmem>>, vector<1x1x16xf32>,
        %swap3A_585 = vector.shape_cast %swap3A_584 : vector<1x1x16xf32> to vector<16xf32>
        %swap3A_586 = vector.shape_cast %mul3A_579 : vector<16xf32> to vector<1x1x16xf32>
        tpu.vector_store %arg6[%swap3A_581, %swap3A_582, %swap3A_583], %swap3A_586 {strides = array<i32>} : memref<5x128x128xf32, #tpu.memory_space<vmem>>, vector<1x1x16xf32>,
      }
      %scan3A_260 = arith.constant 128 : i32
      %mul3A_261 = arith.constant 128 : i32
      %mul3A_262 = arith.muli %add3A_227, %mul3A_261 : i32
      %add3A_263 = arith.addi %mul3A_2, %mul3A_262 : i32
      %dma_start3A_264 = arith.constant 3 : i32
      %dma_start3A_265 = arith.constant 0 : i32
      %dma_start3A_266 = arith.constant 0 : i32
      %dma_start3A_267 = tpu.memref_slice %arg6[%dma_start3A_264, %dma_start3A_265, %dma_start3A_266] : memref<5x128x128xf32, #tpu.memory_space<vmem>> -> memref<1x128x128xf32, #tpu.memory_space<vmem>>
      %dma_start3A_268 = tpu.memref_squeeze %dma_start3A_267 : memref<1x128x128xf32, #tpu.memory_space<vmem>> -> memref<128x128xf32, #tpu.memory_space<vmem>>
      %dma_start3A_269 = arith.constant 0 : i32
      %dma_start3A_270 = tpu.memref_slice %arg4[%add3A_263, %dma_start3A_269] : memref<204800x128xf32, #tpu.memory_space<hbm>> -> memref<128x128xf32, #tpu.memory_space<hbm>>
      %dma_start3A_271 = arith.constant 0 : i32
      %dma_start3A_272 = tpu.memref_slice %arg4[%add3A_263, %dma_start3A_271] : memref<204800x128xf32, #tpu.memory_space<hbm>> -> memref<128x128xf32, #tpu.memory_space<hbm>>
      %dma_start3A_273 = arith.constant 0 : i32
      %dma_start3A_274 = arith.constant 0 : i32
      %dma_start3A_275 = tpu.memref_slice %arg6[%dma_start3A_264, %dma_start3A_273, %dma_start3A_274] : memref<5x128x128xf32, #tpu.memory_space<vmem>> -> memref<1x128x128xf32, #tpu.memory_space<vmem>>
      %dma_start3A_276 = tpu.memref_squeeze %dma_start3A_275 : memref<1x128x128xf32, #tpu.memory_space<vmem>> -> memref<128x128xf32, #tpu.memory_space<vmem>>
      tpu.enqueue_dma source(%dma_start3A_276 : memref<128x128xf32, #tpu.memory_space<vmem>>) target(%dma_start3A_272 : memref<128x128xf32, #tpu.memory_space<hbm>>) target_semaphore(%arg15 : memref<!tpu.dma_semaphore, #tpu.memory_space<semaphore_mem>>)
      %mul3A_277 = arith.constant 5 : i32
      %mul3A_278 = arith.muli %scan3A_69, %mul3A_277 : i32
      %add3A_279 = arith.constant 4 : i32
      %add3A_280 = arith.addi %mul3A_278, %add3A_279 : i32
      %add3A_281 = arith.constant 2 : i32
      %add3A_282 = arith.addi %add3A_280, %add3A_281 : i32
      %sub3A_283 = arith.constant 5 : i32
      %sub3A_284 = arith.subi %add3A_282, %sub3A_283 : i32
      %ge3A_285 = arith.constant 0 : i32
      %ge3A_286 = arith.cmpi sge, %sub3A_284, %ge3A_285 : i32
      %convert_element_type3A_287 = arith.extui %ge3A_286 : i1 to i32
      %cond3A_288 = arith.constant 0 : i32
      %cond3A_289 = arith.cmpi ne, %convert_element_type3A_287, %cond3A_288 : i32
      scf.if %cond3A_289 {
        %dma_wait3A_330 = arith.constant 1 : i32
        %dma_wait3A_331 = arith.constant 0 : i32
        %dma_wait3A_332 = arith.constant 0 : i32
        %dma_wait3A_333 = tpu.memref_slice %arg6[%dma_wait3A_330, %dma_wait3A_331, %dma_wait3A_332] : memref<5x128x128xf32, #tpu.memory_space<vmem>> -> memref<1x128x128xf32, #tpu.memory_space<vmem>>
        %dma_wait3A_334 = tpu.memref_squeeze %dma_wait3A_333 : memref<1x128x128xf32, #tpu.memory_space<vmem>> -> memref<128x128xf32, #tpu.memory_space<vmem>>
        %dma_wait3A_335 = arith.constant 0 : i32
        %dma_wait3A_336 = tpu.memref_slice %arg4[%mul3A_2, %dma_wait3A_335] : memref<204800x128xf32, #tpu.memory_space<hbm>> -> memref<128x128xf32, #tpu.memory_space<hbm>>
        %dma_wait3A_337 = arith.constant 0 : i32
        %dma_wait3A_338 = tpu.memref_slice %arg4[%mul3A_2, %dma_wait3A_337] : memref<204800x128xf32, #tpu.memory_space<hbm>> -> memref<128x128xf32, #tpu.memory_space<hbm>>
        %dma_wait3A_339 = arith.constant 0 : i32
        %dma_wait3A_340 = arith.constant 0 : i32
        %dma_wait3A_341 = tpu.memref_slice %arg6[%dma_wait3A_330, %dma_wait3A_339, %dma_wait3A_340] : memref<5x128x128xf32, #tpu.memory_space<vmem>> -> memref<1x128x128xf32, #tpu.memory_space<vmem>>
        %dma_wait3A_342 = tpu.memref_squeeze %dma_wait3A_341 : memref<1x128x128xf32, #tpu.memory_space<vmem>> -> memref<128x128xf32, #tpu.memory_space<vmem>>
        tpu.wait_dma2 semaphore(%arg13 : memref<!tpu.dma_semaphore, #tpu.memory_space<semaphore_mem>>) src(%dma_wait3A_342 : memref<128x128xf32, #tpu.memory_space<vmem>>) dst(%dma_wait3A_338 : memref<128x128xf32, #tpu.memory_space<hbm>>)
      } else {
      }
      %add3A_290 = arith.constant 2 : i32
      %add3A_291 = arith.addi %add3A_280, %add3A_290 : i32
      %lt3A_292 = arith.constant 50 : i32
      %lt3A_293 = arith.cmpi slt, %add3A_291, %lt3A_292 : i32
      %convert_element_type3A_294 = arith.extui %lt3A_293 : i1 to i32
      %cond3A_295 = arith.constant 0 : i32
      %cond3A_296 = arith.cmpi ne, %convert_element_type3A_294, %cond3A_295 : i32
      scf.if %cond3A_296 {
        %add3A_330 = arith.constant 2 : i32
        %add3A_331 = arith.addi %add3A_280, %add3A_330 : i32
        %dma_start3A_332 = arith.constant 1 : i32
        %dma_start3A_333 = arith.constant 0 : i32
        %dma_start3A_334 = arith.constant 0 : i32
        %dma_start3A_335 = tpu.memref_slice %arg6[%dma_start3A_332, %dma_start3A_333, %dma_start3A_334] : memref<5x128x128xf32, #tpu.memory_space<vmem>> -> memref<1x128x128xf32, #tpu.memory_space<vmem>>
        %dma_start3A_336 = tpu.memref_squeeze %dma_start3A_335 : memref<1x128x128xf32, #tpu.memory_space<vmem>> -> memref<128x128xf32, #tpu.memory_space<vmem>>
        %dma_start3A_337 = arith.constant 0 : i32
        %dma_start3A_338 = tpu.memref_slice %arg5[%add3A_331, %dma_start3A_337] : memref<50x128xi32, #tpu.memory_space<vmem>> -> memref<1x128xi32, #tpu.memory_space<vmem>>
        %dma_start3A_339 = tpu.memref_squeeze %dma_start3A_338 : memref<1x128xi32, #tpu.memory_space<vmem>> -> memref<128xi32, #tpu.memory_space<vmem>>
        %dma_start3A_340 = arith.constant 0 : i32
        %dma_start3A_341 = arith.constant 0 : i32
        %dma_start3A_342 = tpu.memref_slice %arg3[%dma_start3A_340, %dma_start3A_341] : memref<100000x128xf32, #tpu.memory_space<hbm>> -> memref<100000x128xf32, #tpu.memory_space<hbm>>
        tpu.enqueue_indirect_dma source(%dma_start3A_342 : memref<100000x128xf32, #tpu.memory_space<hbm>>) target(%dma_start3A_336 : memref<128x128xf32, #tpu.memory_space<vmem>>) offsets(%dma_start3A_339 : memref<128xi32, #tpu.memory_space<vmem>>) semaphore(%arg8 : memref<!tpu.dma_semaphore, #tpu.memory_space<semaphore_mem>>)
      } else {
      }
      %dma_wait3A_297 = arith.constant 4 : i32
      %dma_wait3A_298 = arith.constant 0 : i32
      %dma_wait3A_299 = arith.constant 0 : i32
      %dma_wait3A_300 = tpu.memref_slice %arg6[%dma_wait3A_297, %dma_wait3A_298, %dma_wait3A_299] : memref<5x128x128xf32, #tpu.memory_space<vmem>> -> memref<1x128x128xf32, #tpu.memory_space<vmem>>
      %dma_wait3A_301 = tpu.memref_squeeze %dma_wait3A_300 : memref<1x128x128xf32, #tpu.memory_space<vmem>> -> memref<128x128xf32, #tpu.memory_space<vmem>>
      %dma_wait3A_302 = arith.constant 0 : i32
      %dma_wait3A_303 = tpu.memref_slice %arg5[%add3A_280, %dma_wait3A_302] : memref<50x128xi32, #tpu.memory_space<vmem>> -> memref<1x128xi32, #tpu.memory_space<vmem>>
      %dma_wait3A_304 = tpu.memref_squeeze %dma_wait3A_303 : memref<1x128xi32, #tpu.memory_space<vmem>> -> memref<128xi32, #tpu.memory_space<vmem>>
      %dma_wait3A_305 = arith.constant 0 : i32
      %dma_wait3A_306 = arith.constant 0 : i32
      %dma_wait3A_307 = tpu.memref_slice %arg3[%dma_wait3A_305, %dma_wait3A_306] : memref<100000x128xf32, #tpu.memory_space<hbm>> -> memref<100000x128xf32, #tpu.memory_space<hbm>>
      tpu.wait_indirect_dma semaphore(%arg11 : memref<!tpu.dma_semaphore, #tpu.memory_space<semaphore_mem>>) src(%dma_wait3A_307 : memref<100000x128xf32, #tpu.memory_space<hbm>>) dst(%dma_wait3A_301 : memref<128x128xf32, #tpu.memory_space<vmem>>)
      %scan3A_308 = arith.constant 0 : i32
      %scan3A_309 = arith.constant 0 : i32
      %scan3A_310 = arith.constant 128 : i32
      %scan3A_311 = arith.addi %scan3A_309, %scan3A_310 : i32
      %scan3A_312 = arith.constant 2 : i32
      scf.for %scan3A_330 = %scan3A_309 to %scan3A_311 step %scan3A_312  : i32 {
        %get3A = arith.constant 4 : i32
        %get3A_331 = arith.index_cast %get3A : i32 to index
        %get3A_332 = arith.index_cast %scan3A_330 : i32 to index
        %get3A_333 = arith.constant 0 : index
        %get3A_334 = tpu.vector_load %arg6[%get3A_331, %get3A_332, %get3A_333] {strides = array<i32>} : memref<5x128x128xf32, #tpu.memory_space<vmem>>, vector<1x1x16xf32>,
        %get3A_335 = vector.shape_cast %get3A_334 : vector<1x1x16xf32> to vector<16xf32>
        %mul3A_336 = arith.constant 11.3137083 : f32
        %mul3A_337 = vector.broadcast %mul3A_336 : f32 to vector<16xf32>
        %mul3A_338 = arith.mulf %get3A_335, %mul3A_337 : vector<16xf32>
        %swap3A = arith.constant 4 : i32
        %swap3A_339 = arith.index_cast %swap3A : i32 to index
        %swap3A_340 = arith.index_cast %scan3A_330 : i32 to index
        %swap3A_341 = arith.constant 0 : index
        %swap3A_342 = tpu.vector_load %arg6[%swap3A_339, %swap3A_340, %swap3A_341] {strides = array<i32>} : memref<5x128x128xf32, #tpu.memory_space<vmem>>, vector<1x1x16xf32>,
        %swap3A_343 = vector.shape_cast %swap3A_342 : vector<1x1x16xf32> to vector<16xf32>
        %swap3A_344 = vector.shape_cast %mul3A_338 : vector<16xf32> to vector<1x1x16xf32>
        tpu.vector_store %arg6[%swap3A_339, %swap3A_340, %swap3A_341], %swap3A_344 {strides = array<i32>} : memref<5x128x128xf32, #tpu.memory_space<vmem>>, vector<1x1x16xf32>,
        %get3A_345 = arith.constant 4 : i32
        %get3A_346 = arith.index_cast %get3A_345 : i32 to index
        %get3A_347 = arith.index_cast %scan3A_330 : i32 to index
        %get3A_348 = arith.constant 16 : index
        %get3A_349 = tpu.vector_load %arg6[%get3A_346, %get3A_347, %get3A_348] {strides = array<i32>} : memref<5x128x128xf32, #tpu.memory_space<vmem>>, vector<1x1x16xf32>,
        %get3A_350 = vector.shape_cast %get3A_349 : vector<1x1x16xf32> to vector<16xf32>
        %mul3A_351 = arith.constant 11.3137083 : f32
        %mul3A_352 = vector.broadcast %mul3A_351 : f32 to vector<16xf32>
        %mul3A_353 = arith.mulf %get3A_350, %mul3A_352 : vector<16xf32>
        %swap3A_354 = arith.constant 4 : i32
        %swap3A_355 = arith.index_cast %swap3A_354 : i32 to index
        %swap3A_356 = arith.index_cast %scan3A_330 : i32 to index
        %swap3A_357 = arith.constant 16 : index
        %swap3A_358 = tpu.vector_load %arg6[%swap3A_355, %swap3A_356, %swap3A_357] {strides = array<i32>} : memref<5x128x128xf32, #tpu.memory_space<vmem>>, vector<1x1x16xf32>,
        %swap3A_359 = vector.shape_cast %swap3A_358 : vector<1x1x16xf32> to vector<16xf32>
        %swap3A_360 = vector.shape_cast %mul3A_353 : vector<16xf32> to vector<1x1x16xf32>
        tpu.vector_store %arg6[%swap3A_355, %swap3A_356, %swap3A_357], %swap3A_360 {strides = array<i32>} : memref<5x128x128xf32, #tpu.memory_space<vmem>>, vector<1x1x16xf32>,
        %get3A_361 = arith.constant 4 : i32
        %get3A_362 = arith.index_cast %get3A_361 : i32 to index
        %get3A_363 = arith.index_cast %scan3A_330 : i32 to index
        %get3A_364 = arith.constant 32 : index
        %get3A_365 = tpu.vector_load %arg6[%get3A_362, %get3A_363, %get3A_364] {strides = array<i32>} : memref<5x128x128xf32, #tpu.memory_space<vmem>>, vector<1x1x16xf32>,
        %get3A_366 = vector.shape_cast %get3A_365 : vector<1x1x16xf32> to vector<16xf32>
        %mul3A_367 = arith.constant 11.3137083 : f32
        %mul3A_368 = vector.broadcast %mul3A_367 : f32 to vector<16xf32>
        %mul3A_369 = arith.mulf %get3A_366, %mul3A_368 : vector<16xf32>
        %swap3A_370 = arith.constant 4 : i32
        %swap3A_371 = arith.index_cast %swap3A_370 : i32 to index
        %swap3A_372 = arith.index_cast %scan3A_330 : i32 to index
        %swap3A_373 = arith.constant 32 : index
        %swap3A_374 = tpu.vector_load %arg6[%swap3A_371, %swap3A_372, %swap3A_373] {strides = array<i32>} : memref<5x128x128xf32, #tpu.memory_space<vmem>>, vector<1x1x16xf32>,
        %swap3A_375 = vector.shape_cast %swap3A_374 : vector<1x1x16xf32> to vector<16xf32>
        %swap3A_376 = vector.shape_cast %mul3A_369 : vector<16xf32> to vector<1x1x16xf32>
        tpu.vector_store %arg6[%swap3A_371, %swap3A_372, %swap3A_373], %swap3A_376 {strides = array<i32>} : memref<5x128x128xf32, #tpu.memory_space<vmem>>, vector<1x1x16xf32>,
        %get3A_377 = arith.constant 4 : i32
        %get3A_378 = arith.index_cast %get3A_377 : i32 to index
        %get3A_379 = arith.index_cast %scan3A_330 : i32 to index
        %get3A_380 = arith.constant 48 : index
        %get3A_381 = tpu.vector_load %arg6[%get3A_378, %get3A_379, %get3A_380] {strides = array<i32>} : memref<5x128x128xf32, #tpu.memory_space<vmem>>, vector<1x1x16xf32>,
        %get3A_382 = vector.shape_cast %get3A_381 : vector<1x1x16xf32> to vector<16xf32>
        %mul3A_383 = arith.constant 11.3137083 : f32
        %mul3A_384 = vector.broadcast %mul3A_383 : f32 to vector<16xf32>
        %mul3A_385 = arith.mulf %get3A_382, %mul3A_384 : vector<16xf32>
        %swap3A_386 = arith.constant 4 : i32
        %swap3A_387 = arith.index_cast %swap3A_386 : i32 to index
        %swap3A_388 = arith.index_cast %scan3A_330 : i32 to index
        %swap3A_389 = arith.constant 48 : index
        %swap3A_390 = tpu.vector_load %arg6[%swap3A_387, %swap3A_388, %swap3A_389] {strides = array<i32>} : memref<5x128x128xf32, #tpu.memory_space<vmem>>, vector<1x1x16xf32>,
        %swap3A_391 = vector.shape_cast %swap3A_390 : vector<1x1x16xf32> to vector<16xf32>
        %swap3A_392 = vector.shape_cast %mul3A_385 : vector<16xf32> to vector<1x1x16xf32>
        tpu.vector_store %arg6[%swap3A_387, %swap3A_388, %swap3A_389], %swap3A_392 {strides = array<i32>} : memref<5x128x128xf32, #tpu.memory_space<vmem>>, vector<1x1x16xf32>,
        %get3A_393 = arith.constant 4 : i32
        %get3A_394 = arith.index_cast %get3A_393 : i32 to index
        %get3A_395 = arith.index_cast %scan3A_330 : i32 to index
        %get3A_396 = arith.constant 64 : index
        %get3A_397 = tpu.vector_load %arg6[%get3A_394, %get3A_395, %get3A_396] {strides = array<i32>} : memref<5x128x128xf32, #tpu.memory_space<vmem>>, vector<1x1x16xf32>,
        %get3A_398 = vector.shape_cast %get3A_397 : vector<1x1x16xf32> to vector<16xf32>
        %mul3A_399 = arith.constant 11.3137083 : f32
        %mul3A_400 = vector.broadcast %mul3A_399 : f32 to vector<16xf32>
        %mul3A_401 = arith.mulf %get3A_398, %mul3A_400 : vector<16xf32>
        %swap3A_402 = arith.constant 4 : i32
        %swap3A_403 = arith.index_cast %swap3A_402 : i32 to index
        %swap3A_404 = arith.index_cast %scan3A_330 : i32 to index
        %swap3A_405 = arith.constant 64 : index
        %swap3A_406 = tpu.vector_load %arg6[%swap3A_403, %swap3A_404, %swap3A_405] {strides = array<i32>} : memref<5x128x128xf32, #tpu.memory_space<vmem>>, vector<1x1x16xf32>,
        %swap3A_407 = vector.shape_cast %swap3A_406 : vector<1x1x16xf32> to vector<16xf32>
        %swap3A_408 = vector.shape_cast %mul3A_401 : vector<16xf32> to vector<1x1x16xf32>
        tpu.vector_store %arg6[%swap3A_403, %swap3A_404, %swap3A_405], %swap3A_408 {strides = array<i32>} : memref<5x128x128xf32, #tpu.memory_space<vmem>>, vector<1x1x16xf32>,
        %get3A_409 = arith.constant 4 : i32
        %get3A_410 = arith.index_cast %get3A_409 : i32 to index
        %get3A_411 = arith.index_cast %scan3A_330 : i32 to index
        %get3A_412 = arith.constant 80 : index
        %get3A_413 = tpu.vector_load %arg6[%get3A_410, %get3A_411, %get3A_412] {strides = array<i32>} : memref<5x128x128xf32, #tpu.memory_space<vmem>>, vector<1x1x16xf32>,
        %get3A_414 = vector.shape_cast %get3A_413 : vector<1x1x16xf32> to vector<16xf32>
        %mul3A_415 = arith.constant 11.3137083 : f32
        %mul3A_416 = vector.broadcast %mul3A_415 : f32 to vector<16xf32>
        %mul3A_417 = arith.mulf %get3A_414, %mul3A_416 : vector<16xf32>
        %swap3A_418 = arith.constant 4 : i32
        %swap3A_419 = arith.index_cast %swap3A_418 : i32 to index
        %swap3A_420 = arith.index_cast %scan3A_330 : i32 to index
        %swap3A_421 = arith.constant 80 : index
        %swap3A_422 = tpu.vector_load %arg6[%swap3A_419, %swap3A_420, %swap3A_421] {strides = array<i32>} : memref<5x128x128xf32, #tpu.memory_space<vmem>>, vector<1x1x16xf32>,
        %swap3A_423 = vector.shape_cast %swap3A_422 : vector<1x1x16xf32> to vector<16xf32>
        %swap3A_424 = vector.shape_cast %mul3A_417 : vector<16xf32> to vector<1x1x16xf32>
        tpu.vector_store %arg6[%swap3A_419, %swap3A_420, %swap3A_421], %swap3A_424 {strides = array<i32>} : memref<5x128x128xf32, #tpu.memory_space<vmem>>, vector<1x1x16xf32>,
        %get3A_425 = arith.constant 4 : i32
        %get3A_426 = arith.index_cast %get3A_425 : i32 to index
        %get3A_427 = arith.index_cast %scan3A_330 : i32 to index
        %get3A_428 = arith.constant 96 : index
        %get3A_429 = tpu.vector_load %arg6[%get3A_426, %get3A_427, %get3A_428] {strides = array<i32>} : memref<5x128x128xf32, #tpu.memory_space<vmem>>, vector<1x1x16xf32>,
        %get3A_430 = vector.shape_cast %get3A_429 : vector<1x1x16xf32> to vector<16xf32>
        %mul3A_431 = arith.constant 11.3137083 : f32
        %mul3A_432 = vector.broadcast %mul3A_431 : f32 to vector<16xf32>
        %mul3A_433 = arith.mulf %get3A_430, %mul3A_432 : vector<16xf32>
        %swap3A_434 = arith.constant 4 : i32
        %swap3A_435 = arith.index_cast %swap3A_434 : i32 to index
        %swap3A_436 = arith.index_cast %scan3A_330 : i32 to index
        %swap3A_437 = arith.constant 96 : index
        %swap3A_438 = tpu.vector_load %arg6[%swap3A_435, %swap3A_436, %swap3A_437] {strides = array<i32>} : memref<5x128x128xf32, #tpu.memory_space<vmem>>, vector<1x1x16xf32>,
        %swap3A_439 = vector.shape_cast %swap3A_438 : vector<1x1x16xf32> to vector<16xf32>
        %swap3A_440 = vector.shape_cast %mul3A_433 : vector<16xf32> to vector<1x1x16xf32>
        tpu.vector_store %arg6[%swap3A_435, %swap3A_436, %swap3A_437], %swap3A_440 {strides = array<i32>} : memref<5x128x128xf32, #tpu.memory_space<vmem>>, vector<1x1x16xf32>,
        %get3A_441 = arith.constant 4 : i32
        %get3A_442 = arith.index_cast %get3A_441 : i32 to index
        %get3A_443 = arith.index_cast %scan3A_330 : i32 to index
        %get3A_444 = arith.constant 112 : index
        %get3A_445 = tpu.vector_load %arg6[%get3A_442, %get3A_443, %get3A_444] {strides = array<i32>} : memref<5x128x128xf32, #tpu.memory_space<vmem>>, vector<1x1x16xf32>,
        %get3A_446 = vector.shape_cast %get3A_445 : vector<1x1x16xf32> to vector<16xf32>
        %mul3A_447 = arith.constant 11.3137083 : f32
        %mul3A_448 = vector.broadcast %mul3A_447 : f32 to vector<16xf32>
        %mul3A_449 = arith.mulf %get3A_446, %mul3A_448 : vector<16xf32>
        %swap3A_450 = arith.constant 4 : i32
        %swap3A_451 = arith.index_cast %swap3A_450 : i32 to index
        %swap3A_452 = arith.index_cast %scan3A_330 : i32 to index
        %swap3A_453 = arith.constant 112 : index
        %swap3A_454 = tpu.vector_load %arg6[%swap3A_451, %swap3A_452, %swap3A_453] {strides = array<i32>} : memref<5x128x128xf32, #tpu.memory_space<vmem>>, vector<1x1x16xf32>,
        %swap3A_455 = vector.shape_cast %swap3A_454 : vector<1x1x16xf32> to vector<16xf32>
        %swap3A_456 = vector.shape_cast %mul3A_449 : vector<16xf32> to vector<1x1x16xf32>
        tpu.vector_store %arg6[%swap3A_451, %swap3A_452, %swap3A_453], %swap3A_456 {strides = array<i32>} : memref<5x128x128xf32, #tpu.memory_space<vmem>>, vector<1x1x16xf32>,
        %scan3A_457 = arith.constant 1 : i32
        %scan3A_458 = arith.addi %scan3A_330, %scan3A_457 : i32
        %get3A_459 = arith.constant 4 : i32
        %get3A_460 = arith.index_cast %get3A_459 : i32 to index
        %get3A_461 = arith.index_cast %scan3A_458 : i32 to index
        %get3A_462 = arith.constant 0 : index
        %get3A_463 = tpu.vector_load %arg6[%get3A_460, %get3A_461, %get3A_462] {strides = array<i32>} : memref<5x128x128xf32, #tpu.memory_space<vmem>>, vector<1x1x16xf32>,
        %get3A_464 = vector.shape_cast %get3A_463 : vector<1x1x16xf32> to vector<16xf32>
        %mul3A_465 = arith.constant 11.3137083 : f32
        %mul3A_466 = vector.broadcast %mul3A_465 : f32 to vector<16xf32>
        %mul3A_467 = arith.mulf %get3A_464, %mul3A_466 : vector<16xf32>
        %swap3A_468 = arith.constant 4 : i32
        %swap3A_469 = arith.index_cast %swap3A_468 : i32 to index
        %swap3A_470 = arith.index_cast %scan3A_458 : i32 to index
        %swap3A_471 = arith.constant 0 : index
        %swap3A_472 = tpu.vector_load %arg6[%swap3A_469, %swap3A_470, %swap3A_471] {strides = array<i32>} : memref<5x128x128xf32, #tpu.memory_space<vmem>>, vector<1x1x16xf32>,
        %swap3A_473 = vector.shape_cast %swap3A_472 : vector<1x1x16xf32> to vector<16xf32>
        %swap3A_474 = vector.shape_cast %mul3A_467 : vector<16xf32> to vector<1x1x16xf32>
        tpu.vector_store %arg6[%swap3A_469, %swap3A_470, %swap3A_471], %swap3A_474 {strides = array<i32>} : memref<5x128x128xf32, #tpu.memory_space<vmem>>, vector<1x1x16xf32>,
        %get3A_475 = arith.constant 4 : i32
        %get3A_476 = arith.index_cast %get3A_475 : i32 to index
        %get3A_477 = arith.index_cast %scan3A_458 : i32 to index
        %get3A_478 = arith.constant 16 : index
        %get3A_479 = tpu.vector_load %arg6[%get3A_476, %get3A_477, %get3A_478] {strides = array<i32>} : memref<5x128x128xf32, #tpu.memory_space<vmem>>, vector<1x1x16xf32>,
        %get3A_480 = vector.shape_cast %get3A_479 : vector<1x1x16xf32> to vector<16xf32>
        %mul3A_481 = arith.constant 11.3137083 : f32
        %mul3A_482 = vector.broadcast %mul3A_481 : f32 to vector<16xf32>
        %mul3A_483 = arith.mulf %get3A_480, %mul3A_482 : vector<16xf32>
        %swap3A_484 = arith.constant 4 : i32
        %swap3A_485 = arith.index_cast %swap3A_484 : i32 to index
        %swap3A_486 = arith.index_cast %scan3A_458 : i32 to index
        %swap3A_487 = arith.constant 16 : index
        %swap3A_488 = tpu.vector_load %arg6[%swap3A_485, %swap3A_486, %swap3A_487] {strides = array<i32>} : memref<5x128x128xf32, #tpu.memory_space<vmem>>, vector<1x1x16xf32>,
        %swap3A_489 = vector.shape_cast %swap3A_488 : vector<1x1x16xf32> to vector<16xf32>
        %swap3A_490 = vector.shape_cast %mul3A_483 : vector<16xf32> to vector<1x1x16xf32>
        tpu.vector_store %arg6[%swap3A_485, %swap3A_486, %swap3A_487], %swap3A_490 {strides = array<i32>} : memref<5x128x128xf32, #tpu.memory_space<vmem>>, vector<1x1x16xf32>,
        %get3A_491 = arith.constant 4 : i32
        %get3A_492 = arith.index_cast %get3A_491 : i32 to index
        %get3A_493 = arith.index_cast %scan3A_458 : i32 to index
        %get3A_494 = arith.constant 32 : index
        %get3A_495 = tpu.vector_load %arg6[%get3A_492, %get3A_493, %get3A_494] {strides = array<i32>} : memref<5x128x128xf32, #tpu.memory_space<vmem>>, vector<1x1x16xf32>,
        %get3A_496 = vector.shape_cast %get3A_495 : vector<1x1x16xf32> to vector<16xf32>
        %mul3A_497 = arith.constant 11.3137083 : f32
        %mul3A_498 = vector.broadcast %mul3A_497 : f32 to vector<16xf32>
        %mul3A_499 = arith.mulf %get3A_496, %mul3A_498 : vector<16xf32>
        %swap3A_500 = arith.constant 4 : i32
        %swap3A_501 = arith.index_cast %swap3A_500 : i32 to index
        %swap3A_502 = arith.index_cast %scan3A_458 : i32 to index
        %swap3A_503 = arith.constant 32 : index
        %swap3A_504 = tpu.vector_load %arg6[%swap3A_501, %swap3A_502, %swap3A_503] {strides = array<i32>} : memref<5x128x128xf32, #tpu.memory_space<vmem>>, vector<1x1x16xf32>,
        %swap3A_505 = vector.shape_cast %swap3A_504 : vector<1x1x16xf32> to vector<16xf32>
        %swap3A_506 = vector.shape_cast %mul3A_499 : vector<16xf32> to vector<1x1x16xf32>
        tpu.vector_store %arg6[%swap3A_501, %swap3A_502, %swap3A_503], %swap3A_506 {strides = array<i32>} : memref<5x128x128xf32, #tpu.memory_space<vmem>>, vector<1x1x16xf32>,
        %get3A_507 = arith.constant 4 : i32
        %get3A_508 = arith.index_cast %get3A_507 : i32 to index
        %get3A_509 = arith.index_cast %scan3A_458 : i32 to index
        %get3A_510 = arith.constant 48 : index
        %get3A_511 = tpu.vector_load %arg6[%get3A_508, %get3A_509, %get3A_510] {strides = array<i32>} : memref<5x128x128xf32, #tpu.memory_space<vmem>>, vector<1x1x16xf32>,
        %get3A_512 = vector.shape_cast %get3A_511 : vector<1x1x16xf32> to vector<16xf32>
        %mul3A_513 = arith.constant 11.3137083 : f32
        %mul3A_514 = vector.broadcast %mul3A_513 : f32 to vector<16xf32>
        %mul3A_515 = arith.mulf %get3A_512, %mul3A_514 : vector<16xf32>
        %swap3A_516 = arith.constant 4 : i32
        %swap3A_517 = arith.index_cast %swap3A_516 : i32 to index
        %swap3A_518 = arith.index_cast %scan3A_458 : i32 to index
        %swap3A_519 = arith.constant 48 : index
        %swap3A_520 = tpu.vector_load %arg6[%swap3A_517, %swap3A_518, %swap3A_519] {strides = array<i32>} : memref<5x128x128xf32, #tpu.memory_space<vmem>>, vector<1x1x16xf32>,
        %swap3A_521 = vector.shape_cast %swap3A_520 : vector<1x1x16xf32> to vector<16xf32>
        %swap3A_522 = vector.shape_cast %mul3A_515 : vector<16xf32> to vector<1x1x16xf32>
        tpu.vector_store %arg6[%swap3A_517, %swap3A_518, %swap3A_519], %swap3A_522 {strides = array<i32>} : memref<5x128x128xf32, #tpu.memory_space<vmem>>, vector<1x1x16xf32>,
        %get3A_523 = arith.constant 4 : i32
        %get3A_524 = arith.index_cast %get3A_523 : i32 to index
        %get3A_525 = arith.index_cast %scan3A_458 : i32 to index
        %get3A_526 = arith.constant 64 : index
        %get3A_527 = tpu.vector_load %arg6[%get3A_524, %get3A_525, %get3A_526] {strides = array<i32>} : memref<5x128x128xf32, #tpu.memory_space<vmem>>, vector<1x1x16xf32>,
        %get3A_528 = vector.shape_cast %get3A_527 : vector<1x1x16xf32> to vector<16xf32>
        %mul3A_529 = arith.constant 11.3137083 : f32
        %mul3A_530 = vector.broadcast %mul3A_529 : f32 to vector<16xf32>
        %mul3A_531 = arith.mulf %get3A_528, %mul3A_530 : vector<16xf32>
        %swap3A_532 = arith.constant 4 : i32
        %swap3A_533 = arith.index_cast %swap3A_532 : i32 to index
        %swap3A_534 = arith.index_cast %scan3A_458 : i32 to index
        %swap3A_535 = arith.constant 64 : index
        %swap3A_536 = tpu.vector_load %arg6[%swap3A_533, %swap3A_534, %swap3A_535] {strides = array<i32>} : memref<5x128x128xf32, #tpu.memory_space<vmem>>, vector<1x1x16xf32>,
        %swap3A_537 = vector.shape_cast %swap3A_536 : vector<1x1x16xf32> to vector<16xf32>
        %swap3A_538 = vector.shape_cast %mul3A_531 : vector<16xf32> to vector<1x1x16xf32>
        tpu.vector_store %arg6[%swap3A_533, %swap3A_534, %swap3A_535], %swap3A_538 {strides = array<i32>} : memref<5x128x128xf32, #tpu.memory_space<vmem>>, vector<1x1x16xf32>,
        %get3A_539 = arith.constant 4 : i32
        %get3A_540 = arith.index_cast %get3A_539 : i32 to index
        %get3A_541 = arith.index_cast %scan3A_458 : i32 to index
        %get3A_542 = arith.constant 80 : index
        %get3A_543 = tpu.vector_load %arg6[%get3A_540, %get3A_541, %get3A_542] {strides = array<i32>} : memref<5x128x128xf32, #tpu.memory_space<vmem>>, vector<1x1x16xf32>,
        %get3A_544 = vector.shape_cast %get3A_543 : vector<1x1x16xf32> to vector<16xf32>
        %mul3A_545 = arith.constant 11.3137083 : f32
        %mul3A_546 = vector.broadcast %mul3A_545 : f32 to vector<16xf32>
        %mul3A_547 = arith.mulf %get3A_544, %mul3A_546 : vector<16xf32>
        %swap3A_548 = arith.constant 4 : i32
        %swap3A_549 = arith.index_cast %swap3A_548 : i32 to index
        %swap3A_550 = arith.index_cast %scan3A_458 : i32 to index
        %swap3A_551 = arith.constant 80 : index
        %swap3A_552 = tpu.vector_load %arg6[%swap3A_549, %swap3A_550, %swap3A_551] {strides = array<i32>} : memref<5x128x128xf32, #tpu.memory_space<vmem>>, vector<1x1x16xf32>,
        %swap3A_553 = vector.shape_cast %swap3A_552 : vector<1x1x16xf32> to vector<16xf32>
        %swap3A_554 = vector.shape_cast %mul3A_547 : vector<16xf32> to vector<1x1x16xf32>
        tpu.vector_store %arg6[%swap3A_549, %swap3A_550, %swap3A_551], %swap3A_554 {strides = array<i32>} : memref<5x128x128xf32, #tpu.memory_space<vmem>>, vector<1x1x16xf32>,
        %get3A_555 = arith.constant 4 : i32
        %get3A_556 = arith.index_cast %get3A_555 : i32 to index
        %get3A_557 = arith.index_cast %scan3A_458 : i32 to index
        %get3A_558 = arith.constant 96 : index
        %get3A_559 = tpu.vector_load %arg6[%get3A_556, %get3A_557, %get3A_558] {strides = array<i32>} : memref<5x128x128xf32, #tpu.memory_space<vmem>>, vector<1x1x16xf32>,
        %get3A_560 = vector.shape_cast %get3A_559 : vector<1x1x16xf32> to vector<16xf32>
        %mul3A_561 = arith.constant 11.3137083 : f32
        %mul3A_562 = vector.broadcast %mul3A_561 : f32 to vector<16xf32>
        %mul3A_563 = arith.mulf %get3A_560, %mul3A_562 : vector<16xf32>
        %swap3A_564 = arith.constant 4 : i32
        %swap3A_565 = arith.index_cast %swap3A_564 : i32 to index
        %swap3A_566 = arith.index_cast %scan3A_458 : i32 to index
        %swap3A_567 = arith.constant 96 : index
        %swap3A_568 = tpu.vector_load %arg6[%swap3A_565, %swap3A_566, %swap3A_567] {strides = array<i32>} : memref<5x128x128xf32, #tpu.memory_space<vmem>>, vector<1x1x16xf32>,
        %swap3A_569 = vector.shape_cast %swap3A_568 : vector<1x1x16xf32> to vector<16xf32>
        %swap3A_570 = vector.shape_cast %mul3A_563 : vector<16xf32> to vector<1x1x16xf32>
        tpu.vector_store %arg6[%swap3A_565, %swap3A_566, %swap3A_567], %swap3A_570 {strides = array<i32>} : memref<5x128x128xf32, #tpu.memory_space<vmem>>, vector<1x1x16xf32>,
        %get3A_571 = arith.constant 4 : i32
        %get3A_572 = arith.index_cast %get3A_571 : i32 to index
        %get3A_573 = arith.index_cast %scan3A_458 : i32 to index
        %get3A_574 = arith.constant 112 : index
        %get3A_575 = tpu.vector_load %arg6[%get3A_572, %get3A_573, %get3A_574] {strides = array<i32>} : memref<5x128x128xf32, #tpu.memory_space<vmem>>, vector<1x1x16xf32>,
        %get3A_576 = vector.shape_cast %get3A_575 : vector<1x1x16xf32> to vector<16xf32>
        %mul3A_577 = arith.constant 11.3137083 : f32
        %mul3A_578 = vector.broadcast %mul3A_577 : f32 to vector<16xf32>
        %mul3A_579 = arith.mulf %get3A_576, %mul3A_578 : vector<16xf32>
        %swap3A_580 = arith.constant 4 : i32
        %swap3A_581 = arith.index_cast %swap3A_580 : i32 to index
        %swap3A_582 = arith.index_cast %scan3A_458 : i32 to index
        %swap3A_583 = arith.constant 112 : index
        %swap3A_584 = tpu.vector_load %arg6[%swap3A_581, %swap3A_582, %swap3A_583] {strides = array<i32>} : memref<5x128x128xf32, #tpu.memory_space<vmem>>, vector<1x1x16xf32>,
        %swap3A_585 = vector.shape_cast %swap3A_584 : vector<1x1x16xf32> to vector<16xf32>
        %swap3A_586 = vector.shape_cast %mul3A_579 : vector<16xf32> to vector<1x1x16xf32>
        tpu.vector_store %arg6[%swap3A_581, %swap3A_582, %swap3A_583], %swap3A_586 {strides = array<i32>} : memref<5x128x128xf32, #tpu.memory_space<vmem>>, vector<1x1x16xf32>,
      }
      %scan3A_313 = arith.constant 128 : i32
      %mul3A_314 = arith.constant 128 : i32
      %mul3A_315 = arith.muli %add3A_280, %mul3A_314 : i32
      %add3A_316 = arith.addi %mul3A_2, %mul3A_315 : i32
      %dma_start3A_317 = arith.constant 4 : i32
      %dma_start3A_318 = arith.constant 0 : i32
      %dma_start3A_319 = arith.constant 0 : i32
      %dma_start3A_320 = tpu.memref_slice %arg6[%dma_start3A_317, %dma_start3A_318, %dma_start3A_319] : memref<5x128x128xf32, #tpu.memory_space<vmem>> -> memref<1x128x128xf32, #tpu.memory_space<vmem>>
      %dma_start3A_321 = tpu.memref_squeeze %dma_start3A_320 : memref<1x128x128xf32, #tpu.memory_space<vmem>> -> memref<128x128xf32, #tpu.memory_space<vmem>>
      %dma_start3A_322 = arith.constant 0 : i32
      %dma_start3A_323 = tpu.memref_slice %arg4[%add3A_316, %dma_start3A_322] : memref<204800x128xf32, #tpu.memory_space<hbm>> -> memref<128x128xf32, #tpu.memory_space<hbm>>
      %dma_start3A_324 = arith.constant 0 : i32
      %dma_start3A_325 = tpu.memref_slice %arg4[%add3A_316, %dma_start3A_324] : memref<204800x128xf32, #tpu.memory_space<hbm>> -> memref<128x128xf32, #tpu.memory_space<hbm>>
      %dma_start3A_326 = arith.constant 0 : i32
      %dma_start3A_327 = arith.constant 0 : i32
      %dma_start3A_328 = tpu.memref_slice %arg6[%dma_start3A_317, %dma_start3A_326, %dma_start3A_327] : memref<5x128x128xf32, #tpu.memory_space<vmem>> -> memref<1x128x128xf32, #tpu.memory_space<vmem>>
      %dma_start3A_329 = tpu.memref_squeeze %dma_start3A_328 : memref<1x128x128xf32, #tpu.memory_space<vmem>> -> memref<128x128xf32, #tpu.memory_space<vmem>>
      tpu.enqueue_dma source(%dma_start3A_329 : memref<128x128xf32, #tpu.memory_space<vmem>>) target(%dma_start3A_325 : memref<128x128xf32, #tpu.memory_space<hbm>>) target_semaphore(%arg16 : memref<!tpu.dma_semaphore, #tpu.memory_space<semaphore_mem>>)
    }
    %scan3A_30 = arith.constant 10 : i32
    %dma_wait3A = arith.constant 2 : i32
    %dma_wait3A_31 = arith.constant 0 : i32
    %dma_wait3A_32 = arith.constant 0 : i32
    %dma_wait3A_33 = tpu.memref_slice %arg6[%dma_wait3A, %dma_wait3A_31, %dma_wait3A_32] : memref<5x128x128xf32, #tpu.memory_space<vmem>> -> memref<1x128x128xf32, #tpu.memory_space<vmem>>
    %dma_wait3A_34 = tpu.memref_squeeze %dma_wait3A_33 : memref<1x128x128xf32, #tpu.memory_space<vmem>> -> memref<128x128xf32, #tpu.memory_space<vmem>>
    %dma_wait3A_35 = arith.constant 0 : i32
    %dma_wait3A_36 = tpu.memref_slice %arg4[%mul3A_2, %dma_wait3A_35] : memref<204800x128xf32, #tpu.memory_space<hbm>> -> memref<128x128xf32, #tpu.memory_space<hbm>>
    %dma_wait3A_37 = arith.constant 0 : i32
    %dma_wait3A_38 = tpu.memref_slice %arg4[%mul3A_2, %dma_wait3A_37] : memref<204800x128xf32, #tpu.memory_space<hbm>> -> memref<128x128xf32, #tpu.memory_space<hbm>>
    %dma_wait3A_39 = arith.constant 0 : i32
    %dma_wait3A_40 = arith.constant 0 : i32
    %dma_wait3A_41 = tpu.memref_slice %arg6[%dma_wait3A, %dma_wait3A_39, %dma_wait3A_40] : memref<5x128x128xf32, #tpu.memory_space<vmem>> -> memref<1x128x128xf32, #tpu.memory_space<vmem>>
    %dma_wait3A_42 = tpu.memref_squeeze %dma_wait3A_41 : memref<1x128x128xf32, #tpu.memory_space<vmem>> -> memref<128x128xf32, #tpu.memory_space<vmem>>
    tpu.wait_dma2 semaphore(%arg14 : memref<!tpu.dma_semaphore, #tpu.memory_space<semaphore_mem>>) src(%dma_wait3A_42 : memref<128x128xf32, #tpu.memory_space<vmem>>) dst(%dma_wait3A_38 : memref<128x128xf32, #tpu.memory_space<hbm>>)
    %dma_wait3A_43 = arith.constant 3 : i32
    %dma_wait3A_44 = arith.constant 0 : i32
    %dma_wait3A_45 = arith.constant 0 : i32
    %dma_wait3A_46 = tpu.memref_slice %arg6[%dma_wait3A_43, %dma_wait3A_44, %dma_wait3A_45] : memref<5x128x128xf32, #tpu.memory_space<vmem>> -> memref<1x128x128xf32, #tpu.memory_space<vmem>>
    %dma_wait3A_47 = tpu.memref_squeeze %dma_wait3A_46 : memref<1x128x128xf32, #tpu.memory_space<vmem>> -> memref<128x128xf32, #tpu.memory_space<vmem>>
    %dma_wait3A_48 = arith.constant 0 : i32
    %dma_wait3A_49 = tpu.memref_slice %arg4[%mul3A_2, %dma_wait3A_48] : memref<204800x128xf32, #tpu.memory_space<hbm>> -> memref<128x128xf32, #tpu.memory_space<hbm>>
    %dma_wait3A_50 = arith.constant 0 : i32
    %dma_wait3A_51 = tpu.memref_slice %arg4[%mul3A_2, %dma_wait3A_50] : memref<204800x128xf32, #tpu.memory_space<hbm>> -> memref<128x128xf32, #tpu.memory_space<hbm>>
    %dma_wait3A_52 = arith.constant 0 : i32
    %dma_wait3A_53 = arith.constant 0 : i32
    %dma_wait3A_54 = tpu.memref_slice %arg6[%dma_wait3A_43, %dma_wait3A_52, %dma_wait3A_53] : memref<5x128x128xf32, #tpu.memory_space<vmem>> -> memref<1x128x128xf32, #tpu.memory_space<vmem>>
    %dma_wait3A_55 = tpu.memref_squeeze %dma_wait3A_54 : memref<1x128x128xf32, #tpu.memory_space<vmem>> -> memref<128x128xf32, #tpu.memory_space<vmem>>
    tpu.wait_dma2 semaphore(%arg15 : memref<!tpu.dma_semaphore, #tpu.memory_space<semaphore_mem>>) src(%dma_wait3A_55 : memref<128x128xf32, #tpu.memory_space<vmem>>) dst(%dma_wait3A_51 : memref<128x128xf32, #tpu.memory_space<hbm>>)
    %dma_wait3A_56 = arith.constant 4 : i32
    %dma_wait3A_57 = arith.constant 0 : i32
    %dma_wait3A_58 = arith.constant 0 : i32
    %dma_wait3A_59 = tpu.memref_slice %arg6[%dma_wait3A_56, %dma_wait3A_57, %dma_wait3A_58] : memref<5x128x128xf32, #tpu.memory_space<vmem>> -> memref<1x128x128xf32, #tpu.memory_space<vmem>>
    %dma_wait3A_60 = tpu.memref_squeeze %dma_wait3A_59 : memref<1x128x128xf32, #tpu.memory_space<vmem>> -> memref<128x128xf32, #tpu.memory_space<vmem>>
    %dma_wait3A_61 = arith.constant 0 : i32
    %dma_wait3A_62 = tpu.memref_slice %arg4[%mul3A_2, %dma_wait3A_61] : memref<204800x128xf32, #tpu.memory_space<hbm>> -> memref<128x128xf32, #tpu.memory_space<hbm>>
    %dma_wait3A_63 = arith.constant 0 : i32
    %dma_wait3A_64 = tpu.memref_slice %arg4[%mul3A_2, %dma_wait3A_63] : memref<204800x128xf32, #tpu.memory_space<hbm>> -> memref<128x128xf32, #tpu.memory_space<hbm>>
    %dma_wait3A_65 = arith.constant 0 : i32
    %dma_wait3A_66 = arith.constant 0 : i32
    %dma_wait3A_67 = tpu.memref_slice %arg6[%dma_wait3A_56, %dma_wait3A_65, %dma_wait3A_66] : memref<5x128x128xf32, #tpu.memory_space<vmem>> -> memref<1x128x128xf32, #tpu.memory_space<vmem>>
    %dma_wait3A_68 = tpu.memref_squeeze %dma_wait3A_67 : memref<1x128x128xf32, #tpu.memory_space<vmem>> -> memref<128x128xf32, #tpu.memory_space<vmem>>
    tpu.wait_dma2 semaphore(%arg16 : memref<!tpu.dma_semaphore, #tpu.memory_space<semaphore_mem>>) src(%dma_wait3A_68 : memref<128x128xf32, #tpu.memory_space<vmem>>) dst(%dma_wait3A_64 : memref<128x128xf32, #tpu.memory_space<hbm>>)
    return
  }
}

</mosaic_0001>

<sc_bundles>
// kernel: kernel.3.cloned.1.call-start
scs
__scs_entry_jumppad:
0x0: {  	(pc) =	sbr.rel $0x88, $3  }
0x1: {  	(tag) =	ssettag $0x0;
	lr =	simm.s32 $0x1  }
0x2: {  	[smem:$0x3F9F] =	sst lr;
	_ =	strace $0xD0000000  }
0x3: {  	_ = 	snop  }
0x4: {  	_ = 	snop  }
0x5: {  	_ = 	snop  }
0x6: {  	_ = 	snop  }
0x7: {  	_ = 	snop  }
__scs_overlays_trampoline_lowered:
0x8: {  	[smem:$0x3FAE] =	sst s0  }
0x9: {  	[smem:$0x3FAF] =	sst s1  }
0xa: {  	[smem:$0x3FB0] =	sst s2  }
0xb: {  	[smem:$0x3FB1] =	sst s3  }
0xc: {  	[smem:$0x3FB2] =	sst s4  }
0xd: {  	[smem:$0x3FB3] =	sst s5  }
0xe: {  	[smem:$0x3FB4] =	sst s6  }
0xf: {  	[smem:$0x3FB5] =	sst s7  }
0x10: {  	[smem:$0x3FB6] =	sst s8  }
0x11: {  	[smem:$0x3FB7] =	sst s9;
	s0 =	simm.s32 @!p0 $0x0  }
0x12: {  	s1 =	sld [smem:$0x3F9D];
	s0 =	simm.s32 @p0 $0x1  }
0x13: {  	[smem:$0x3FB8] =	sst s0;
	s0 =	simm.s32 @!p1 $0x0  }
0x14: {  	s2 =	sld [smem:$0x3F9C];
	s0 =	simm.s32 @p1 $0x1  }
0x15: {  	[smem:$0x3FB9] =	sst s0;
	s0 =	simm.s32 @!p2 $0x0  }
0x16: {  	s3 =	sld [smem:$0x3FDB];
	s0 =	simm.s32 @p2 $0x1  }
0x17: {  	s4 =	simm.s32 $0x1BF5;
	[smem:$0x3FBB] =	sst s0  }
0x18: {  	s0 =	sld [smem:$0x3F9E];
	_ =	swait.ge [sflag:s4], $0x0  }
0x19: {  	s7 =	sld [smem:$0x3F9F]  }
0x1a: {  	s8 =	sadd.s32 $0xFFFFE003, lr  }
0x1b: {  	s9 =	sadd.s32 $0xFFFFFEF7, lr;
	s5 =	simm.s32 $0xFFFFFFFF;
	p2 =	slt.u32 s8, $0xFFFFF086  }
0x1c: {  	p1 =	slt.u32 s9, $0xF7A;
	s5 =	simm.s32 @!p2 $0x0  }
0x1d: {  	s5 =	simm.s32 @p1 $0x1;
	p0 =	seq.s32 s7, s2  }
0x1e: {  	s7 =	smul.u32 @!p0 $0xF7A, s2;
	p2 =	seq.s32 @!p0 s5, $0x0  }
0x1f: {  	s9 =	smul.u32 $0xF7A, s1;
	s8 =	simm.s32 @!p0 $0x1BF5;
	p2 =	por !p2, p0  }
0x20: {  	[sflag:s8] =	ssyncset.s32 @!p0 $0xFFFFF086;
	s6 =	sadd.s32 @!p0 s3, s7;
	s7 =	simm.s32 @!p0 $0x108  }
0x21: {  	s3 =	sadd.s32 s3, s9;
	s6 =	sadd.s32 @!p0 $0x88, s6;
	s7 =	simm.s32 @p2 $0x1082  }
0x22: {  	[simem:s7], [sflag:s8] =	dma.local @!p0 [hbm:s6], $0xF7A  }
0x23: {  	s9 =	sor.u32 $0xD0000000, s2;
	s6 =	simm.s32 $0x108;
	_ =	swait.ge @!p0 [sflag:s8], $0x0  }
0x24: {  	s3 =	sadd.s32 $0x88, s3;
	s6 =	simm.s32 @!p1 $0x1082;
	[sflag:s4] =	ssyncset.s32 $0xFFFFF086  }
0x25: {  	[simem:s6], [sflag:s4] =	dma.local [hbm:s3], $0xF7A  }
0x26: {  	[smem:$0x3F9F] =	sst s1;
	(tag) =	ssettag s2;
	_ =	strace s9  }
0x27: {  	s1 =	sld [smem:$0x3FAF]  }
0x28: {  	s2 =	sld [smem:$0x3FB0]  }
0x29: {  	s4 =	sld [smem:$0x3FB2]  }
0x2a: {  	p0 =	seq.s32 s5, $0x0;
	s5 =	sld [smem:$0x3FB3]  }
0x2b: {  	s6 =	sld [smem:$0x3FB4]  }
0x2c: {  	s7 =	sld [smem:$0x3FB5]  }
0x2d: {  	s3 =	simm.s32 $0x108;
	s8 =	sld [smem:$0x3FB6]  }
0x2e: {  	s3 =	simm.s32 @!p0 $0x1082;
	s9 =	sld [smem:$0x3FB7]  }
0x2f: {  	lr =	sadd.s32 s0, s3;
	s0 =	sld [smem:$0x3FAE]  }
0x30: {  	s3 =	sld [smem:$0x3FB1]  }
0x31: {  	[smem:$0x3FBA] =	sst s10  }
0x32: {  	s10 =	sld [smem:$0x3FB8];
	_ =	sdelay $0x3  }
0x33: {  	p0 =	seq.s32 s10, $0x1;
	s10 =	sld [smem:$0x3FBA];
	_ =	sdelay $0x3  }
0x34: {  	[smem:$0x3FBA] =	sst s10  }
0x35: {  	s10 =	sld [smem:$0x3FB9];
	_ =	sdelay $0x3  }
0x36: {  	p1 =	seq.s32 s10, $0x1;
	s10 =	sld [smem:$0x3FBA];
	_ =	sdelay $0x3  }
0x37: {  	[smem:$0x3FBA] =	sst s10  }
0x38: {  	s10 =	sld [smem:$0x3FBB]  }
0x39: {  	_ = 	snop;
	(pc) =	sbr.ind lr, $3  }
0x3a: {  	_ = 	snop  }
0x3b: {  	_ = 	snop  }
0x3c: {  	p2 =	seq.s32 s10, $0x1;
	s10 =	sld [smem:$0x3FBA]  }
0x3d: {  	_ =	shalt  }
0x3e: {  	_ =	shalt  }
0x3f: {  	_ =	shalt  }
0x40: {  	_ =	shalt  }
0x41: {  	_ =	shalt  }
0x42: {  	_ =	shalt  }
0x43: {  	_ =	shalt  }
0x44: {  	_ =	shalt  }
0x45: {  	_ =	shalt  }
0x46: {  	_ =	shalt  }
0x47: {  	_ =	shalt  }
0x48: {  	_ =	shalt  }
0x49: {  	_ =	shalt  }
0x4a: {  	_ =	shalt  }
0x4b: {  	_ =	shalt  }
0x4c: {  	_ =	shalt  }
0x4d: {  	_ =	shalt  }
0x4e: {  	_ =	shalt  }
0x4f: {  	_ =	shalt  }
0x50: {  	_ =	shalt  }
0x51: {  	_ =	shalt  }
0x52: {  	_ =	shalt  }
0x53: {  	_ =	shalt  }
0x54: {  	_ =	shalt  }
0x55: {  	_ =	shalt  }
0x56: {  	_ =	shalt  }
0x57: {  	_ =	shalt  }
0x58: {  	_ =	shalt  }
0x59: {  	_ =	shalt  }
0x5a: {  	_ =	shalt  }
0x5b: {  	_ =	shalt  }
0x5c: {  	_ =	shalt  }
0x5d: {  	_ =	shalt  }
0x5e: {  	_ =	shalt  }
0x5f: {  	_ =	shalt  }
0x60: {  	_ =	shalt  }
0x61: {  	_ =	shalt  }
0x62: {  	_ =	shalt  }
0x63: {  	_ =	shalt  }
0x64: {  	_ =	shalt  }
0x65: {  	_ =	shalt  }
0x66: {  	_ =	shalt  }
0x67: {  	_ =	shalt  }
0x68: {  	_ =	shalt  }
0x69: {  	_ =	shalt  }
0x6a: {  	_ =	shalt  }
0x6b: {  	_ =	shalt  }
0x6c: {  	_ =	shalt  }
0x6d: {  	_ =	shalt  }
0x6e: {  	_ =	shalt  }
0x6f: {  	_ =	shalt  }
0x70: {  	_ =	shalt  }
0x71: {  	_ =	shalt  }
0x72: {  	_ =	shalt  }
0x73: {  	_ =	shalt  }
0x74: {  	_ =	shalt  }
0x75: {  	_ =	shalt  }
0x76: {  	_ =	shalt  }
0x77: {  	_ =	shalt  }
0x78: {  	_ =	shalt  }
0x79: {  	_ =	shalt  }
0x7a: {  	_ =	shalt  }
0x7b: {  	_ =	shalt  }
0x7c: {  	_ =	shalt  }
0x7d: {  	_ =	shalt  }
0x7e: {  	_ =	shalt  }
0x7f: {  	_ =	shalt  }
0x80: {  	_ =	shalt  }
0x81: {  	_ =	shalt  }
0x82: {  	_ =	shalt  }
0x83: {  	_ =	shalt  }
0x84: {  	_ =	shalt  }
0x85: {  	_ =	shalt  }
0x86: {  	_ =	shalt  }
0x87: {  	_ =	shalt  }
.Lfunc_end0:
.L_simem_size_0:
called_computation.1_lowered:
.L_overlay_start_0:
0x88: {  	s2 =	sld [smem:$0x3FD9]  }
0x89: {  	s3 =	sld [smem:$0x3FFE];
	_ =	sdelay $0x1  }
0x8a: {  	s1 =	srdreg.scid  }
0x8b: {  	s0 =	sand.u32 $0x1, s1  }
0x8c: {  	s17 =	sshll.u32 s0, $0xA;
	s2 =	sadd.s32 s3, s2  }
0x8d: {  	s2 =	sadd.s32 s2, s17  }
0x8e: {  	[smem:$0x3FC6] =	sst s2  }
0x8f: {  	_ = 	snop  }
0x90: {  	s2 =	sld [smem:$0x3FC8]  }
0x91: {  	s18 =	sld [smem:$0x3FD0];
	(tm) =	ssettm $0x1  }
0x92: {  	s4 =	sld [smem:$0x3FFB];
	_ =	sdelay $0x3  }
0x93: {  	_ =	strace s4  }
0x94: {  	s4 =	sld [smem:$0x3FFC];
	_ =	sdelay $0x3  }
0x95: {  	_ =	strace s4  }
0x96: {  	s4 =	sld [smem:$0x3FFD];
	_ =	sdelay $0x3  }
0x97: {  	_ =	strace s4  }
0x98: {  	_ =	strace $0x8FFFFFFF  }
0x99: {  	s19 =	sld [smem:$0x3FDB];
	_ =	sdelay $0x1  }
0x9a: {  	s5 =	simm.s32 $_scs_section_size  }
0x9b: {  	s6 =	simm.s32 $_size__tile_overlayer_lowered;
	s7 =	simm.s32 $_tile_overlayer_lowered  }
0x9c: {  	s22 =	simm.s32 $0x1BFF;
	s21 =	sshll.u32 s7, $0x1;
	s4 =	sadd.s32 s5, s19  }
0x9d: {  	s8 =	simm.s32 $0x0;
	s20 =	sshll.u32 s6, $0x1;
	s6 =	sadd.s32 s21, s4  }
0x9e: {  	[timem:s8], [sflag:s22] =	dma.local [hbm:s6], s20  }
0x9f: {  	_ =	swait.ge [sflag:s22], s20  }
0xa0: {  	s5 =	ssub.s32 $0x0, s20;
	[sflag:s22] =	ssyncset.done $0x0  }
0xa1: {  	[sflag:s22] =	ssyncadd.s32 s5;
	_ =	sdelay $0x1  }
0xa2: {  	s23 =	simm.s32 $0x1B8B  }
0xa3: {  	_ =	swait.ge [sflag:s23], $0x1  }
0xa4: {  	[sflag:s23] =	ssyncset.done $0x0  }
0xa5: {  	s25 =	simm.s32 $0x1B8E;
	s24 =	sld [smem:$0x3FFE];
	[sflag:s23] =	ssyncadd.s32 $0xFFFFFFFF  }
0xa6: {  	s26 =	simm.s32 $execute0_lowered;
	[smem:$0x3FD2] =	sst s25  }
0xa7: {  	s6 =	sshll.u32 s26, $0x1;
	_ =	strace $0x80000046;
	[dreg:$0x1] =	wrdreg $0xFFFFFFFF  }
0xa8: {  	s28 =	simm.s32 $_size_execute0_lowered;
	s4 =	sadd.s32 s4, s6;
	[dreg:$0x0] =	wrdreg $0x0  }
0xa9: {  	s6 =	sshll.u32 s28, $0x1;
	[dreg:$0x2] =	wrdreg s4  }
0xaa: {  	[dreg:$0x3] =	wrdreg s6  }
0xab: {  	[dreg:$0x4] =	wrdreg $0xC0  }
0xac: {  	_ =	task [dreg:s8], $0x5FFFF  }
0xad: {  	[dreg:$0x1] =	wrdreg $0xFFFFFFFF  }
0xae: {  	[dreg:$0x0] =	wrdreg $0x60  }
0xaf: {  	[dreg:$0x2] =	wrdreg s24  }
0xb0: {  	[dreg:$0x3] =	wrdreg s2  }
0xb1: {  	[dreg:$0x4] =	wrdreg s18  }
0xb2: {  	[dreg:$0x5] =	wrdreg $0x9  }
0xb3: {  	_ =	task.clear_ibuf [dreg:s8], $0x6FFFF;
	_ =	strace $0x90000046  }
0xb4: {  	s29 =	simm.s32 $0x9;
	_ =	strace $0x80000048  }
0xb5: {  	_ =	swait.ge [sflag:s29], $0x1  }
0xb6: {  	[sflag:s29] =	ssyncadd.s32 $0xFFFFFFFF  }
0xb7: {  	_ =	strace $0x90000048  }
0xb8: {  	_ =	sfence  }
0xb9: {  	s30 =	sld [smem:$0x0];
	_ =	sdelay $0x2  }
0xba: {  	s31 =	sshll.u32 s1, $0xD;
	s1 =	sshrl.u32 s1, $0x2  }
0xbb: {  	s3 =	sand.u32 $0x4000, s31;
	s1 =	sadd.s32 s1, s30  }
0xbc: {  	s0 =	sor.u32 s3, s0;
	s1 =	sshll.u32 s1, $0x11  }
0xbd: {  	s0 =	sor.u32 s1, s0  }
0xbe: {  	s0 =	sadd.s32 $0x8F2B, s0  }
0xbf: {  	[sflag:s0] =	ssyncadd.remote.s32 $0x1  }
0xc0: {  	_ =	sfence.sel $0xFFFF  }
0xc1: {  	[dreg:$0x0] =	wrdreg $0xFFFFFFFF;
	(pc) =	sbr.abs _section_cstart, $3  }
0xc2: {  	[dreg:$0x1] =	wrdreg $0xFFFFFFFF  }
0xc3: {  	_ =	task.clear_ibuf [dreg:s8], $0x2FFFF;
	_ =	strace $0x9FFFFFFF  }
0xc4: {  	(tm) =	ssettm $0x7FFFFFFF  }
0xc5: {  	_ =	shalt  }
tec
execute0_lowered:
.L_overlay_start_1:
0x0: {  	(tag) =	ssettag $0x1  }
0x1: {  	s0 =	rddreg [dreg:$0x0]  }
0x2: {  	s2 =	rddreg [dreg:$0x1];
	s1 =	srdreg.scid  }
0x3: {  	s4 =	stileid.u32;
	s3 =	rddreg [dreg:$0x2]  }
0x4: {  	s10 =	simm.s32 $0xB;
	s11 =	simm.s32 $0x80;
	s12 =	simm.s32 $0x1C00  }
0x5: {  	s13 =	simm.s32 $0x5C00;
	s14 =	simm.s32 $0x9C00;
	s15 =	simm.s32 $0x1  }
0x6: {  	s16 =	simm.s32 $0xDC00;
	s17 =	simm.s32 $0x2;
	s18 =	simm.s32 $0x11C00  }
0x7: {  	s19 =	simm.s32 $0x3;
	s20 =	simm.s32 $0x6;
	s21 =	simm.s32 $0x4  }
0x8: {  	s22 =	simm.s32 $0x7;
	s23 =	simm.s32 $0x5;
	s24 =	simm.s32 $0x8  }
0x9: {  	s25 =	simm.s32 $0x9;
	s1 =	sand.u32 $0x1, s1;
	s5 =	sshll.u32 s4, $0x1  }
0xa: {  	s26 =	simm.s32 $0xA;
	s6 =	sor.u32 s1, s5;
	s1 =	ssub.s32 $0x2, s1  }
0xb: {  	s4 =	simm.s32 $0x0;
	s7 =	smul.u32 $0x380, s6;
	s8 =	sshrl.u32 s1, $0x1  }
0xc: {  	s28 =	simm.s32 $0x0;
	[smem:$0x7FF] =	sst s4;
	s1 =	ssub.s32 s1, s8  }
0xd: {  	s5 =	smul.u32 $0xC8000, s6;
	s0 =	sadd.s32 s7, s0;
	s31 =	smax.u32 s1, $0x1  }
0xe: {  	_ =	strace $0x80000047;
	s0 =	sadd.s32 $0x800, s0;
	[dreg:$0x5] =	wrdreg s31  }
0xf: {  	s6 =	smul.u32 $0x1900, s6;
	s8 =	sor.u32 $0x4000, s5;
	[dreg:$0x4] =	wrdreg s0  }
.LBB2_1:
0x10: {  	s0 =	rddreg [dreg:$0x4]  }
0x11: {  	[tilespmem:s4], [sflag:$0xB] =	stream.linear.gather [hbm4b:s0+s4], $0x1900, $0x38;
	[tilespmem:$0x15C00] =	vst v63  }
0x12: {  	_ =	swait.ge [sflag:s10], $0x1900  }
0x13: {  	[sflag:s10] =	ssyncset.done $0x0  }
0x14: {  	[sflag:s10] =	ssyncadd.s32 $0xFFFFE700  }
0x15: {  	[tilespmem:s12], [sflag:$0x1] =	stream.indirect.gather [hbm4b:s2+s11], $0x80, s4, s11, $0xb8;
	[tilespmem:$0x15C00] =	vst v63  }
0x16: {  	s29 =	simm.s32 $0x0  }
0x17: {  	[tilespmem:s13], [sflag:$0x2] =	stream.indirect.gather [hbm4b:s2+s11], $0x80, s11, s11, $0xb8;
	[tilespmem:$0x15C00] =	vst v63  }
.LBB2_2:
0x18: {  	s31 =	smul.u32 $0x5, s29;
	p0 =	seq.s32 s29, $0x0  }
0x19: {  	s0 =	simm.s32 @!p0 $0x8  }
0x1a: {  	_ =	swait.ge @!p0 [sflag:s0], $0x4000;
	s1 =	sadd.s32 $0x2, s31  }
0x1b: {  	[sflag:s0] =	ssyncset.done @!p0 $0x0;
	s7 =	sshll.u32 s1, $0x7  }
0x1c: {  	[sflag:s0] =	ssyncadd.s32 @!p0 $0xFFFFC000;
	s9 =	sand.u32 $0x3FFFFF80, s7  }
0x1d: {  	[tilespmem:s14], [sflag:$0x3] =	stream.indirect.gather [hbm4b:s2+s11], $0x80, s9, s11, $0xb8;
	[tilespmem:$0x15C00] =	vst v63  }
0x1e: {  	_ =	swait.ge [sflag:s15], $0x4000  }
0x1f: {  	[sflag:s15] =	ssyncset.done $0x0  }
0x20: {  	s30 =	simm.s32 $0x1C80;
	[sflag:s15] =	ssyncadd.s32 $0xFFFFC000  }
0x21: {  	v0 =	vld [tilespmem:s30+$0xFFFFFF80]  }
0x22: {  	v1 =	vld [tilespmem:s30+$0xFFFFFF90]  }
0x23: {  	v2 =	vld [tilespmem:s30+$0xFFFFFFA0]  }
0x24: {  	v3 =	vld [tilespmem:s30+$0xFFFFFFB0]  }
0x25: {  	v4 =	vld [tilespmem:s30+$0xFFFFFFC0]  }
0x26: {  	v5 =	vld [tilespmem:s30+$0xFFFFFFD0];
	v0 =	vmul.f32 $1.131370830e+01, v0  }
0x27: {  	v6 =	vld [tilespmem:s30+$0xFFFFFFE0];
	v1 =	vmul.f32 $1.131370830e+01, v1  }
0x28: {  	[tilespmem:s30+$0xFFFFFF80] =	vst v0;
	v0 =	vmul.f32 $1.131370830e+01, v2;
	v2 =	vld [tilespmem:s30+$0x0]  }
0x29: {  	[tilespmem:s30+$0xFFFFFF90] =	vst v1;
	v1 =	vmul.f32 $1.131370830e+01, v3;
	v3 =	vld [tilespmem:s30+$0x10]  }
0x2a: {  	[tilespmem:s30+$0xFFFFFFA0] =	vst v0;
	v0 =	vmul.f32 $1.131370830e+01, v4;
	v4 =	vld [tilespmem:s30+$0x20]  }
0x2b: {  	v7 =	vld [tilespmem:s30+$0x30];
	[tilespmem:s30+$0xFFFFFFB0] =	vst v1;
	v1 =	vmul.f32 $1.131370830e+01, v5  }
0x2c: {  	v5 =	vmul.f32 $1.131370830e+01, v6;
	[tilespmem:s30+$0xFFFFFFC0] =	vst v0;
	v0 =	vld [tilespmem:s30+$0x40]  }
0x2d: {  	[tilespmem:s30+$0xFFFFFFD0] =	vst v1;
	v1 =	vmul.f32 $1.131370830e+01, v2;
	v2 =	vld [tilespmem:s30+$0x50]  }
0x2e: {  	[tilespmem:s30+$0xFFFFFFE0] =	vst v5;
	v6 =	vmul.f32 $1.131370830e+01, v3;
	v3 =	vld [tilespmem:s30+$0x60]  }
0x2f: {  	[tilespmem:s30+$0x0] =	vst v1;
	v5 =	vmul.f32 $1.131370830e+01, v4;
	v4 =	vld [tilespmem:s30+$0x70]  }
0x30: {  	s0 =	simm.s32 $0x0;
	s7 =	simm.s32 $0x1D80;
	v1 =	vld [tilespmem:s30+$0xFFFFFFF0];
	[tilespmem:s30+$0x10] =	vst v6;
	v6 =	vmul.f32 $1.131370830e+01, v7  }
.LBB2_3:
0x31: {  	v7 =	vld [tilespmem:s7+$0xFFFFFF80];
	[tilespmem:s30+$0x20] =	vst v5;
	v0 =	vmul.f32 $1.131370830e+01, v0  }
0x32: {  	v5 =	vld [tilespmem:s7+$0xFFFFFF90];
	[tilespmem:s30+$0x30] =	vst v6;
	v2 =	vmul.f32 $1.131370830e+01, v2  }
0x33: {  	v6 =	vld [tilespmem:s7+$0xFFFFFFA0];
	[tilespmem:s30+$0x40] =	vst v0;
	v0 =	vmul.f32 $1.131370830e+01, v3  }
0x34: {  	v3 =	vld [tilespmem:s7+$0xFFFFFFB0];
	[tilespmem:s30+$0x50] =	vst v2;
	v2 =	vmul.f32 $1.131370830e+01, v4  }
0x35: {  	v4 =	vld [tilespmem:s7+$0xFFFFFFC0];
	v1 =	vmul.f32 $1.131370830e+01, v1;
	[tilespmem:s30+$0x60] =	vst v0  }
0x36: {  	v0 =	vmul.f32 $1.131370830e+01, v7;
	v7 =	vld [tilespmem:s7+$0xFFFFFFD0];
	[tilespmem:s30+$0x70] =	vst v2  }
0x37: {  	v2 =	vmul.f32 $1.131370830e+01, v5;
	v5 =	vld [tilespmem:s7+$0xFFFFFFE0];
	[tilespmem:s30+$0xFFFFFFF0] =	vst v1;
	s30 =	smov.u32 s7  }
0x38: {  	[tilespmem:s7+$0xFFFFFF80] =	vst v0;
	v0 =	vmul.f32 $1.131370830e+01, v6;
	v1 =	vld [tilespmem:s7+$0x0]  }
0x39: {  	[tilespmem:s7+$0xFFFFFF90] =	vst v2;
	v2 =	vmul.f32 $1.131370830e+01, v3;
	v3 =	vld [tilespmem:s7+$0x10]  }
0x3a: {  	s0 =	sadd.s32 $0x2, s0;
	[tilespmem:s7+$0xFFFFFFA0] =	vst v0;
	v0 =	vmul.f32 $1.131370830e+01, v4;
	v4 =	vld [tilespmem:s7+$0x20]  }
0x3b: {  	p1 =	slt.u32 s0, $0x7E;
	[tilespmem:s7+$0xFFFFFFB0] =	vst v2;
	v2 =	vmul.f32 $1.131370830e+01, v7;
	v6 =	vld [tilespmem:s7+$0x30]  }
.Ltmp0:
0x3c: {  	[tilespmem:s7+$0xFFFFFFC0] =	vst v0;
	v5 =	vmul.f32 $1.131370830e+01, v5;
	v0 =	vld [tilespmem:s7+$0x40];
	(pc) =	sbr.rel @p1 .LBB2_3-.Ltmp0, $4  }
0x3d: {  	[tilespmem:s7+$0xFFFFFFD0] =	vst v2;
	v1 =	vmul.f32 $1.131370830e+01, v1;
	v2 =	vld [tilespmem:s7+$0x50]  }
0x3e: {  	[tilespmem:s7+$0xFFFFFFE0] =	vst v5;
	v7 =	vmul.f32 $1.131370830e+01, v3;
	v3 =	vld [tilespmem:s7+$0x60]  }
0x3f: {  	[tilespmem:s7+$0x0] =	vst v1;
	v5 =	vmul.f32 $1.131370830e+01, v4;
	v4 =	vld [tilespmem:s7+$0x70]  }
0x40: {  	s7 =	sadd.s32 $0x100, s7;
	v1 =	vld [tilespmem:s30+$0xFFFFFFF0];
	[tilespmem:s30+$0x10] =	vst v7;
	v6 =	vmul.f32 $1.131370830e+01, v6  }
0x41: {  	[tilespmem:s30+$0x20] =	vst v5;
	v0 =	vmul.f32 $1.131370830e+01, v0  }
0x42: {  	[tilespmem:s30+$0x30] =	vst v6;
	v2 =	vmul.f32 $1.131370830e+01, v2  }
0x43: {  	s0 =	smul.u32 $0x280, s29;
	[tilespmem:s30+$0x40] =	vst v0;
	v0 =	vmul.f32 $1.131370830e+01, v3  }
0x44: {  	[tilespmem:s30+$0x50] =	vst v2;
	v2 =	vmul.f32 $1.131370830e+01, v4  }
0x45: {  	s0 =	sadd.s32 s6, s0;
	v1 =	vmul.f32 $1.131370830e+01, v1;
	[tilespmem:s30+$0x60] =	vst v0  }
0x46: {  	s0 =	sshll.u32 s0, $0x4;
	[tilespmem:s30+$0x70] =	vst v2  }
0x47: {  	s0 =	sadd.s32 s3, s0;
	[tilespmem:s30+$0xFFFFFFF0] =	vst v1  }
0x48: {  	[hbm4b:s0+s4] =	stream.linear.scatter [tilespmem:s12], [sflag:$0x6], $0x4000, $0x38;
	[tilespmem:$0x15C00] =	vst v63  }
0x49: {  	s0 =	simm.s32 @!p0 $0x9  }
0x4a: {  	s30 =	sadd.s32 $0x3, s31;
	_ =	swait.ge @!p0 [sflag:s0], $0x4000  }
0x4b: {  	s7 =	sshll.u32 s30, $0x7;
	[sflag:s0] =	ssyncset.done @!p0 $0x0  }
0x4c: {  	s9 =	sand.u32 $0x3FFFFF80, s7;
	[sflag:s0] =	ssyncadd.s32 @!p0 $0xFFFFC000  }
0x4d: {  	[tilespmem:s16], [sflag:$0x4] =	stream.indirect.gather [hbm4b:s2+s11], $0x80, s9, s11, $0xb8;
	[tilespmem:$0x15C00] =	vst v63  }
0x4e: {  	_ =	swait.ge [sflag:s17], $0x4000  }
0x4f: {  	[sflag:s17] =	ssyncset.done $0x0  }
0x50: {  	s0 =	simm.s32 $0x5C00;
	[sflag:s17] =	ssyncadd.s32 $0xFFFFC000  }
0x51: {  	v1 =	vld [tilespmem:s0+$0xA0]  }
0x52: {  	v2 =	vld [tilespmem:s0+$0x40]  }
0x53: {  	v3 =	vld [tilespmem:s0+$0xE0]  }
0x54: {  	v4 =	vld [tilespmem:s0+$0xD0]  }
0x55: {  	v5 =	vld [tilespmem:s0+$0x20]  }
0x56: {  	v0 =	vld [tilespmem:s0+$0x90]  }
0x57: {  	v8 =	vld [tilespmem:s0+$0xC0]  }
0x58: {  	v7 =	vld [tilespmem:s0+$0x10]  }
0x59: {  	v9 =	vld [tilespmem:s0+$0x0];
	v1 =	vmul.f32 $1.131370830e+01, v1  }
0x5a: {  	v11 =	vld [tilespmem:s0+$0x50];
	v4 =	vmul.f32 $1.131370830e+01, v4  }
0x5b: {  	v10 =	vld [tilespmem:s0+$0xB0];
	v12 =	vmul.f32 $1.131370830e+01, v5;
	[tilespmem:s0+$0xA0] =	vst v1  }
0x5c: {  	v6 =	vld [tilespmem:s0+$0xF0];
	v13 =	vmul.f32 $1.131370830e+01, v8;
	[tilespmem:s0+$0xD0] =	vst v4  }
0x5d: {  	v1 =	vmul.f32 $1.131370830e+01, v2;
	v2 =	vmul.f32 $1.131370830e+01, v3;
	v3 =	vld [tilespmem:s0+$0x80];
	[tilespmem:s0+$0x20] =	vst v12  }
0x5e: {  	v4 =	vld [tilespmem:s0+$0x70];
	[tilespmem:s0+$0xC0] =	vst v13  }
0x5f: {  	v8 =	vmul.f32 $1.131370830e+01, v9;
	v5 =	vld [tilespmem:s0+$0x60];
	v9 =	vmul.f32 $1.131370830e+01, v11;
	[tilespmem:s0+$0x40] =	vst v1  }
0x60: {  	s7 =	simm.s32 $0x0;
	s9 =	simm.s32 $0x5D00;
	[tilespmem:s0+$0xE0] =	vst v2;
	v1 =	vmul.f32 $1.131370830e+01, v7;
	v7 =	vld [tilespmem:s0+$0x30];
	v2 =	vmul.f32 $1.131370830e+01, v10  }
.LBB2_5:
0x61: {  	v10 =	vld [tilespmem:s9+$0xA0];
	s7 =	sadd.s32 $0x2, s7;
	[tilespmem:s0+$0x0] =	vst v8;
	v0 =	vmul.f32 $1.131370830e+01, v0;
	v6 =	vmul.f32 $1.131370830e+01, v6  }
0x62: {  	v8 =	vld [tilespmem:s9+$0x40];
	p1 =	slt.u32 s7, $0x7E;
	[tilespmem:s0+$0x50] =	vst v9;
	v3 =	vmul.f32 $1.131370830e+01, v3  }
0x63: {  	v9 =	vld [tilespmem:s9+$0xE0];
	v4 =	vmul.f32 $1.131370830e+01, v4;
	[tilespmem:s0+$0xF0] =	vst v6  }
0x64: {  	v11 =	vld [tilespmem:s9+$0x20];
	v5 =	vmul.f32 $1.131370830e+01, v5;
	[tilespmem:s0+$0x80] =	vst v3  }
0x65: {  	v3 =	vld [tilespmem:s9+$0xD0];
	v6 =	vmul.f32 $1.131370830e+01, v7;
	[tilespmem:s0+$0x90] =	vst v0  }
0x66: {  	v0 =	vld [tilespmem:s9+$0x90];
	v7 =	vmul.f32 $1.131370830e+01, v10;
	[tilespmem:s0+$0x10] =	vst v1  }
0x67: {  	v1 =	vld [tilespmem:s9+$0x10];
	[tilespmem:s0+$0x30] =	vst v6  }
0x68: {  	v10 =	vld [tilespmem:s9+$0xC0];
	v9 =	vmul.f32 $1.131370830e+01, v9;
	[tilespmem:s0+$0xB0] =	vst v2  }
0x69: {  	v2 =	vld [tilespmem:s9+$0x0];
	[tilespmem:s0+$0x70] =	vst v4  }
0x6a: {  	v12 =	vld [tilespmem:s9+$0xB0];
	v3 =	vmul.f32 $1.131370830e+01, v3;
	[tilespmem:s0+$0x60] =	vst v5;
	s0 =	smov.u32 s9  }
0x6b: {  	v13 =	vld [tilespmem:s9+$0x50];
	[tilespmem:s9+$0xA0] =	vst v7  }
.Ltmp1:
0x6c: {  	v4 =	vmul.f32 $1.131370830e+01, v8;
	[tilespmem:s9+$0xD0] =	vst v3;
	v6 =	vld [tilespmem:s9+$0xF0];
	(pc) =	sbr.rel @p1 .LBB2_5-.Ltmp1, $4  }
0x6d: {  	v3 =	vld [tilespmem:s9+$0x80];
	v7 =	vmul.f32 $1.131370830e+01, v10;
	[tilespmem:s9+$0xE0] =	vst v9  }
0x6e: {  	v9 =	vmul.f32 $1.131370830e+01, v11;
	[tilespmem:s9+$0x40] =	vst v4;
	v4 =	vld [tilespmem:s9+$0x70]  }
0x6f: {  	v1 =	vmul.f32 $1.131370830e+01, v1;
	v8 =	vmul.f32 $1.131370830e+01, v2;
	v5 =	vld [tilespmem:s9+$0x60];
	[tilespmem:s9+$0xC0] =	vst v7  }
0x70: {  	v2 =	vmul.f32 $1.131370830e+01, v12;
	s9 =	sadd.s32 $0x100, s9;
	[tilespmem:s0+$0x20] =	vst v9;
	v7 =	vld [tilespmem:s0+$0x30];
	v9 =	vmul.f32 $1.131370830e+01, v13  }
0x71: {  	[tilespmem:s0+$0x0] =	vst v8  }
0x72: {  	[tilespmem:s0+$0x10] =	vst v1  }
0x73: {  	v6 =	vmul.f32 $1.131370830e+01, v6;
	[tilespmem:s0+$0x50] =	vst v9  }
0x74: {  	v0 =	vmul.f32 $1.131370830e+01, v0;
	[tilespmem:s0+$0xB0] =	vst v2  }
0x75: {  	v3 =	vmul.f32 $1.131370830e+01, v3;
	[tilespmem:s0+$0xF0] =	vst v6  }
0x76: {  	s7 =	smul.u32 $0x14000, s29;
	[tilespmem:s0+$0x90] =	vst v0;
	v0 =	vmul.f32 $1.131370830e+01, v4  }
0x77: {  	[tilespmem:s0+$0x80] =	vst v3;
	v1 =	vmul.f32 $1.131370830e+01, v5  }
0x78: {  	s7 =	sadd.s32 s7, s8;
	v3 =	vmul.f32 $1.131370830e+01, v7;
	[tilespmem:s0+$0x70] =	vst v0  }
0x79: {  	s7 =	sshrl.u32 s7, $0x3;
	[tilespmem:s0+$0x60] =	vst v1  }
0x7a: {  	s7 =	sadd.s32 s3, s7;
	[tilespmem:s0+$0x30] =	vst v3;
	s0 =	simm.s32 @!p0 $0xA  }
0x7b: {  	[hbm4b:s7+s4] =	stream.linear.scatter [tilespmem:s13], [sflag:$0x7], $0x4000, $0x38;
	[tilespmem:$0x15C00] =	vst v63  }
0x7c: {  	s31 =	sadd.s32 $0x4, s31;
	_ =	swait.ge @!p0 [sflag:s0], $0x4000  }
0x7d: {  	s9 =	sshll.u32 s31, $0x7;
	[sflag:s0] =	ssyncset.done @!p0 $0x0  }
0x7e: {  	s9 =	sand.u32 $0x3FFFFF80, s9;
	[sflag:s0] =	ssyncadd.s32 @!p0 $0xFFFFC000  }
0x7f: {  	[tilespmem:s18], [sflag:$0x5] =	stream.indirect.gather [hbm4b:s2+s11], $0x80, s9, s11, $0xb8;
	[tilespmem:$0x15C00] =	vst v63  }
0x80: {  	_ =	swait.ge [sflag:s19], $0x4000  }
0x81: {  	[sflag:s19] =	ssyncset.done $0x0  }
0x82: {  	s0 =	simm.s32 $0x9C00;
	[sflag:s19] =	ssyncadd.s32 $0xFFFFC000  }
0x83: {  	v1 =	vld [tilespmem:s0+$0xA0]  }
0x84: {  	v2 =	vld [tilespmem:s0+$0x40]  }
0x85: {  	v3 =	vld [tilespmem:s0+$0xE0]  }
0x86: {  	v4 =	vld [tilespmem:s0+$0xD0]  }
0x87: {  	v5 =	vld [tilespmem:s0+$0x20]  }
0x88: {  	v0 =	vld [tilespmem:s0+$0x90]  }
0x89: {  	v8 =	vld [tilespmem:s0+$0xC0]  }
0x8a: {  	v7 =	vld [tilespmem:s0+$0x10]  }
0x8b: {  	v9 =	vld [tilespmem:s0+$0x0];
	v1 =	vmul.f32 $1.131370830e+01, v1  }
0x8c: {  	v11 =	vld [tilespmem:s0+$0x50];
	v4 =	vmul.f32 $1.131370830e+01, v4  }
0x8d: {  	v10 =	vld [tilespmem:s0+$0xB0];
	v12 =	vmul.f32 $1.131370830e+01, v5;
	[tilespmem:s0+$0xA0] =	vst v1  }
0x8e: {  	v6 =	vld [tilespmem:s0+$0xF0];
	v13 =	vmul.f32 $1.131370830e+01, v8;
	[tilespmem:s0+$0xD0] =	vst v4  }
0x8f: {  	v1 =	vmul.f32 $1.131370830e+01, v2;
	v2 =	vmul.f32 $1.131370830e+01, v3;
	v3 =	vld [tilespmem:s0+$0x80];
	[tilespmem:s0+$0x20] =	vst v12  }
0x90: {  	v4 =	vld [tilespmem:s0+$0x70];
	[tilespmem:s0+$0xC0] =	vst v13  }
0x91: {  	v8 =	vmul.f32 $1.131370830e+01, v9;
	v5 =	vld [tilespmem:s0+$0x60];
	v9 =	vmul.f32 $1.131370830e+01, v11;
	[tilespmem:s0+$0x40] =	vst v1  }
0x92: {  	s7 =	simm.s32 $0x0;
	s9 =	simm.s32 $0x9D00;
	[tilespmem:s0+$0xE0] =	vst v2;
	v1 =	vmul.f32 $1.131370830e+01, v7;
	v7 =	vld [tilespmem:s0+$0x30];
	v2 =	vmul.f32 $1.131370830e+01, v10  }
.LBB2_7:
0x93: {  	v10 =	vld [tilespmem:s9+$0xA0];
	s7 =	sadd.s32 $0x2, s7;
	[tilespmem:s0+$0x0] =	vst v8;
	v0 =	vmul.f32 $1.131370830e+01, v0;
	v6 =	vmul.f32 $1.131370830e+01, v6  }
0x94: {  	v8 =	vld [tilespmem:s9+$0x40];
	p0 =	slt.u32 s7, $0x7E;
	[tilespmem:s0+$0x50] =	vst v9;
	v3 =	vmul.f32 $1.131370830e+01, v3  }
0x95: {  	v9 =	vld [tilespmem:s9+$0xE0];
	v4 =	vmul.f32 $1.131370830e+01, v4;
	[tilespmem:s0+$0xF0] =	vst v6  }
0x96: {  	v11 =	vld [tilespmem:s9+$0x20];
	v5 =	vmul.f32 $1.131370830e+01, v5;
	[tilespmem:s0+$0x80] =	vst v3  }
0x97: {  	v3 =	vld [tilespmem:s9+$0xD0];
	v6 =	vmul.f32 $1.131370830e+01, v7;
	[tilespmem:s0+$0x90] =	vst v0  }
0x98: {  	v0 =	vld [tilespmem:s9+$0x90];
	v7 =	vmul.f32 $1.131370830e+01, v10;
	[tilespmem:s0+$0x10] =	vst v1  }
0x99: {  	v1 =	vld [tilespmem:s9+$0x10];
	[tilespmem:s0+$0x30] =	vst v6  }
0x9a: {  	v10 =	vld [tilespmem:s9+$0xC0];
	v9 =	vmul.f32 $1.131370830e+01, v9;
	[tilespmem:s0+$0xB0] =	vst v2  }
0x9b: {  	v2 =	vld [tilespmem:s9+$0x0];
	[tilespmem:s0+$0x70] =	vst v4  }
0x9c: {  	v12 =	vld [tilespmem:s9+$0xB0];
	v3 =	vmul.f32 $1.131370830e+01, v3;
	[tilespmem:s0+$0x60] =	vst v5;
	s0 =	smov.u32 s9  }
0x9d: {  	v13 =	vld [tilespmem:s9+$0x50];
	[tilespmem:s9+$0xA0] =	vst v7  }
.Ltmp2:
0x9e: {  	v4 =	vmul.f32 $1.131370830e+01, v8;
	[tilespmem:s9+$0xD0] =	vst v3;
	v6 =	vld [tilespmem:s9+$0xF0];
	(pc) =	sbr.rel @p0 .LBB2_7-.Ltmp2, $4  }
0x9f: {  	v3 =	vld [tilespmem:s9+$0x80];
	v7 =	vmul.f32 $1.131370830e+01, v10;
	[tilespmem:s9+$0xE0] =	vst v9  }
0xa0: {  	v9 =	vmul.f32 $1.131370830e+01, v11;
	[tilespmem:s9+$0x40] =	vst v4;
	v4 =	vld [tilespmem:s9+$0x70]  }
0xa1: {  	v1 =	vmul.f32 $1.131370830e+01, v1;
	v8 =	vmul.f32 $1.131370830e+01, v2;
	v5 =	vld [tilespmem:s9+$0x60];
	[tilespmem:s9+$0xC0] =	vst v7  }
0xa2: {  	v2 =	vmul.f32 $1.131370830e+01, v12;
	s9 =	sadd.s32 $0x100, s9;
	[tilespmem:s0+$0x20] =	vst v9;
	v7 =	vld [tilespmem:s0+$0x30];
	v9 =	vmul.f32 $1.131370830e+01, v13  }
0xa3: {  	[tilespmem:s0+$0x0] =	vst v8  }
0xa4: {  	[tilespmem:s0+$0x10] =	vst v1  }
0xa5: {  	v6 =	vmul.f32 $1.131370830e+01, v6;
	[tilespmem:s0+$0x50] =	vst v9  }
0xa6: {  	v0 =	vmul.f32 $1.131370830e+01, v0;
	[tilespmem:s0+$0xB0] =	vst v2  }
0xa7: {  	v3 =	vmul.f32 $1.131370830e+01, v3;
	[tilespmem:s0+$0xF0] =	vst v6  }
0xa8: {  	[tilespmem:s0+$0x90] =	vst v0;
	v0 =	vmul.f32 $1.131370830e+01, v4  }
0xa9: {  	s1 =	sshll.u32 s1, $0xE;
	[tilespmem:s0+$0x80] =	vst v3;
	v1 =	vmul.f32 $1.131370830e+01, v5  }
0xaa: {  	s1 =	sadd.s32 s5, s1;
	v3 =	vmul.f32 $1.131370830e+01, v7;
	[tilespmem:s0+$0x70] =	vst v0  }
0xab: {  	p0 =	seq.s32 s29, $0x9;
	s1 =	sshrl.u32 s1, $0x3;
	[tilespmem:s0+$0x60] =	vst v1  }
0xac: {  	s9 =	sadd.s32 s3, s1;
	[tilespmem:s0+$0x30] =	vst v3;
	s0 =	smul.u32 @!p0 $0xA00, s29  }
0xad: {  	[hbm4b:s9+s4] =	stream.linear.scatter [tilespmem:s14], [sflag:$0x8], $0x4000, $0x38;
	[tilespmem:$0x15C00] =	vst v63  }
0xae: {  	_ =	swait.ge [sflag:s20], $0x4000  }
0xaf: {  	s7 =	simm.s32 @!p0 $0x80;
	s1 =	sshra.s32 @!p0 s0, $0x2;
	[sflag:s20] =	ssyncset.done $0x0  }
0xb0: {  	s9 =	simm.s32 @!p0 $0x1C00;
	s0 =	sadd.s32 @!p0 $0x280, s1;
	[sflag:s20] =	ssyncadd.s32 $0xFFFFC000  }
0xb1: {  	[tilespmem:s9], [sflag:$0x1] =	stream.indirect.gather @!p0 [hbm4b:s2+s7], $0x80, s0, s7, $0xb8;
	[tilespmem:$0x15C00] =	vst v63  }
0xb2: {  	_ =	swait.ge [sflag:s21], $0x4000  }
0xb3: {  	[sflag:s21] =	ssyncset.done $0x0  }
0xb4: {  	s0 =	simm.s32 $0xDC00;
	[sflag:s21] =	ssyncadd.s32 $0xFFFFC000  }
0xb5: {  	v1 =	vld [tilespmem:s0+$0xA0]  }
0xb6: {  	v2 =	vld [tilespmem:s0+$0x40]  }
0xb7: {  	v3 =	vld [tilespmem:s0+$0xE0]  }
0xb8: {  	v4 =	vld [tilespmem:s0+$0xD0]  }
0xb9: {  	v5 =	vld [tilespmem:s0+$0x20]  }
0xba: {  	v0 =	vld [tilespmem:s0+$0x90]  }
0xbb: {  	v8 =	vld [tilespmem:s0+$0xC0]  }
0xbc: {  	v7 =	vld [tilespmem:s0+$0x10]  }
0xbd: {  	v9 =	vld [tilespmem:s0+$0x0];
	v1 =	vmul.f32 $1.131370830e+01, v1  }
0xbe: {  	v11 =	vld [tilespmem:s0+$0x50];
	v4 =	vmul.f32 $1.131370830e+01, v4  }
0xbf: {  	v10 =	vld [tilespmem:s0+$0xB0];
	v12 =	vmul.f32 $1.131370830e+01, v5;
	[tilespmem:s0+$0xA0] =	vst v1  }
0xc0: {  	v6 =	vld [tilespmem:s0+$0xF0];
	v13 =	vmul.f32 $1.131370830e+01, v8;
	[tilespmem:s0+$0xD0] =	vst v4  }
0xc1: {  	v1 =	vmul.f32 $1.131370830e+01, v2;
	v2 =	vmul.f32 $1.131370830e+01, v3;
	v3 =	vld [tilespmem:s0+$0x80];
	[tilespmem:s0+$0x20] =	vst v12  }
0xc2: {  	v4 =	vld [tilespmem:s0+$0x70];
	[tilespmem:s0+$0xC0] =	vst v13  }
0xc3: {  	v8 =	vmul.f32 $1.131370830e+01, v9;
	v5 =	vld [tilespmem:s0+$0x60];
	v9 =	vmul.f32 $1.131370830e+01, v11;
	[tilespmem:s0+$0x40] =	vst v1  }
0xc4: {  	s7 =	simm.s32 $0x0;
	s9 =	simm.s32 $0xDD00;
	[tilespmem:s0+$0xE0] =	vst v2;
	v1 =	vmul.f32 $1.131370830e+01, v7;
	v7 =	vld [tilespmem:s0+$0x30];
	v2 =	vmul.f32 $1.131370830e+01, v10  }
.LBB2_9:
0xc5: {  	v10 =	vld [tilespmem:s9+$0xA0];
	s7 =	sadd.s32 $0x2, s7;
	[tilespmem:s0+$0x0] =	vst v8;
	v0 =	vmul.f32 $1.131370830e+01, v0;
	v6 =	vmul.f32 $1.131370830e+01, v6  }
0xc6: {  	v8 =	vld [tilespmem:s9+$0x40];
	p1 =	slt.u32 s7, $0x7E;
	[tilespmem:s0+$0x50] =	vst v9;
	v3 =	vmul.f32 $1.131370830e+01, v3  }
0xc7: {  	v9 =	vld [tilespmem:s9+$0xE0];
	v4 =	vmul.f32 $1.131370830e+01, v4;
	[tilespmem:s0+$0xF0] =	vst v6  }
0xc8: {  	v11 =	vld [tilespmem:s9+$0x20];
	v5 =	vmul.f32 $1.131370830e+01, v5;
	[tilespmem:s0+$0x80] =	vst v3  }
0xc9: {  	v3 =	vld [tilespmem:s9+$0xD0];
	v6 =	vmul.f32 $1.131370830e+01, v7;
	[tilespmem:s0+$0x90] =	vst v0  }
0xca: {  	v0 =	vld [tilespmem:s9+$0x90];
	v7 =	vmul.f32 $1.131370830e+01, v10;
	[tilespmem:s0+$0x10] =	vst v1  }
0xcb: {  	v1 =	vld [tilespmem:s9+$0x10];
	[tilespmem:s0+$0x30] =	vst v6  }
0xcc: {  	v10 =	vld [tilespmem:s9+$0xC0];
	v9 =	vmul.f32 $1.131370830e+01, v9;
	[tilespmem:s0+$0xB0] =	vst v2  }
0xcd: {  	v2 =	vld [tilespmem:s9+$0x0];
	[tilespmem:s0+$0x70] =	vst v4  }
0xce: {  	v12 =	vld [tilespmem:s9+$0xB0];
	v3 =	vmul.f32 $1.131370830e+01, v3;
	[tilespmem:s0+$0x60] =	vst v5;
	s0 =	smov.u32 s9  }
0xcf: {  	v13 =	vld [tilespmem:s9+$0x50];
	[tilespmem:s9+$0xA0] =	vst v7  }
.Ltmp3:
0xd0: {  	v4 =	vmul.f32 $1.131370830e+01, v8;
	[tilespmem:s9+$0xD0] =	vst v3;
	v6 =	vld [tilespmem:s9+$0xF0];
	(pc) =	sbr.rel @p1 .LBB2_9-.Ltmp3, $4  }
0xd1: {  	v3 =	vld [tilespmem:s9+$0x80];
	v7 =	vmul.f32 $1.131370830e+01, v10;
	[tilespmem:s9+$0xE0] =	vst v9  }
0xd2: {  	v9 =	vmul.f32 $1.131370830e+01, v11;
	[tilespmem:s9+$0x40] =	vst v4;
	v4 =	vld [tilespmem:s9+$0x70]  }
0xd3: {  	v1 =	vmul.f32 $1.131370830e+01, v1;
	v8 =	vmul.f32 $1.131370830e+01, v2;
	v5 =	vld [tilespmem:s9+$0x60];
	[tilespmem:s9+$0xC0] =	vst v7  }
0xd4: {  	v2 =	vmul.f32 $1.131370830e+01, v12;
	s9 =	sadd.s32 $0x100, s9;
	[tilespmem:s0+$0x20] =	vst v9;
	v7 =	vld [tilespmem:s0+$0x30];
	v9 =	vmul.f32 $1.131370830e+01, v13  }
0xd5: {  	[tilespmem:s0+$0x0] =	vst v8  }
0xd6: {  	[tilespmem:s0+$0x10] =	vst v1  }
0xd7: {  	v6 =	vmul.f32 $1.131370830e+01, v6;
	[tilespmem:s0+$0x50] =	vst v9  }
0xd8: {  	v0 =	vmul.f32 $1.131370830e+01, v0;
	[tilespmem:s0+$0xB0] =	vst v2  }
0xd9: {  	v3 =	vmul.f32 $1.131370830e+01, v3;
	[tilespmem:s0+$0xF0] =	vst v6  }
0xda: {  	[tilespmem:s0+$0x90] =	vst v0;
	v0 =	vmul.f32 $1.131370830e+01, v4  }
0xdb: {  	s7 =	sshll.u32 s30, $0xE;
	[tilespmem:s0+$0x80] =	vst v3;
	v1 =	vmul.f32 $1.131370830e+01, v5  }
0xdc: {  	s7 =	sadd.s32 s5, s7;
	v3 =	vmul.f32 $1.131370830e+01, v7;
	[tilespmem:s0+$0x70] =	vst v0  }
0xdd: {  	s7 =	sshrl.u32 s7, $0x3;
	[tilespmem:s0+$0x60] =	vst v1  }
0xde: {  	s30 =	sadd.s32 s3, s7;
	[tilespmem:s0+$0x30] =	vst v3  }
0xdf: {  	[hbm4b:s30+s4] =	stream.linear.scatter [tilespmem:s16], [sflag:$0x9], $0x4000, $0x38;
	[tilespmem:$0x15C00] =	vst v63  }
0xe0: {  	_ =	swait.ge [sflag:s22], $0x4000  }
0xe1: {  	s7 =	simm.s32 @!p0 $0x5C00;
	[sflag:s22] =	ssyncset.done $0x0  }
0xe2: {  	s0 =	sadd.s32 @!p0 $0x300, s1;
	s1 =	simm.s32 @!p0 $0x80;
	[sflag:s22] =	ssyncadd.s32 $0xFFFFC000  }
0xe3: {  	[tilespmem:s7], [sflag:$0x2] =	stream.indirect.gather @!p0 [hbm4b:s2+s1], $0x80, s0, s1, $0xb8;
	[tilespmem:$0x15C00] =	vst v63  }
0xe4: {  	_ =	swait.ge [sflag:s23], $0x4000  }
0xe5: {  	[sflag:s23] =	ssyncset.done $0x0  }
0xe6: {  	s0 =	simm.s32 $0x11C00;
	[sflag:s23] =	ssyncadd.s32 $0xFFFFC000  }
0xe7: {  	v1 =	vld [tilespmem:s0+$0xA0]  }
0xe8: {  	v2 =	vld [tilespmem:s0+$0x40]  }
0xe9: {  	v3 =	vld [tilespmem:s0+$0xE0]  }
0xea: {  	v4 =	vld [tilespmem:s0+$0xD0]  }
0xeb: {  	v5 =	vld [tilespmem:s0+$0x20]  }
0xec: {  	v0 =	vld [tilespmem:s0+$0x90]  }
0xed: {  	v8 =	vld [tilespmem:s0+$0xC0]  }
0xee: {  	v7 =	vld [tilespmem:s0+$0x10]  }
0xef: {  	v9 =	vld [tilespmem:s0+$0x0];
	v1 =	vmul.f32 $1.131370830e+01, v1  }
0xf0: {  	v11 =	vld [tilespmem:s0+$0x50];
	v4 =	vmul.f32 $1.131370830e+01, v4  }
0xf1: {  	v10 =	vld [tilespmem:s0+$0xB0];
	v12 =	vmul.f32 $1.131370830e+01, v5;
	[tilespmem:s0+$0xA0] =	vst v1  }
0xf2: {  	v6 =	vld [tilespmem:s0+$0xF0];
	v13 =	vmul.f32 $1.131370830e+01, v8;
	[tilespmem:s0+$0xD0] =	vst v4  }
0xf3: {  	v1 =	vmul.f32 $1.131370830e+01, v2;
	v2 =	vmul.f32 $1.131370830e+01, v3;
	v3 =	vld [tilespmem:s0+$0x80];
	[tilespmem:s0+$0x20] =	vst v12  }
0xf4: {  	v4 =	vld [tilespmem:s0+$0x70];
	[tilespmem:s0+$0xC0] =	vst v13  }
0xf5: {  	v8 =	vmul.f32 $1.131370830e+01, v9;
	v5 =	vld [tilespmem:s0+$0x60];
	v9 =	vmul.f32 $1.131370830e+01, v11;
	[tilespmem:s0+$0x40] =	vst v1  }
0xf6: {  	s1 =	simm.s32 $0x0;
	s7 =	simm.s32 $0x11D00;
	[tilespmem:s0+$0xE0] =	vst v2;
	v1 =	vmul.f32 $1.131370830e+01, v7;
	v7 =	vld [tilespmem:s0+$0x30];
	v2 =	vmul.f32 $1.131370830e+01, v10  }
.LBB2_11:
0xf7: {  	v10 =	vld [tilespmem:s7+$0xA0];
	s1 =	sadd.s32 $0x2, s1;
	[tilespmem:s0+$0x0] =	vst v8;
	v0 =	vmul.f32 $1.131370830e+01, v0;
	v6 =	vmul.f32 $1.131370830e+01, v6  }
0xf8: {  	v8 =	vld [tilespmem:s7+$0x40];
	p0 =	slt.u32 s1, $0x7E;
	[tilespmem:s0+$0x50] =	vst v9;
	v3 =	vmul.f32 $1.131370830e+01, v3  }
0xf9: {  	v9 =	vld [tilespmem:s7+$0xE0];
	v4 =	vmul.f32 $1.131370830e+01, v4;
	[tilespmem:s0+$0xF0] =	vst v6  }
0xfa: {  	v11 =	vld [tilespmem:s7+$0x20];
	v5 =	vmul.f32 $1.131370830e+01, v5;
	[tilespmem:s0+$0x80] =	vst v3  }
0xfb: {  	v3 =	vld [tilespmem:s7+$0xD0];
	v6 =	vmul.f32 $1.131370830e+01, v7;
	[tilespmem:s0+$0x90] =	vst v0  }
0xfc: {  	v0 =	vld [tilespmem:s7+$0x90];
	v7 =	vmul.f32 $1.131370830e+01, v10;
	[tilespmem:s0+$0x10] =	vst v1  }
0xfd: {  	v1 =	vld [tilespmem:s7+$0x10];
	[tilespmem:s0+$0x30] =	vst v6  }
0xfe: {  	v10 =	vld [tilespmem:s7+$0xC0];
	v9 =	vmul.f32 $1.131370830e+01, v9;
	[tilespmem:s0+$0xB0] =	vst v2  }
0xff: {  	v2 =	vld [tilespmem:s7+$0x0];
	[tilespmem:s0+$0x70] =	vst v4  }
0x100: {  	v12 =	vld [tilespmem:s7+$0xB0];
	v3 =	vmul.f32 $1.131370830e+01, v3;
	[tilespmem:s0+$0x60] =	vst v5;
	s0 =	smov.u32 s7  }
0x101: {  	v13 =	vld [tilespmem:s7+$0x50];
	[tilespmem:s7+$0xA0] =	vst v7  }
.Ltmp4:
0x102: {  	v4 =	vmul.f32 $1.131370830e+01, v8;
	[tilespmem:s7+$0xD0] =	vst v3;
	v6 =	vld [tilespmem:s7+$0xF0];
	(pc) =	sbr.rel @p0 .LBB2_11-.Ltmp4, $4  }
0x103: {  	v3 =	vld [tilespmem:s7+$0x80];
	v7 =	vmul.f32 $1.131370830e+01, v10;
	[tilespmem:s7+$0xE0] =	vst v9  }
0x104: {  	v9 =	vmul.f32 $1.131370830e+01, v11;
	[tilespmem:s7+$0x40] =	vst v4;
	v4 =	vld [tilespmem:s7+$0x70]  }
0x105: {  	v1 =	vmul.f32 $1.131370830e+01, v1;
	v8 =	vmul.f32 $1.131370830e+01, v2;
	v5 =	vld [tilespmem:s7+$0x60];
	[tilespmem:s7+$0xC0] =	vst v7  }
0x106: {  	v2 =	vmul.f32 $1.131370830e+01, v12;
	s7 =	sadd.s32 $0x100, s7;
	[tilespmem:s0+$0x20] =	vst v9;
	v7 =	vld [tilespmem:s0+$0x30];
	v9 =	vmul.f32 $1.131370830e+01, v13  }
0x107: {  	[tilespmem:s0+$0x0] =	vst v8  }
0x108: {  	[tilespmem:s0+$0x10] =	vst v1  }
0x109: {  	v6 =	vmul.f32 $1.131370830e+01, v6;
	[tilespmem:s0+$0x50] =	vst v9  }
0x10a: {  	v0 =	vmul.f32 $1.131370830e+01, v0;
	[tilespmem:s0+$0xB0] =	vst v2  }
0x10b: {  	s29 =	sadd.s32 $0x1, s29;
	v3 =	vmul.f32 $1.131370830e+01, v3;
	[tilespmem:s0+$0xF0] =	vst v6  }
0x10c: {  	p0 =	sne.s32 s29, $0xA;
	[tilespmem:s0+$0x90] =	vst v0;
	v62 =	vmul.f32 $1.131370830e+01, v4  }
.Ltmp5:
0x10d: {  	s1 =	sshll.u32 s31, $0xE;
	[tilespmem:s0+$0x80] =	vst v3;
	v63 =	vmul.f32 $1.131370830e+01, v5;
	(pc) =	sbr.rel @p0 .LBB2_2-.Ltmp5, $4  }
0x10e: {  	s1 =	sadd.s32 s5, s1;
	v61 =	vmul.f32 $1.131370830e+01, v7;
	[tilespmem:s0+$0x70] =	vst v62  }
0x10f: {  	s1 =	sshrl.u32 s1, $0x3;
	[tilespmem:s0+$0x60] =	vst v63  }
0x110: {  	s31 =	sadd.s32 s3, s1;
	[tilespmem:s0+$0x30] =	vst v61  }
0x111: {  	[hbm4b:s31+s4] =	stream.linear.scatter [tilespmem:s18], [sflag:$0xA], $0x4000, $0x38;
	[tilespmem:$0x15C00] =	vst v63  }
0x112: {  	_ =	swait.ge [sflag:s24], $0x4000  }
0x113: {  	[sflag:s24] =	ssyncset.done $0x0  }
0x114: {  	[sflag:s24] =	ssyncadd.s32 $0xFFFFC000  }
0x115: {  	_ =	swait.ge [sflag:s25], $0x4000  }
0x116: {  	[sflag:s25] =	ssyncset.done $0x0  }
0x117: {  	[sflag:s25] =	ssyncadd.s32 $0xFFFFC000  }
0x118: {  	_ =	swait.ge [sflag:s26], $0x4000  }
0x119: {  	s28 =	sadd.s32 $0x1, s28;
	s0 =	rddreg [dreg:$0x5]  }
0x11a: {  	p0 =	sne.s32 s28, s0  }
.Ltmp6:
0x11b: {  	_ = 	snop;
	(pc) =	sbr.rel @p0 .LBB2_1-.Ltmp6, $3  }
0x11c: {  	_ =	sdelay $0x1  }
0x11d: {  	[sflag:s26] =	ssyncset.done $0x0  }
0x11e: {  	[sflag:s26] =	ssyncadd.s32 $0xFFFFC000  }
0x11f: {  	_ =	sfence.sel $0x180000  }
0x120: {  	[bflag:$0x0] =	sbarrier.arrive $0xFFFF  }
0x121: {  	_ =	strace $0x90000047  }
0x122: {  	s0 =	stileid.u32;
	[bflag:$0x2] =	sbarrier.arrive $0xFFFF  }
0x123: {  	p0 =	sne.s32 s0, $0x0;
	s0 =	rddreg [dreg:$0x3]  }
0x124: {  	s0 =	sadd.s32 @!p0 $0x100000, s0  }
0x125: {  	[sflag:s0] =	ssyncadd.tile.s32 @!p0 $0x1;
	_ =	shalt  }
.Lfunc_end2:
_tile_overlayer_lowered:
.L_overlay_start_2:
0x126: {  	(tag) =	ssettag $0x2  }
0x127: {  	s0 =	rddreg [dreg:$0x0];
	s2 =	stileid.u32  }
0x128: {  	s1 =	rddreg [dreg:$0x1];
	p0 =	sne.s32 s2, $0x0  }
0x129: {  	s3 =	rddreg [dreg:$0x2];
	[bflag:$0x3] =	sbarrier.arrive $0xFFFF;
	s2 =	simm.s32 @!p0 $0x1C0B  }
0x12a: {  	[timem:s3], [sflag:s2] =	dma.local @!p0 [hbm:s0], s1  }
0x12b: {  	s0 =	simm.s32 @!p0 $0xB  }
0x12c: {  	_ =	swait.ge @!p0 [sflag:s0], s1  }
0x12d: {  	s1 =	ssub.s32 @!p0 $0x0, s1;
	[sflag:s0] =	ssyncset.done @!p0 $0x0  }
0x12e: {  	[sflag:s0] =	ssyncadd.s32 @!p0 s1  }
0x12f: {  	[bflag:$0x3] =	sbarrier.arrive $0xFFFF  }
0x130: {  	_ =	shalt  }

// kernel: sparse-core-data-format-call.cloned.1.call-start
scs
called_computation_lowered:
.L_overlay_start_0:
0x0: {  	s2 =	sld [smem:$0x3FD9]  }
0x1: {  	s3 =	sld [smem:$0x3FFE];
	_ =	sdelay $0x1  }
0x2: {  	s1 =	srdreg.scid  }
0x3: {  	s0 =	sand.u32 $0x1, s1  }
0x4: {  	s18 =	sshll.u32 s0, $0xA;
	s2 =	sadd.s32 s3, s2  }
0x5: {  	s2 =	sadd.s32 s2, s18  }
0x6: {  	[smem:$0x3FC6] =	sst s2  }
0x7: {  	_ = 	snop  }
0x8: {  	s2 =	sld [smem:$0x3FD0];
	(tm) =	ssettm $0x1  }
0x9: {  	s19 =	sld [smem:$0x3FFB];
	_ =	sdelay $0x3  }
0xa: {  	_ =	strace s19  }
0xb: {  	s3 =	sld [smem:$0x3FFC];
	_ =	sdelay $0x3  }
0xc: {  	_ =	strace s3  }
0xd: {  	s3 =	sld [smem:$0x3FFD];
	_ =	sdelay $0x3  }
0xe: {  	_ =	strace s3  }
0xf: {  	_ =	strace $0x8FFFFFFF  }
0x10: {  	s20 =	sld [smem:$0x3FDB];
	_ =	sdelay $0x1  }
0x11: {  	s4 =	simm.s32 $_scs_section_size  }
0x12: {  	s5 =	simm.s32 $_size__tile_overlayer_lowered;
	s6 =	simm.s32 $_tile_overlayer_lowered  }
0x13: {  	s23 =	simm.s32 $0x1BFF;
	s22 =	sshll.u32 s6, $0x1;
	s3 =	sadd.s32 s4, s20  }
0x14: {  	s7 =	simm.s32 $0x0;
	s21 =	sshll.u32 s5, $0x1;
	s5 =	sadd.s32 s22, s3  }
0x15: {  	[timem:s7], [sflag:s23] =	dma.local [hbm:s5], s21  }
0x16: {  	_ =	swait.ge [sflag:s23], s21  }
0x17: {  	s4 =	ssub.s32 $0x0, s21;
	[sflag:s23] =	ssyncset.done $0x0  }
0x18: {  	[sflag:s23] =	ssyncadd.s32 s4;
	_ =	sdelay $0x1  }
0x19: {  	s24 =	simm.s32 $0x1B8B  }
0x1a: {  	_ =	swait.ge [sflag:s24], $0x1  }
0x1b: {  	[sflag:s24] =	ssyncset.done $0x0  }
0x1c: {  	s26 =	simm.s32 $0x1B8E;
	s25 =	sld [smem:$0x3FFE];
	[sflag:s24] =	ssyncadd.s32 $0xFFFFFFFF  }
0x1d: {  	s27 =	simm.s32 $execute0_lowered;
	[smem:$0x3FD2] =	sst s26  }
0x1e: {  	s5 =	sshll.u32 s27, $0x1;
	_ =	strace $0x80000049;
	[dreg:$0x1] =	wrdreg $0xFFFFFFFF  }
0x1f: {  	s28 =	simm.s32 $_size_execute0_lowered;
	s3 =	sadd.s32 s3, s5;
	[dreg:$0x0] =	wrdreg $0x0  }
0x20: {  	s5 =	sshll.u32 s28, $0x1;
	[dreg:$0x2] =	wrdreg s3  }
0x21: {  	[dreg:$0x3] =	wrdreg s5  }
0x22: {  	[dreg:$0x4] =	wrdreg $0xC0  }
0x23: {  	_ =	task [dreg:s7], $0x5FFFF  }
0x24: {  	[dreg:$0x1] =	wrdreg $0xFFFFFFFF  }
0x25: {  	[dreg:$0x0] =	wrdreg $0x60  }
0x26: {  	[dreg:$0x2] =	wrdreg s25  }
0x27: {  	[dreg:$0x3] =	wrdreg s2  }
0x28: {  	[dreg:$0x4] =	wrdreg $0x9  }
0x29: {  	_ =	task.clear_ibuf [dreg:s7], $0x5FFFF;
	_ =	strace $0x90000049  }
0x2a: {  	s29 =	simm.s32 $0x9;
	_ =	strace $0x8000004B  }
0x2b: {  	_ =	swait.ge [sflag:s29], $0x1  }
0x2c: {  	[sflag:s29] =	ssyncadd.s32 $0xFFFFFFFF  }
0x2d: {  	_ =	strace $0x9000004B  }
0x2e: {  	_ =	sfence  }
0x2f: {  	s30 =	sld [smem:$0x0];
	_ =	sdelay $0x2  }
0x30: {  	s31 =	sshll.u32 s1, $0xD;
	s1 =	sshrl.u32 s1, $0x2  }
0x31: {  	s3 =	sand.u32 $0x4000, s31;
	s1 =	sadd.s32 s1, s30  }
0x32: {  	s0 =	sor.u32 s3, s0;
	s1 =	sshll.u32 s1, $0x11  }
0x33: {  	s0 =	sor.u32 s1, s0  }
0x34: {  	s0 =	sadd.s32 $0x8F2B, s0  }
0x35: {  	[sflag:s0] =	ssyncadd.remote.s32 $0x1  }
0x36: {  	_ =	sfence.sel $0xFFFF  }
0x37: {  	[dreg:$0x0] =	wrdreg $0xFFFFFFFF;
	(pc) =	sbr.abs _section_cstart, $3  }
0x38: {  	[dreg:$0x1] =	wrdreg $0xFFFFFFFF  }
0x39: {  	_ =	task.clear_ibuf [dreg:s7], $0x2FFFF;
	_ =	strace $0x9FFFFFFF  }
0x3a: {  	(tm) =	ssettm $0x7FFFFFFF  }
0x3b: {  	_ =	shalt  }
tec
execute0_lowered:
.L_overlay_start_1:
0x0: {  	(tag) =	ssettag $0x1  }
0x1: {  	s0 =	srdreg.scid  }
0x2: {  	s1 =	sshll.u32 s0, $0x4  }
0x3: {  	s0 =	stileid.u32;
	s1 =	sand.u32 $0x10, s1  }
0x4: {  	s1 =	sor.u32 s0, s1  }
0x5: {  	s6 =	rddreg [dreg:$0x0];
	s4 =	simm.s32 $0x1;
	s2 =	sshll.u32 s1, $0x6  }
0x6: {  	s7 =	simm.s32 $0x2;
	s13 =	simm.s32 $0x0;
	s1 =	ssub.s32 $0x1000, s2  }
0x7: {  	s8 =	simm.s32 $0x2000;
	s9 =	simm.s32 $0x80000;
	s3 =	sand.u32 $0x7C0, s1  }
0x8: {  	s14 =	simm.s32 $0x0;
	s5 =	sshrl.u32 s1, $0xB;
	p0 =	sne.s32 s3, $0x0  }
.Ltmp0:
0x9: {  	s1 =	rddreg [dreg:$0x2];
	s4 =	simm.s32 @!p0 $0x0;
	(pc) =	sbr.rel .LBB1_1-.Ltmp0, $4  }
0xa: {  	s10 =	simm.s32 $0x0;
	s3 =	rddreg [dreg:$0x1];
	s5 =	sadd.s32 s4, s5  }
0xb: {  	_ =	strace $0x8000004A;
	s4 =	simm.s32 $0x1;
	s5 =	smul.u32 $0x19, s5  }
0xc: {  	s12 =	simm.s32 $0x0;
	s6 =	sadd.s32 $0x800, s6;
	[sflag:s4] =	ssyncpa.u1 $0x0  }
0xd: {  	s11 =	smov.u32 s2;
	[sflag:s7] =	ssyncpa.u1 $0x0;
	s7 =	sadd.s32 $0x1, s5  }
.LBB1_7:
0xe: {  	s15 =	sadd.s32 $0x2, s10  }
0xf: {  	s13 =	sadd.s32 $0x800, s11;
	s17 =	smov.u32 s11;
	p1 =	sgt.s32 s15, $0x31  }
0x10: {  	s17 =	smov.u32 @p1 s13  }
0x11: {  	s15 =	simm.s32 @p1 $0x0;
	p1 =	sgt.s32 s17, $0xFFF  }
0x12: {  	s17 =	smov.u32 @p1 s2;
	p1 =	sne.s32 s12, s7  }
.Ltmp1:
0x13: {  	p0 =	slt.u32 s12, $0x2;
	(pc) =	sbr.rel @!p1 .LBB1_8-.Ltmp1, $4  }
0x14: {  	s16 =	simm.s32 @!p0 $0x2  }
0x15: {  	s14 =	smov.u32 s11;
	_ =	swait.ge @!p0 [sflag:s16], $0x4000  }
0x16: {  	s13 =	smov.u32 s10;
	[sflag:s16] =	ssyncset.done @!p0 $0x0;
	s10 =	smov.u32 s15  }
0x17: {  	s12 =	sadd.s32 $0x1, s12;
	[sflag:s16] =	ssyncadd.s32 @!p0 $0xFFFFC000;
	s11 =	smov.u32 s17  }
.LBB1_1:
0x18: {  	p0 =	sge.u32 s12, s5  }
0x19: {  	s15 =	sand.u32 @!p0 $0x1FFFFFF, s10  }
0x1a: {  	s16 =	smulhi.u32 @!p0 $0x4924925, s15;
	_ =	sdelay $0x1  }
0x1b: {  	s16 =	smul.u32 @!p0 $0x38, s16  }
0x1c: {  	s17 =	sxor.u32 @!p0 $0xFFFFFFFF, s12;
	s18 =	smul.u32 @!p0 $0x380, s11  }
0x1d: {  	s31 =	sadd.s32 $0xFFFFFFFF, s12;
	s17 =	sshll.u32 @!p0 s17, $0xE;
	s15 =	ssub.s32 @!p0 s15, s16  }
0x1e: {  	s16 =	sand.u32 @!p0 $0x4000, s17;
	s17 =	sadd.s32 @!p0 s6, s18;
	s15 =	sshll.u32 @!p0 s15, $0x4  }
0x1f: {  	s18 =	simm.s32 @!p0 $0x1C00;
	s15 =	sadd.s32 @!p0 s15, s17;
	s17 =	simm.s32 @!p0 $0x100  }
0x20: {  	[tilespmem:s16], [sflag:$0x1] =	stream.strided.gather @!p0 [hbm4b:s15+s17], $0x4000, s18, s17, $0x38;
	[tilespmem:$0x10000] =	vst v63  }
0x21: {  	p0 =	sge.u32 s31, s5  }
.Ltmp2:
0x22: {  	_ = 	snop;
	(pc) =	sbr.rel @p0 .LBB1_7-.Ltmp2, $1  }
0x23: {  	_ =	sdelay $0x3  }
0x24: {  	_ =	swait.ge [sflag:s4], $0x4000;
	s15 =	sshll.u32 s12, $0xE  }
0x25: {  	[sflag:s4] =	ssyncset.done $0x0;
	s16 =	sand.u32 $0x4000, s15  }
0x26: {  	s17 =	simm.s32 $0x0;
	[sflag:s4] =	ssyncadd.s32 $0xFFFFC000;
	s15 =	sor.u32 $0x8000, s16  }
.LBB1_3:
0x27: {  	s18 =	sshll.u32 s17, $0x8  }
0x28: {  	s18 =	sand.u32 $0x3FFFFF00, s18  }
0x29: {  	s19 =	sshll.u32 s17, $0x7;
	s18 =	sadd.s32 s18, s16  }
0x2a: {  	s19 =	sand.u32 $0x3FFFFF80, s19;
	v0 =	vmov s18  }
0x2b: {  	s19 =	sadd.s32 s19, s15  }
0x2c: {  	p0 =	por $0x1, $0x1;
	v1 =	vmov s19;
	s18 =	simm.s32 $0x0  }
.LBB1_4:
0x2d: {  	s19 =	sshll.u32 s18, $0x7  }
0x2e: {  	s19 =	sand.u32 $0x3FFFFF80, s19  }
0x2f: {  	v2 =	vld.idx.msk [tilespmem:v0+s19+$0x0 ss:$0x1], $0xffff  }
0x30: {  	v3 =	vld.idx.msk [tilespmem:v0+s19+$0x10 ss:$0x1], $0xffff  }
0x31: {  	v4 =	vld.idx.msk [tilespmem:v0+s19+$0x20 ss:$0x1], $0xffff  }
0x32: {  	s31 =	sshll.u32 s18, $0xD;
	v5 =	vld.idx.msk [tilespmem:v0+s19+$0x30 ss:$0x1], $0xffff  }
0x33: {  	s18 =	sand.u32 $0x3FFFE000, s31;
	v6 =	vld.idx.msk [tilespmem:v0+s19+$0x40 ss:$0x1], $0xffff  }
0x34: {  	v63 =	vld.idx.msk [tilespmem:v0+s19+$0x70 ss:$0x1], $0xffff;
	[tilespmem:v1+s18+$0x0 ss:$0x1] =	vst.idx.msk $0xffff, v2  }
0x35: {  	v2 =	vld.idx.msk [tilespmem:v0+s19+$0x50 ss:$0x1], $0xffff;
	[tilespmem:v1+s18+$0x10 ss:$0x1] =	vst.idx.msk $0xffff, v3  }
0x36: {  	p1 =	por p0, p0;
	v3 =	vld.idx.msk [tilespmem:v0+s19+$0x60 ss:$0x1], $0xffff;
	[tilespmem:v1+s18+$0x20 ss:$0x1] =	vst.idx.msk $0xffff, v4  }
.Ltmp3:
0x37: {  	[tilespmem:v1+s18+$0x30 ss:$0x1] =	vst.idx.msk $0xffff, v5;
	(pc) =	sbr.rel @p1 .LBB1_4-.Ltmp3, $4  }
0x38: {  	[tilespmem:v1+s18+$0x40 ss:$0x1] =	vst.idx.msk $0xffff, v6  }
0x39: {  	[tilespmem:v1+s18+$0x70 ss:$0x1] =	vst.idx.msk $0xffff, v63  }
0x3a: {  	[tilespmem:v1+s18+$0x50 ss:$0x1] =	vst.idx.msk $0xffff, v2  }
0x3b: {  	p0 =	por $0x0, $0x0;
	[tilespmem:v1+s18+$0x60 ss:$0x1] =	vst.idx.msk $0xffff, v3;
	s18 =	simm.s32 $0x1  }
0x3c: {  	s17 =	sadd.s32 $0x1, s17  }
0x3d: {  	p0 =	sne.s32 s17, $0x40  }
.Ltmp4:
0x3e: {  	_ = 	snop;
	(pc) =	sbr.rel @p0 .LBB1_3-.Ltmp4, $1  }
0x3f: {  	_ =	sdelay $0x3  }
.Ltmp5:
0x40: {  	s14 =	sshll.u32 s14, $0x4;
	(pc) =	sbr.rel .LBB1_7-.Ltmp5, $4  }
0x41: {  	s14 =	sand.u32 $0xFFF0, s14  }
0x42: {  	s13 =	sshll.u32 s13, $0x10;
	s14 =	sadd.s32 s3, s14  }
0x43: {  	s13 =	sadd.s32 s13, s14  }
0x44: {  	[hbm4b:s13+s8] =	stream.strided.scatter [tilespmem:s15], [sflag:$0x2], $0x4000, s9, s8, $0x38;
	[tilespmem:$0x10000] =	vst v63  }
.LBB1_8:
0x45: {  	_ =	sfence.sel $0x180000  }
0x46: {  	s2 =	simm.s32 $0x1;
	[bflag:$0x0] =	sbarrier.arrive $0xFFFF  }
0x47: {  	s31 =	simm.s32 $0x2;
	[sflag:s2] =	ssyncpa.u1 $0x1  }
0x48: {  	[sflag:s31] =	ssyncpa.u1 $0x1  }
0x49: {  	p0 =	sne.s32 s0, $0x0;
	_ =	strace $0x9000004A  }
0x4a: {  	s0 =	sadd.s32 @!p0 $0x100000, s1;
	[bflag:$0x2] =	sbarrier.arrive $0xFFFF  }
0x4b: {  	[sflag:s0] =	ssyncadd.tile.s32 @!p0 $0x1;
	_ =	shalt  }
.Lfunc_end1:
_tile_overlayer_lowered:
.L_overlay_start_2:
0x4c: {  	(tag) =	ssettag $0x2  }
0x4d: {  	s0 =	rddreg [dreg:$0x0];
	s2 =	stileid.u32  }
0x4e: {  	s1 =	rddreg [dreg:$0x1];
	p0 =	sne.s32 s2, $0x0  }
0x4f: {  	s3 =	rddreg [dreg:$0x2];
	[bflag:$0x3] =	sbarrier.arrive $0xFFFF;
	s2 =	simm.s32 @!p0 $0x1C01  }
0x50: {  	[timem:s3], [sflag:s2] =	dma.local @!p0 [hbm:s0], s1  }
0x51: {  	s0 =	simm.s32 @!p0 $0x1  }
0x52: {  	_ =	swait.ge @!p0 [sflag:s0], s1  }
0x53: {  	s1 =	ssub.s32 @!p0 $0x0, s1;
	[sflag:s0] =	ssyncset.done @!p0 $0x0  }
0x54: {  	[sflag:s0] =	ssyncadd.s32 @!p0 s1  }
0x55: {  	[bflag:$0x3] =	sbarrier.arrive $0xFFFF  }
0x56: {  	_ =	shalt  }

</sc_bundles>
